<compile_context>
chip_gen: v7x
topology: tpu7x:2x2x1
jax: 0.10.2.dev20260603
libtpu: 0.0.44.dev20260713+nightly
codegen_flags: <defaults>
</compile_context>

<pallas_src>
import functools

import jax
import jax.numpy as jnp
from jax import lax
from jax.experimental import pallas as pl
from jax.experimental.pallas import tpu as pltpu
from jax.experimental.pallas import tpu_sc as plsc

LANES = 16
NUM_CORES = 2
NUM_SUBCORES = 16
NW = NUM_CORES * NUM_SUBCORES

SUPER = 200
GPARTS = (80, 80, 40)
NBUF = 2


def _score_body(ew, supers, dim,
                node_hbm, edge_hbm, src_hbm, dst_hbm, out_hbm,
                idx_s, idx_d, head, tail, rel, outb, sem0, sem1, osem0, osem1):
    wpr = dim // 2
    base = (lax.axis_index("s") * NUM_CORES + lax.axis_index("c")) * ew
    sems = (sem0, sem1)
    osems = (osem0, osem1)

    pltpu.sync_copy(src_hbm.at[pl.ds(base, ew)], idx_s)
    pltpu.sync_copy(dst_hbm.at[pl.ds(base, ew)], idx_d)

    def issue(c, b):
        off = c * SUPER
        part = 0
        for g in GPARTS:
            pltpu.async_copy(node_hbm.at[idx_s.at[pl.ds(off + part, g)]],
                             head.at[b, pl.ds(part, g)], sems[b])
            pltpu.async_copy(node_hbm.at[idx_d.at[pl.ds(off + part, g)]],
                             tail.at[b, pl.ds(part, g)], sems[b])
            part += g
        pltpu.async_copy(edge_hbm.at[pl.ds(base + off, SUPER)],
                         rel.at[b], sems[b])

    def drain(b):
        for g in GPARTS:
            pltpu.make_async_copy(node_hbm.at[pl.ds(0, g)],
                                  head.at[b, pl.ds(0, g)], sems[b]).wait()
            pltpu.make_async_copy(node_hbm.at[pl.ds(0, g)],
                                  tail.at[b, pl.ds(0, g)], sems[b]).wait()
        pltpu.make_async_copy(edge_hbm.at[pl.ds(0, SUPER)],
                              rel.at[b], sems[b]).wait()

    def drain_out(b):
        pltpu.make_async_copy(out_hbm.at[pl.ds(0, SUPER)],
                              outb.at[b, pl.ds(0, SUPER)], osems[b]).wait()

    lane = lax.iota(jnp.int32, LANES)
    perms = [lane ^ sh for sh in (1, 2, 4, 8)]
    lane0 = lane == 0

    def compute(c, b):
        @plsc.parallel_loop(0, SUPER, step=1, unroll=4)
        def edge_body(e):
            acc = [None, None]
            for j in range(wpr // LANES):
                hw = plsc.bitcast(head[b, e, pl.ds(j * LANES, LANES)],
                                  jnp.bfloat16)
                tw = plsc.bitcast(tail[b, e, pl.ds(j * LANES, LANES)],
                                  jnp.bfloat16)
                ht_lo, ht_hi = plsc.unpack(hw * tw,
                                           format=plsc.PackFormat.INTERLEAVED)
                r_lo = rel[b, e, pl.ds(j * 2 * LANES, LANES)]
                r_hi = rel[b, e, pl.ds(j * 2 * LANES + LANES, LANES)]
                p0 = ht_lo * r_lo
                p1 = ht_hi * r_hi
                acc[0] = p0 if acc[0] is None else acc[0] + p0
                acc[1] = p1 if acc[1] is None else acc[1] + p1
            v = acc[0] + acc[1]
            for p_ix in perms:
                v = v + v.at[p_ix].get(mode="promise_in_bounds")
            plsc.store_compressed(outb.at[b, pl.ds(e, LANES)], v, mask=lane0)

    for b in range(NBUF):
        issue(b, b)

    def outer(i, _):
        for b in range(NBUF):
            c = i * NBUF + b
            drain(b)

            @pl.when(c >= NBUF)
            def _():
                drain_out(b)

            compute(c, b)
            pltpu.async_copy(outb.at[b, pl.ds(0, SUPER)],
                             out_hbm.at[pl.ds(base + c * SUPER, SUPER)],
                             osems[b])

            @pl.when(c + NBUF < supers)
            def _():
                issue(c + NBUF, b)
        return 0

    lax.fori_loop(0, supers // NBUF, outer, 0)
    for b in range(NBUF):
        drain_out(b)


def kernel(node_emb, edge_emb, src, dst):
    n_nodes, dim = node_emb.shape
    n_edges, _ = edge_emb.shape
    assert n_edges % (NW * SUPER) == 0 and dim % (2 * LANES) == 0
    assert (n_edges // (NW * SUPER)) % NBUF == 0
    assert sum(GPARTS) == SUPER
    ew = n_edges // NW
    supers = ew // SUPER

    mesh = plsc.VectorSubcoreMesh(core_axis_name="c", subcore_axis_name="s")
    params = pltpu.CompilerParams(needs_layout_passes=False,
                                  use_tc_tiling_on_sc=False)

    node_packed = jax.lax.bitcast_convert_type(
        node_emb.astype(jnp.bfloat16)
        .reshape(n_nodes, dim // 32, 2, 16)
        .swapaxes(2, 3)
        .reshape(n_nodes, dim // 2, 2),
        jnp.int32)

    score = pl.kernel(
        functools.partial(_score_body, ew, supers, dim),
        out_type=jax.ShapeDtypeStruct((n_edges,), jnp.float32),
        mesh=mesh,
        compiler_params=params,
        scratch_types=[
            pltpu.VMEM((ew,), jnp.int32),
            pltpu.VMEM((ew,), jnp.int32),
            pltpu.VMEM((NBUF, SUPER, dim // 2), jnp.int32),
            pltpu.VMEM((NBUF, SUPER, dim // 2), jnp.int32),
            pltpu.VMEM((NBUF, SUPER, dim), jnp.float32),
            pltpu.VMEM((NBUF, SUPER + LANES), jnp.float32),
            pltpu.SemaphoreType.DMA,
            pltpu.SemaphoreType.DMA,
            pltpu.SemaphoreType.DMA,
            pltpu.SemaphoreType.DMA,
        ],
    )
    return score(node_packed, edge_emb,
                 src.astype(jnp.int32), dst.astype(jnp.int32))

# --- scband reference (transcript-rebuilt; emitter-appended) ---
"""Pipeline reference for scband-dist-mult-score-76124000354698 (READ-ONLY COPY).

The authoritative reference and input builder live on the scoring server;
editing this copy changes nothing except your own understanding.
"""

import jax, jax.numpy as jnp
import numpy as np

N_NODES = 10000
N_EDGES = 320000
DIM = 128


def setup_inputs(seed: int = 0) -> dict:
    key = jax.random.key(seed)
    k1, k2, k3, k4 = jax.random.split(key, 4)
    node_emb = jax.random.normal(k1, (N_NODES, DIM), dtype=jnp.float32)
    edge_emb = jax.random.normal(k2, (N_EDGES, DIM), dtype=jnp.float32)
    src = jax.random.randint(k3, (N_EDGES,), 0, N_NODES, dtype=jnp.int64)
    dst = jax.random.randint(k4, (N_EDGES,), 0, N_NODES, dtype=jnp.int64)
    return {"node_emb": node_emb, "edge_emb": edge_emb, "src": src, "dst": dst}


def reference(node_emb, edge_emb, src, dst):
    # DistMult edge scoring (DGL apply_edges equivalent):
    # head = edges.src['emb']; tail = edges.dst['emb']; rel = edges.data['emb']
    # score = sum(head * rel * tail, dim=-1)
    head = jnp.take(node_emb, src, axis=0)
    tail = jnp.take(node_emb, dst, axis=0)
    score = jnp.sum(head * edge_emb * tail, axis=-1)
    return score

if __name__ == "__main__":
    import jax
    _d = setup_inputs()
    print(jax.jit(kernel)(*tuple(_d.values())))

</pallas_src>

<mosaic_0001>
#map = affine_map<(d0, d1) -> (0, 0)>
#map1 = affine_map<(d0, d1) -> (0)>
module attributes {stable_mosaic.version = 14 : i64} {
  func.func @_score_body(%arg0: i32, %arg1: i32, %arg2: memref<10000x64xi32, #tpu.memory_space<hbm>>, %arg3: memref<320000x128xf32, #tpu.memory_space<hbm>>, %arg4: memref<320000xi32, #tpu.memory_space<hbm>>, %arg5: memref<320000xi32, #tpu.memory_space<hbm>>, %arg6: memref<320000xf32, #tpu.memory_space<hbm>>, %arg7: memref<10000xi32, #tpu.memory_space<vmem>>, %arg8: memref<10000xi32, #tpu.memory_space<vmem>>, %arg9: memref<2x200x64xi32, #tpu.memory_space<vmem>>, %arg10: memref<2x200x64xi32, #tpu.memory_space<vmem>>, %arg11: memref<2x200x128xf32, #tpu.memory_space<vmem>>, %arg12: memref<2x216xf32, #tpu.memory_space<vmem>>, %arg13: memref<!tpu.dma_semaphore, #tpu.memory_space<semaphore_mem>>, %arg14: memref<!tpu.dma_semaphore, #tpu.memory_space<semaphore_mem>>, %arg15: memref<!tpu.dma_semaphore, #tpu.memory_space<semaphore_mem>>, %arg16: memref<!tpu.dma_semaphore, #tpu.memory_space<semaphore_mem>>) attributes {dimension_semantics = [#tpu.dimension_semantics<core_parallel>, #tpu.dimension_semantics<subcore_parallel>], iteration_bounds = array<i64: 2, 16>, scalar_prefetch = 0 : i64, scratch_operands = 10 : i64, tpu.core_type = #tpu.core_type<sc_vector_subcore>, window_params = [{transform_indices = #map}, {transform_indices = #map}, {transform_indices = #map1}, {transform_indices = #map1}, {transform_indices = #map1}]} {
    %mul3A = arith.constant 2 : i32
    %mul3A_0 = arith.muli %arg1, %mul3A : i32
    %add3A = arith.addi %mul3A_0, %arg0 : i32
    %mul3A_1 = arith.constant 10000 : i32
    %mul3A_2 = arith.muli %add3A, %mul3A_1 : i32
    "tpu.region"() ({
      %run_scoped3A = tpu.sem_alloc : memref<!tpu.dma_semaphore, #tpu.memory_space<semaphore_mem>>
      %dma_start3A_192 = tpu.memref_slice %arg4[%mul3A_2] : memref<320000xi32, #tpu.memory_space<hbm>> -> memref<10000xi32, #tpu.memory_space<hbm>>
      %dma_start3A_193 = tpu.memref_slice %arg4[%mul3A_2] : memref<320000xi32, #tpu.memory_space<hbm>> -> memref<10000xi32, #tpu.memory_space<hbm>>
      tpu.enqueue_dma source(%dma_start3A_193 : memref<10000xi32, #tpu.memory_space<hbm>>) target(%arg7 : memref<10000xi32, #tpu.memory_space<vmem>>) target_semaphore(%run_scoped3A : memref<!tpu.dma_semaphore, #tpu.memory_space<semaphore_mem>>)
      %dma_wait3A_194 = tpu.memref_slice %arg4[%mul3A_2] : memref<320000xi32, #tpu.memory_space<hbm>> -> memref<10000xi32, #tpu.memory_space<hbm>>
      %dma_wait3A_195 = tpu.memref_slice %arg4[%mul3A_2] : memref<320000xi32, #tpu.memory_space<hbm>> -> memref<10000xi32, #tpu.memory_space<hbm>>
      tpu.wait_dma2 semaphore(%run_scoped3A : memref<!tpu.dma_semaphore, #tpu.memory_space<semaphore_mem>>) src(%dma_wait3A_195 : memref<10000xi32, #tpu.memory_space<hbm>>) dst(%arg7 : memref<10000xi32, #tpu.memory_space<vmem>>)
      tpu.yield
    }) : () -> ()
    "tpu.region"() ({
      %run_scoped3A = tpu.sem_alloc : memref<!tpu.dma_semaphore, #tpu.memory_space<semaphore_mem>>
      %dma_start3A_192 = tpu.memref_slice %arg5[%mul3A_2] : memref<320000xi32, #tpu.memory_space<hbm>> -> memref<10000xi32, #tpu.memory_space<hbm>>
      %dma_start3A_193 = tpu.memref_slice %arg5[%mul3A_2] : memref<320000xi32, #tpu.memory_space<hbm>> -> memref<10000xi32, #tpu.memory_space<hbm>>
      tpu.enqueue_dma source(%dma_start3A_193 : memref<10000xi32, #tpu.memory_space<hbm>>) target(%arg8 : memref<10000xi32, #tpu.memory_space<vmem>>) target_semaphore(%run_scoped3A : memref<!tpu.dma_semaphore, #tpu.memory_space<semaphore_mem>>)
      %dma_wait3A_194 = tpu.memref_slice %arg5[%mul3A_2] : memref<320000xi32, #tpu.memory_space<hbm>> -> memref<10000xi32, #tpu.memory_space<hbm>>
      %dma_wait3A_195 = tpu.memref_slice %arg5[%mul3A_2] : memref<320000xi32, #tpu.memory_space<hbm>> -> memref<10000xi32, #tpu.memory_space<hbm>>
      tpu.wait_dma2 semaphore(%run_scoped3A : memref<!tpu.dma_semaphore, #tpu.memory_space<semaphore_mem>>) src(%dma_wait3A_195 : memref<10000xi32, #tpu.memory_space<hbm>>) dst(%arg8 : memref<10000xi32, #tpu.memory_space<vmem>>)
      tpu.yield
    }) : () -> ()
    %iota3A = tpu.iota {dimensions = array<i32: 0>} : vector<16xi32>
    %xor3A = arith.constant 1 : i32
    %xor3A_3 = vector.broadcast %xor3A : i32 to vector<16xi32>
    %xor3A_4 = arith.xori %iota3A, %xor3A_3 : vector<16xi32>
    %xor3A_5 = arith.constant 2 : i32
    %xor3A_6 = vector.broadcast %xor3A_5 : i32 to vector<16xi32>
    %xor3A_7 = arith.xori %iota3A, %xor3A_6 : vector<16xi32>
    %xor3A_8 = arith.constant 4 : i32
    %xor3A_9 = vector.broadcast %xor3A_8 : i32 to vector<16xi32>
    %xor3A_10 = arith.xori %iota3A, %xor3A_9 : vector<16xi32>
    %xor3A_11 = arith.constant 8 : i32
    %xor3A_12 = vector.broadcast %xor3A_11 : i32 to vector<16xi32>
    %xor3A_13 = arith.xori %iota3A, %xor3A_12 : vector<16xi32>
    %eq3A = arith.constant 0 : i32
    %eq3A_14 = vector.broadcast %eq3A : i32 to vector<16xi32>
    %eq3A_15 = arith.cmpi eq, %iota3A, %eq3A_14 : vector<16xi32>
    %dma_start3A = arith.constant 0 : i32
    %dma_start3A_16 = arith.constant 0 : i32
    %dma_start3A_17 = arith.constant 0 : i32
    %dma_start3A_18 = tpu.memref_slice %arg9[%dma_start3A, %dma_start3A_16, %dma_start3A_17] : memref<2x200x64xi32, #tpu.memory_space<vmem>> -> memref<1x80x64xi32, #tpu.memory_space<vmem>>
    %dma_start3A_19 = tpu.memref_squeeze %dma_start3A_18 : memref<1x80x64xi32, #tpu.memory_space<vmem>> -> memref<80x64xi32, #tpu.memory_space<vmem>>
    %dma_start3A_20 = arith.constant 0 : i32
    %dma_start3A_21 = tpu.memref_slice %arg7[%dma_start3A_20] : memref<10000xi32, #tpu.memory_space<vmem>> -> memref<80xi32, #tpu.memory_space<vmem>>
    %dma_start3A_22 = arith.constant 0 : i32
    %dma_start3A_23 = arith.constant 0 : i32
    %dma_start3A_24 = tpu.memref_slice %arg2[%dma_start3A_22, %dma_start3A_23] : memref<10000x64xi32, #tpu.memory_space<hbm>> -> memref<10000x64xi32, #tpu.memory_space<hbm>>
    tpu.enqueue_indirect_dma source(%dma_start3A_24 : memref<10000x64xi32, #tpu.memory_space<hbm>>) target(%dma_start3A_19 : memref<80x64xi32, #tpu.memory_space<vmem>>) offsets(%dma_start3A_21 : memref<80xi32, #tpu.memory_space<vmem>>) semaphore(%arg13 : memref<!tpu.dma_semaphore, #tpu.memory_space<semaphore_mem>>)
    %dma_start3A_25 = arith.constant 0 : i32
    %dma_start3A_26 = arith.constant 0 : i32
    %dma_start3A_27 = arith.constant 0 : i32
    %dma_start3A_28 = tpu.memref_slice %arg10[%dma_start3A_25, %dma_start3A_26, %dma_start3A_27] : memref<2x200x64xi32, #tpu.memory_space<vmem>> -> memref<1x80x64xi32, #tpu.memory_space<vmem>>
    %dma_start3A_29 = tpu.memref_squeeze %dma_start3A_28 : memref<1x80x64xi32, #tpu.memory_space<vmem>> -> memref<80x64xi32, #tpu.memory_space<vmem>>
    %dma_start3A_30 = arith.constant 0 : i32
    %dma_start3A_31 = tpu.memref_slice %arg8[%dma_start3A_30] : memref<10000xi32, #tpu.memory_space<vmem>> -> memref<80xi32, #tpu.memory_space<vmem>>
    %dma_start3A_32 = arith.constant 0 : i32
    %dma_start3A_33 = arith.constant 0 : i32
    %dma_start3A_34 = tpu.memref_slice %arg2[%dma_start3A_32, %dma_start3A_33] : memref<10000x64xi32, #tpu.memory_space<hbm>> -> memref<10000x64xi32, #tpu.memory_space<hbm>>
    tpu.enqueue_indirect_dma source(%dma_start3A_34 : memref<10000x64xi32, #tpu.memory_space<hbm>>) target(%dma_start3A_29 : memref<80x64xi32, #tpu.memory_space<vmem>>) offsets(%dma_start3A_31 : memref<80xi32, #tpu.memory_space<vmem>>) semaphore(%arg13 : memref<!tpu.dma_semaphore, #tpu.memory_space<semaphore_mem>>)
    %dma_start3A_35 = arith.constant 0 : i32
    %dma_start3A_36 = arith.constant 80 : i32
    %dma_start3A_37 = arith.constant 0 : i32
    %dma_start3A_38 = tpu.memref_slice %arg9[%dma_start3A_35, %dma_start3A_36, %dma_start3A_37] : memref<2x200x64xi32, #tpu.memory_space<vmem>> -> memref<1x80x64xi32, #tpu.memory_space<vmem>>
    %dma_start3A_39 = tpu.memref_squeeze %dma_start3A_38 : memref<1x80x64xi32, #tpu.memory_space<vmem>> -> memref<80x64xi32, #tpu.memory_space<vmem>>
    %dma_start3A_40 = arith.constant 80 : i32
    %dma_start3A_41 = tpu.memref_slice %arg7[%dma_start3A_40] : memref<10000xi32, #tpu.memory_space<vmem>> -> memref<80xi32, #tpu.memory_space<vmem>>
    %dma_start3A_42 = arith.constant 0 : i32
    %dma_start3A_43 = arith.constant 0 : i32
    %dma_start3A_44 = tpu.memref_slice %arg2[%dma_start3A_42, %dma_start3A_43] : memref<10000x64xi32, #tpu.memory_space<hbm>> -> memref<10000x64xi32, #tpu.memory_space<hbm>>
    tpu.enqueue_indirect_dma source(%dma_start3A_44 : memref<10000x64xi32, #tpu.memory_space<hbm>>) target(%dma_start3A_39 : memref<80x64xi32, #tpu.memory_space<vmem>>) offsets(%dma_start3A_41 : memref<80xi32, #tpu.memory_space<vmem>>) semaphore(%arg13 : memref<!tpu.dma_semaphore, #tpu.memory_space<semaphore_mem>>)
    %dma_start3A_45 = arith.constant 0 : i32
    %dma_start3A_46 = arith.constant 80 : i32
    %dma_start3A_47 = arith.constant 0 : i32
    %dma_start3A_48 = tpu.memref_slice %arg10[%dma_start3A_45, %dma_start3A_46, %dma_start3A_47] : memref<2x200x64xi32, #tpu.memory_space<vmem>> -> memref<1x80x64xi32, #tpu.memory_space<vmem>>
    %dma_start3A_49 = tpu.memref_squeeze %dma_start3A_48 : memref<1x80x64xi32, #tpu.memory_space<vmem>> -> memref<80x64xi32, #tpu.memory_space<vmem>>
    %dma_start3A_50 = arith.constant 80 : i32
    %dma_start3A_51 = tpu.memref_slice %arg8[%dma_start3A_50] : memref<10000xi32, #tpu.memory_space<vmem>> -> memref<80xi32, #tpu.memory_space<vmem>>
    %dma_start3A_52 = arith.constant 0 : i32
    %dma_start3A_53 = arith.constant 0 : i32
    %dma_start3A_54 = tpu.memref_slice %arg2[%dma_start3A_52, %dma_start3A_53] : memref<10000x64xi32, #tpu.memory_space<hbm>> -> memref<10000x64xi32, #tpu.memory_space<hbm>>
    tpu.enqueue_indirect_dma source(%dma_start3A_54 : memref<10000x64xi32, #tpu.memory_space<hbm>>) target(%dma_start3A_49 : memref<80x64xi32, #tpu.memory_space<vmem>>) offsets(%dma_start3A_51 : memref<80xi32, #tpu.memory_space<vmem>>) semaphore(%arg13 : memref<!tpu.dma_semaphore, #tpu.memory_space<semaphore_mem>>)
    %dma_start3A_55 = arith.constant 0 : i32
    %dma_start3A_56 = arith.constant 160 : i32
    %dma_start3A_57 = arith.constant 0 : i32
    %dma_start3A_58 = tpu.memref_slice %arg9[%dma_start3A_55, %dma_start3A_56, %dma_start3A_57] : memref<2x200x64xi32, #tpu.memory_space<vmem>> -> memref<1x40x64xi32, #tpu.memory_space<vmem>>
    %dma_start3A_59 = tpu.memref_squeeze %dma_start3A_58 : memref<1x40x64xi32, #tpu.memory_space<vmem>> -> memref<40x64xi32, #tpu.memory_space<vmem>>
    %dma_start3A_60 = arith.constant 160 : i32
    %dma_start3A_61 = tpu.memref_slice %arg7[%dma_start3A_60] : memref<10000xi32, #tpu.memory_space<vmem>> -> memref<40xi32, #tpu.memory_space<vmem>>
    %dma_start3A_62 = arith.constant 0 : i32
    %dma_start3A_63 = arith.constant 0 : i32
    %dma_start3A_64 = tpu.memref_slice %arg2[%dma_start3A_62, %dma_start3A_63] : memref<10000x64xi32, #tpu.memory_space<hbm>> -> memref<10000x64xi32, #tpu.memory_space<hbm>>
    tpu.enqueue_indirect_dma source(%dma_start3A_64 : memref<10000x64xi32, #tpu.memory_space<hbm>>) target(%dma_start3A_59 : memref<40x64xi32, #tpu.memory_space<vmem>>) offsets(%dma_start3A_61 : memref<40xi32, #tpu.memory_space<vmem>>) semaphore(%arg13 : memref<!tpu.dma_semaphore, #tpu.memory_space<semaphore_mem>>)
    %dma_start3A_65 = arith.constant 0 : i32
    %dma_start3A_66 = arith.constant 160 : i32
    %dma_start3A_67 = arith.constant 0 : i32
    %dma_start3A_68 = tpu.memref_slice %arg10[%dma_start3A_65, %dma_start3A_66, %dma_start3A_67] : memref<2x200x64xi32, #tpu.memory_space<vmem>> -> memref<1x40x64xi32, #tpu.memory_space<vmem>>
    %dma_start3A_69 = tpu.memref_squeeze %dma_start3A_68 : memref<1x40x64xi32, #tpu.memory_space<vmem>> -> memref<40x64xi32, #tpu.memory_space<vmem>>
    %dma_start3A_70 = arith.constant 160 : i32
    %dma_start3A_71 = tpu.memref_slice %arg8[%dma_start3A_70] : memref<10000xi32, #tpu.memory_space<vmem>> -> memref<40xi32, #tpu.memory_space<vmem>>
    %dma_start3A_72 = arith.constant 0 : i32
    %dma_start3A_73 = arith.constant 0 : i32
    %dma_start3A_74 = tpu.memref_slice %arg2[%dma_start3A_72, %dma_start3A_73] : memref<10000x64xi32, #tpu.memory_space<hbm>> -> memref<10000x64xi32, #tpu.memory_space<hbm>>
    tpu.enqueue_indirect_dma source(%dma_start3A_74 : memref<10000x64xi32, #tpu.memory_space<hbm>>) target(%dma_start3A_69 : memref<40x64xi32, #tpu.memory_space<vmem>>) offsets(%dma_start3A_71 : memref<40xi32, #tpu.memory_space<vmem>>) semaphore(%arg13 : memref<!tpu.dma_semaphore, #tpu.memory_space<semaphore_mem>>)
    %add3A_75 = arith.constant 0 : i32
    %add3A_76 = arith.addi %mul3A_2, %add3A_75 : i32
    %dma_start3A_77 = arith.constant 0 : i32
    %dma_start3A_78 = arith.constant 0 : i32
    %dma_start3A_79 = arith.constant 0 : i32
    %dma_start3A_80 = tpu.memref_slice %arg11[%dma_start3A_77, %dma_start3A_78, %dma_start3A_79] : memref<2x200x128xf32, #tpu.memory_space<vmem>> -> memref<1x200x128xf32, #tpu.memory_space<vmem>>
    %dma_start3A_81 = tpu.memref_squeeze %dma_start3A_80 : memref<1x200x128xf32, #tpu.memory_space<vmem>> -> memref<200x128xf32, #tpu.memory_space<vmem>>
    %dma_start3A_82 = arith.constant 0 : i32
    %dma_start3A_83 = tpu.memref_slice %arg3[%add3A_76, %dma_start3A_82] : memref<320000x128xf32, #tpu.memory_space<hbm>> -> memref<200x128xf32, #tpu.memory_space<hbm>>
    %dma_start3A_84 = arith.constant 0 : i32
    %dma_start3A_85 = arith.constant 0 : i32
    %dma_start3A_86 = tpu.memref_slice %arg11[%dma_start3A_77, %dma_start3A_84, %dma_start3A_85] : memref<2x200x128xf32, #tpu.memory_space<vmem>> -> memref<1x200x128xf32, #tpu.memory_space<vmem>>
    %dma_start3A_87 = tpu.memref_squeeze %dma_start3A_86 : memref<1x200x128xf32, #tpu.memory_space<vmem>> -> memref<200x128xf32, #tpu.memory_space<vmem>>
    %dma_start3A_88 = arith.constant 0 : i32
    %dma_start3A_89 = tpu.memref_slice %arg3[%add3A_76, %dma_start3A_88] : memref<320000x128xf32, #tpu.memory_space<hbm>> -> memref<200x128xf32, #tpu.memory_space<hbm>>
    tpu.enqueue_dma source(%dma_start3A_89 : memref<200x128xf32, #tpu.memory_space<hbm>>) target(%dma_start3A_87 : memref<200x128xf32, #tpu.memory_space<vmem>>) target_semaphore(%arg13 : memref<!tpu.dma_semaphore, #tpu.memory_space<semaphore_mem>>)
    %dma_start3A_90 = arith.constant 1 : i32
    %dma_start3A_91 = arith.constant 0 : i32
    %dma_start3A_92 = arith.constant 0 : i32
    %dma_start3A_93 = tpu.memref_slice %arg9[%dma_start3A_90, %dma_start3A_91, %dma_start3A_92] : memref<2x200x64xi32, #tpu.memory_space<vmem>> -> memref<1x80x64xi32, #tpu.memory_space<vmem>>
    %dma_start3A_94 = tpu.memref_squeeze %dma_start3A_93 : memref<1x80x64xi32, #tpu.memory_space<vmem>> -> memref<80x64xi32, #tpu.memory_space<vmem>>
    %dma_start3A_95 = arith.constant 200 : i32
    %dma_start3A_96 = tpu.memref_slice %arg7[%dma_start3A_95] : memref<10000xi32, #tpu.memory_space<vmem>> -> memref<80xi32, #tpu.memory_space<vmem>>
    %dma_start3A_97 = arith.constant 0 : i32
    %dma_start3A_98 = arith.constant 0 : i32
    %dma_start3A_99 = tpu.memref_slice %arg2[%dma_start3A_97, %dma_start3A_98] : memref<10000x64xi32, #tpu.memory_space<hbm>> -> memref<10000x64xi32, #tpu.memory_space<hbm>>
    tpu.enqueue_indirect_dma source(%dma_start3A_99 : memref<10000x64xi32, #tpu.memory_space<hbm>>) target(%dma_start3A_94 : memref<80x64xi32, #tpu.memory_space<vmem>>) offsets(%dma_start3A_96 : memref<80xi32, #tpu.memory_space<vmem>>) semaphore(%arg14 : memref<!tpu.dma_semaphore, #tpu.memory_space<semaphore_mem>>)
    %dma_start3A_100 = arith.constant 1 : i32
    %dma_start3A_101 = arith.constant 0 : i32
    %dma_start3A_102 = arith.constant 0 : i32
    %dma_start3A_103 = tpu.memref_slice %arg10[%dma_start3A_100, %dma_start3A_101, %dma_start3A_102] : memref<2x200x64xi32, #tpu.memory_space<vmem>> -> memref<1x80x64xi32, #tpu.memory_space<vmem>>
    %dma_start3A_104 = tpu.memref_squeeze %dma_start3A_103 : memref<1x80x64xi32, #tpu.memory_space<vmem>> -> memref<80x64xi32, #tpu.memory_space<vmem>>
    %dma_start3A_105 = arith.constant 200 : i32
    %dma_start3A_106 = tpu.memref_slice %arg8[%dma_start3A_105] : memref<10000xi32, #tpu.memory_space<vmem>> -> memref<80xi32, #tpu.memory_space<vmem>>
    %dma_start3A_107 = arith.constant 0 : i32
    %dma_start3A_108 = arith.constant 0 : i32
    %dma_start3A_109 = tpu.memref_slice %arg2[%dma_start3A_107, %dma_start3A_108] : memref<10000x64xi32, #tpu.memory_space<hbm>> -> memref<10000x64xi32, #tpu.memory_space<hbm>>
    tpu.enqueue_indirect_dma source(%dma_start3A_109 : memref<10000x64xi32, #tpu.memory_space<hbm>>) target(%dma_start3A_104 : memref<80x64xi32, #tpu.memory_space<vmem>>) offsets(%dma_start3A_106 : memref<80xi32, #tpu.memory_space<vmem>>) semaphore(%arg14 : memref<!tpu.dma_semaphore, #tpu.memory_space<semaphore_mem>>)
    %dma_start3A_110 = arith.constant 1 : i32
    %dma_start3A_111 = arith.constant 80 : i32
    %dma_start3A_112 = arith.constant 0 : i32
    %dma_start3A_113 = tpu.memref_slice %arg9[%dma_start3A_110, %dma_start3A_111, %dma_start3A_112] : memref<2x200x64xi32, #tpu.memory_space<vmem>> -> memref<1x80x64xi32, #tpu.memory_space<vmem>>
    %dma_start3A_114 = tpu.memref_squeeze %dma_start3A_113 : memref<1x80x64xi32, #tpu.memory_space<vmem>> -> memref<80x64xi32, #tpu.memory_space<vmem>>
    %dma_start3A_115 = arith.constant 280 : i32
    %dma_start3A_116 = tpu.memref_slice %arg7[%dma_start3A_115] : memref<10000xi32, #tpu.memory_space<vmem>> -> memref<80xi32, #tpu.memory_space<vmem>>
    %dma_start3A_117 = arith.constant 0 : i32
    %dma_start3A_118 = arith.constant 0 : i32
    %dma_start3A_119 = tpu.memref_slice %arg2[%dma_start3A_117, %dma_start3A_118] : memref<10000x64xi32, #tpu.memory_space<hbm>> -> memref<10000x64xi32, #tpu.memory_space<hbm>>
    tpu.enqueue_indirect_dma source(%dma_start3A_119 : memref<10000x64xi32, #tpu.memory_space<hbm>>) target(%dma_start3A_114 : memref<80x64xi32, #tpu.memory_space<vmem>>) offsets(%dma_start3A_116 : memref<80xi32, #tpu.memory_space<vmem>>) semaphore(%arg14 : memref<!tpu.dma_semaphore, #tpu.memory_space<semaphore_mem>>)
    %dma_start3A_120 = arith.constant 1 : i32
    %dma_start3A_121 = arith.constant 80 : i32
    %dma_start3A_122 = arith.constant 0 : i32
    %dma_start3A_123 = tpu.memref_slice %arg10[%dma_start3A_120, %dma_start3A_121, %dma_start3A_122] : memref<2x200x64xi32, #tpu.memory_space<vmem>> -> memref<1x80x64xi32, #tpu.memory_space<vmem>>
    %dma_start3A_124 = tpu.memref_squeeze %dma_start3A_123 : memref<1x80x64xi32, #tpu.memory_space<vmem>> -> memref<80x64xi32, #tpu.memory_space<vmem>>
    %dma_start3A_125 = arith.constant 280 : i32
    %dma_start3A_126 = tpu.memref_slice %arg8[%dma_start3A_125] : memref<10000xi32, #tpu.memory_space<vmem>> -> memref<80xi32, #tpu.memory_space<vmem>>
    %dma_start3A_127 = arith.constant 0 : i32
    %dma_start3A_128 = arith.constant 0 : i32
    %dma_start3A_129 = tpu.memref_slice %arg2[%dma_start3A_127, %dma_start3A_128] : memref<10000x64xi32, #tpu.memory_space<hbm>> -> memref<10000x64xi32, #tpu.memory_space<hbm>>
    tpu.enqueue_indirect_dma source(%dma_start3A_129 : memref<10000x64xi32, #tpu.memory_space<hbm>>) target(%dma_start3A_124 : memref<80x64xi32, #tpu.memory_space<vmem>>) offsets(%dma_start3A_126 : memref<80xi32, #tpu.memory_space<vmem>>) semaphore(%arg14 : memref<!tpu.dma_semaphore, #tpu.memory_space<semaphore_mem>>)
    %dma_start3A_130 = arith.constant 1 : i32
    %dma_start3A_131 = arith.constant 160 : i32
    %dma_start3A_132 = arith.constant 0 : i32
    %dma_start3A_133 = tpu.memref_slice %arg9[%dma_start3A_130, %dma_start3A_131, %dma_start3A_132] : memref<2x200x64xi32, #tpu.memory_space<vmem>> -> memref<1x40x64xi32, #tpu.memory_space<vmem>>
    %dma_start3A_134 = tpu.memref_squeeze %dma_start3A_133 : memref<1x40x64xi32, #tpu.memory_space<vmem>> -> memref<40x64xi32, #tpu.memory_space<vmem>>
    %dma_start3A_135 = arith.constant 360 : i32
    %dma_start3A_136 = tpu.memref_slice %arg7[%dma_start3A_135] : memref<10000xi32, #tpu.memory_space<vmem>> -> memref<40xi32, #tpu.memory_space<vmem>>
    %dma_start3A_137 = arith.constant 0 : i32
    %dma_start3A_138 = arith.constant 0 : i32
    %dma_start3A_139 = tpu.memref_slice %arg2[%dma_start3A_137, %dma_start3A_138] : memref<10000x64xi32, #tpu.memory_space<hbm>> -> memref<10000x64xi32, #tpu.memory_space<hbm>>
    tpu.enqueue_indirect_dma source(%dma_start3A_139 : memref<10000x64xi32, #tpu.memory_space<hbm>>) target(%dma_start3A_134 : memref<40x64xi32, #tpu.memory_space<vmem>>) offsets(%dma_start3A_136 : memref<40xi32, #tpu.memory_space<vmem>>) semaphore(%arg14 : memref<!tpu.dma_semaphore, #tpu.memory_space<semaphore_mem>>)
    %dma_start3A_140 = arith.constant 1 : i32
    %dma_start3A_141 = arith.constant 160 : i32
    %dma_start3A_142 = arith.constant 0 : i32
    %dma_start3A_143 = tpu.memref_slice %arg10[%dma_start3A_140, %dma_start3A_141, %dma_start3A_142] : memref<2x200x64xi32, #tpu.memory_space<vmem>> -> memref<1x40x64xi32, #tpu.memory_space<vmem>>
    %dma_start3A_144 = tpu.memref_squeeze %dma_start3A_143 : memref<1x40x64xi32, #tpu.memory_space<vmem>> -> memref<40x64xi32, #tpu.memory_space<vmem>>
    %dma_start3A_145 = arith.constant 360 : i32
    %dma_start3A_146 = tpu.memref_slice %arg8[%dma_start3A_145] : memref<10000xi32, #tpu.memory_space<vmem>> -> memref<40xi32, #tpu.memory_space<vmem>>
    %dma_start3A_147 = arith.constant 0 : i32
    %dma_start3A_148 = arith.constant 0 : i32
    %dma_start3A_149 = tpu.memref_slice %arg2[%dma_start3A_147, %dma_start3A_148] : memref<10000x64xi32, #tpu.memory_space<hbm>> -> memref<10000x64xi32, #tpu.memory_space<hbm>>
    tpu.enqueue_indirect_dma source(%dma_start3A_149 : memref<10000x64xi32, #tpu.memory_space<hbm>>) target(%dma_start3A_144 : memref<40x64xi32, #tpu.memory_space<vmem>>) offsets(%dma_start3A_146 : memref<40xi32, #tpu.memory_space<vmem>>) semaphore(%arg14 : memref<!tpu.dma_semaphore, #tpu.memory_space<semaphore_mem>>)
    %add3A_150 = arith.constant 200 : i32
    %add3A_151 = arith.addi %mul3A_2, %add3A_150 : i32
    %dma_start3A_152 = arith.constant 1 : i32
    %dma_start3A_153 = arith.constant 0 : i32
    %dma_start3A_154 = arith.constant 0 : i32
    %dma_start3A_155 = tpu.memref_slice %arg11[%dma_start3A_152, %dma_start3A_153, %dma_start3A_154] : memref<2x200x128xf32, #tpu.memory_space<vmem>> -> memref<1x200x128xf32, #tpu.memory_space<vmem>>
    %dma_start3A_156 = tpu.memref_squeeze %dma_start3A_155 : memref<1x200x128xf32, #tpu.memory_space<vmem>> -> memref<200x128xf32, #tpu.memory_space<vmem>>
    %dma_start3A_157 = arith.constant 0 : i32
    %dma_start3A_158 = tpu.memref_slice %arg3[%add3A_151, %dma_start3A_157] : memref<320000x128xf32, #tpu.memory_space<hbm>> -> memref<200x128xf32, #tpu.memory_space<hbm>>
    %dma_start3A_159 = arith.constant 0 : i32
    %dma_start3A_160 = arith.constant 0 : i32
    %dma_start3A_161 = tpu.memref_slice %arg11[%dma_start3A_152, %dma_start3A_159, %dma_start3A_160] : memref<2x200x128xf32, #tpu.memory_space<vmem>> -> memref<1x200x128xf32, #tpu.memory_space<vmem>>
    %dma_start3A_162 = tpu.memref_squeeze %dma_start3A_161 : memref<1x200x128xf32, #tpu.memory_space<vmem>> -> memref<200x128xf32, #tpu.memory_space<vmem>>
    %dma_start3A_163 = arith.constant 0 : i32
    %dma_start3A_164 = tpu.memref_slice %arg3[%add3A_151, %dma_start3A_163] : memref<320000x128xf32, #tpu.memory_space<hbm>> -> memref<200x128xf32, #tpu.memory_space<hbm>>
    tpu.enqueue_dma source(%dma_start3A_164 : memref<200x128xf32, #tpu.memory_space<hbm>>) target(%dma_start3A_162 : memref<200x128xf32, #tpu.memory_space<vmem>>) target_semaphore(%arg14 : memref<!tpu.dma_semaphore, #tpu.memory_space<semaphore_mem>>)
    %scan3A = arith.constant 0 : i32
    %scan3A_165 = arith.constant 0 : i32
    %scan3A_166 = arith.constant 25 : i32
    %scan3A_167 = arith.addi %scan3A_165, %scan3A_166 : i32
    %scan3A_168 = arith.constant 1 : i32
    %scan3A_169 = scf.for %scan3A_192 = %scan3A_165 to %scan3A_167 step %scan3A_168 iter_args(%scan3A_193 = %scan3A) -> (i32)  : i32 {
      %mul3A_194 = arith.constant 2 : i32
      %mul3A_195 = arith.muli %scan3A_192, %mul3A_194 : i32
      %add3A_196 = arith.constant 0 : i32
      %add3A_197 = arith.addi %mul3A_195, %add3A_196 : i32
      %dma_wait3A_198 = arith.constant 0 : i32
      %dma_wait3A_199 = arith.constant 0 : i32
      %dma_wait3A_200 = arith.constant 0 : i32
      %dma_wait3A_201 = tpu.memref_slice %arg9[%dma_wait3A_198, %dma_wait3A_199, %dma_wait3A_200] : memref<2x200x64xi32, #tpu.memory_space<vmem>> -> memref<1x80x64xi32, #tpu.memory_space<vmem>>
      %dma_wait3A_202 = tpu.memref_squeeze %dma_wait3A_201 : memref<1x80x64xi32, #tpu.memory_space<vmem>> -> memref<80x64xi32, #tpu.memory_space<vmem>>
      %dma_wait3A_203 = arith.constant 0 : i32
      %dma_wait3A_204 = arith.constant 0 : i32
      %dma_wait3A_205 = tpu.memref_slice %arg2[%dma_wait3A_203, %dma_wait3A_204] : memref<10000x64xi32, #tpu.memory_space<hbm>> -> memref<80x64xi32, #tpu.memory_space<hbm>>
      %dma_wait3A_206 = arith.constant 0 : i32
      %dma_wait3A_207 = arith.constant 0 : i32
      %dma_wait3A_208 = tpu.memref_slice %arg9[%dma_wait3A_198, %dma_wait3A_206, %dma_wait3A_207] : memref<2x200x64xi32, #tpu.memory_space<vmem>> -> memref<1x80x64xi32, #tpu.memory_space<vmem>>
      %dma_wait3A_209 = tpu.memref_squeeze %dma_wait3A_208 : memref<1x80x64xi32, #tpu.memory_space<vmem>> -> memref<80x64xi32, #tpu.memory_space<vmem>>
      %dma_wait3A_210 = arith.constant 0 : i32
      %dma_wait3A_211 = arith.constant 0 : i32
      %dma_wait3A_212 = tpu.memref_slice %arg2[%dma_wait3A_210, %dma_wait3A_211] : memref<10000x64xi32, #tpu.memory_space<hbm>> -> memref<80x64xi32, #tpu.memory_space<hbm>>
      tpu.wait_dma2 semaphore(%arg13 : memref<!tpu.dma_semaphore, #tpu.memory_space<semaphore_mem>>) src(%dma_wait3A_212 : memref<80x64xi32, #tpu.memory_space<hbm>>) dst(%dma_wait3A_209 : memref<80x64xi32, #tpu.memory_space<vmem>>)
      %dma_wait3A_213 = arith.constant 0 : i32
      %dma_wait3A_214 = arith.constant 0 : i32
      %dma_wait3A_215 = arith.constant 0 : i32
      %dma_wait3A_216 = tpu.memref_slice %arg10[%dma_wait3A_213, %dma_wait3A_214, %dma_wait3A_215] : memref<2x200x64xi32, #tpu.memory_space<vmem>> -> memref<1x80x64xi32, #tpu.memory_space<vmem>>
      %dma_wait3A_217 = tpu.memref_squeeze %dma_wait3A_216 : memref<1x80x64xi32, #tpu.memory_space<vmem>> -> memref<80x64xi32, #tpu.memory_space<vmem>>
      %dma_wait3A_218 = arith.constant 0 : i32
      %dma_wait3A_219 = arith.constant 0 : i32
      %dma_wait3A_220 = tpu.memref_slice %arg2[%dma_wait3A_218, %dma_wait3A_219] : memref<10000x64xi32, #tpu.memory_space<hbm>> -> memref<80x64xi32, #tpu.memory_space<hbm>>
      %dma_wait3A_221 = arith.constant 0 : i32
      %dma_wait3A_222 = arith.constant 0 : i32
      %dma_wait3A_223 = tpu.memref_slice %arg10[%dma_wait3A_213, %dma_wait3A_221, %dma_wait3A_222] : memref<2x200x64xi32, #tpu.memory_space<vmem>> -> memref<1x80x64xi32, #tpu.memory_space<vmem>>
      %dma_wait3A_224 = tpu.memref_squeeze %dma_wait3A_223 : memref<1x80x64xi32, #tpu.memory_space<vmem>> -> memref<80x64xi32, #tpu.memory_space<vmem>>
      %dma_wait3A_225 = arith.constant 0 : i32
      %dma_wait3A_226 = arith.constant 0 : i32
      %dma_wait3A_227 = tpu.memref_slice %arg2[%dma_wait3A_225, %dma_wait3A_226] : memref<10000x64xi32, #tpu.memory_space<hbm>> -> memref<80x64xi32, #tpu.memory_space<hbm>>
      tpu.wait_dma2 semaphore(%arg13 : memref<!tpu.dma_semaphore, #tpu.memory_space<semaphore_mem>>) src(%dma_wait3A_227 : memref<80x64xi32, #tpu.memory_space<hbm>>) dst(%dma_wait3A_224 : memref<80x64xi32, #tpu.memory_space<vmem>>)
      %dma_wait3A_228 = arith.constant 0 : i32
      %dma_wait3A_229 = arith.constant 0 : i32
      %dma_wait3A_230 = arith.constant 0 : i32
      %dma_wait3A_231 = tpu.memref_slice %arg9[%dma_wait3A_228, %dma_wait3A_229, %dma_wait3A_230] : memref<2x200x64xi32, #tpu.memory_space<vmem>> -> memref<1x80x64xi32, #tpu.memory_space<vmem>>
      %dma_wait3A_232 = tpu.memref_squeeze %dma_wait3A_231 : memref<1x80x64xi32, #tpu.memory_space<vmem>> -> memref<80x64xi32, #tpu.memory_space<vmem>>
      %dma_wait3A_233 = arith.constant 0 : i32
      %dma_wait3A_234 = arith.constant 0 : i32
      %dma_wait3A_235 = tpu.memref_slice %arg2[%dma_wait3A_233, %dma_wait3A_234] : memref<10000x64xi32, #tpu.memory_space<hbm>> -> memref<80x64xi32, #tpu.memory_space<hbm>>
      %dma_wait3A_236 = arith.constant 0 : i32
      %dma_wait3A_237 = arith.constant 0 : i32
      %dma_wait3A_238 = tpu.memref_slice %arg9[%dma_wait3A_228, %dma_wait3A_236, %dma_wait3A_237] : memref<2x200x64xi32, #tpu.memory_space<vmem>> -> memref<1x80x64xi32, #tpu.memory_space<vmem>>
      %dma_wait3A_239 = tpu.memref_squeeze %dma_wait3A_238 : memref<1x80x64xi32, #tpu.memory_space<vmem>> -> memref<80x64xi32, #tpu.memory_space<vmem>>
      %dma_wait3A_240 = arith.constant 0 : i32
      %dma_wait3A_241 = arith.constant 0 : i32
      %dma_wait3A_242 = tpu.memref_slice %arg2[%dma_wait3A_240, %dma_wait3A_241] : memref<10000x64xi32, #tpu.memory_space<hbm>> -> memref<80x64xi32, #tpu.memory_space<hbm>>
      tpu.wait_dma2 semaphore(%arg13 : memref<!tpu.dma_semaphore, #tpu.memory_space<semaphore_mem>>) src(%dma_wait3A_242 : memref<80x64xi32, #tpu.memory_space<hbm>>) dst(%dma_wait3A_239 : memref<80x64xi32, #tpu.memory_space<vmem>>)
      %dma_wait3A_243 = arith.constant 0 : i32
      %dma_wait3A_244 = arith.constant 0 : i32
      %dma_wait3A_245 = arith.constant 0 : i32
      %dma_wait3A_246 = tpu.memref_slice %arg10[%dma_wait3A_243, %dma_wait3A_244, %dma_wait3A_245] : memref<2x200x64xi32, #tpu.memory_space<vmem>> -> memref<1x80x64xi32, #tpu.memory_space<vmem>>
      %dma_wait3A_247 = tpu.memref_squeeze %dma_wait3A_246 : memref<1x80x64xi32, #tpu.memory_space<vmem>> -> memref<80x64xi32, #tpu.memory_space<vmem>>
      %dma_wait3A_248 = arith.constant 0 : i32
      %dma_wait3A_249 = arith.constant 0 : i32
      %dma_wait3A_250 = tpu.memref_slice %arg2[%dma_wait3A_248, %dma_wait3A_249] : memref<10000x64xi32, #tpu.memory_space<hbm>> -> memref<80x64xi32, #tpu.memory_space<hbm>>
      %dma_wait3A_251 = arith.constant 0 : i32
      %dma_wait3A_252 = arith.constant 0 : i32
      %dma_wait3A_253 = tpu.memref_slice %arg10[%dma_wait3A_243, %dma_wait3A_251, %dma_wait3A_252] : memref<2x200x64xi32, #tpu.memory_space<vmem>> -> memref<1x80x64xi32, #tpu.memory_space<vmem>>
      %dma_wait3A_254 = tpu.memref_squeeze %dma_wait3A_253 : memref<1x80x64xi32, #tpu.memory_space<vmem>> -> memref<80x64xi32, #tpu.memory_space<vmem>>
      %dma_wait3A_255 = arith.constant 0 : i32
      %dma_wait3A_256 = arith.constant 0 : i32
      %dma_wait3A_257 = tpu.memref_slice %arg2[%dma_wait3A_255, %dma_wait3A_256] : memref<10000x64xi32, #tpu.memory_space<hbm>> -> memref<80x64xi32, #tpu.memory_space<hbm>>
      tpu.wait_dma2 semaphore(%arg13 : memref<!tpu.dma_semaphore, #tpu.memory_space<semaphore_mem>>) src(%dma_wait3A_257 : memref<80x64xi32, #tpu.memory_space<hbm>>) dst(%dma_wait3A_254 : memref<80x64xi32, #tpu.memory_space<vmem>>)
      %dma_wait3A_258 = arith.constant 0 : i32
      %dma_wait3A_259 = arith.constant 0 : i32
      %dma_wait3A_260 = arith.constant 0 : i32
      %dma_wait3A_261 = tpu.memref_slice %arg9[%dma_wait3A_258, %dma_wait3A_259, %dma_wait3A_260] : memref<2x200x64xi32, #tpu.memory_space<vmem>> -> memref<1x40x64xi32, #tpu.memory_space<vmem>>
      %dma_wait3A_262 = tpu.memref_squeeze %dma_wait3A_261 : memref<1x40x64xi32, #tpu.memory_space<vmem>> -> memref<40x64xi32, #tpu.memory_space<vmem>>
      %dma_wait3A_263 = arith.constant 0 : i32
      %dma_wait3A_264 = arith.constant 0 : i32
      %dma_wait3A_265 = tpu.memref_slice %arg2[%dma_wait3A_263, %dma_wait3A_264] : memref<10000x64xi32, #tpu.memory_space<hbm>> -> memref<40x64xi32, #tpu.memory_space<hbm>>
      %dma_wait3A_266 = arith.constant 0 : i32
      %dma_wait3A_267 = arith.constant 0 : i32
      %dma_wait3A_268 = tpu.memref_slice %arg9[%dma_wait3A_258, %dma_wait3A_266, %dma_wait3A_267] : memref<2x200x64xi32, #tpu.memory_space<vmem>> -> memref<1x40x64xi32, #tpu.memory_space<vmem>>
      %dma_wait3A_269 = tpu.memref_squeeze %dma_wait3A_268 : memref<1x40x64xi32, #tpu.memory_space<vmem>> -> memref<40x64xi32, #tpu.memory_space<vmem>>
      %dma_wait3A_270 = arith.constant 0 : i32
      %dma_wait3A_271 = arith.constant 0 : i32
      %dma_wait3A_272 = tpu.memref_slice %arg2[%dma_wait3A_270, %dma_wait3A_271] : memref<10000x64xi32, #tpu.memory_space<hbm>> -> memref<40x64xi32, #tpu.memory_space<hbm>>
      tpu.wait_dma2 semaphore(%arg13 : memref<!tpu.dma_semaphore, #tpu.memory_space<semaphore_mem>>) src(%dma_wait3A_272 : memref<40x64xi32, #tpu.memory_space<hbm>>) dst(%dma_wait3A_269 : memref<40x64xi32, #tpu.memory_space<vmem>>)
      %dma_wait3A_273 = arith.constant 0 : i32
      %dma_wait3A_274 = arith.constant 0 : i32
      %dma_wait3A_275 = arith.constant 0 : i32
      %dma_wait3A_276 = tpu.memref_slice %arg10[%dma_wait3A_273, %dma_wait3A_274, %dma_wait3A_275] : memref<2x200x64xi32, #tpu.memory_space<vmem>> -> memref<1x40x64xi32, #tpu.memory_space<vmem>>
      %dma_wait3A_277 = tpu.memref_squeeze %dma_wait3A_276 : memref<1x40x64xi32, #tpu.memory_space<vmem>> -> memref<40x64xi32, #tpu.memory_space<vmem>>
      %dma_wait3A_278 = arith.constant 0 : i32
      %dma_wait3A_279 = arith.constant 0 : i32
      %dma_wait3A_280 = tpu.memref_slice %arg2[%dma_wait3A_278, %dma_wait3A_279] : memref<10000x64xi32, #tpu.memory_space<hbm>> -> memref<40x64xi32, #tpu.memory_space<hbm>>
      %dma_wait3A_281 = arith.constant 0 : i32
      %dma_wait3A_282 = arith.constant 0 : i32
      %dma_wait3A_283 = tpu.memref_slice %arg10[%dma_wait3A_273, %dma_wait3A_281, %dma_wait3A_282] : memref<2x200x64xi32, #tpu.memory_space<vmem>> -> memref<1x40x64xi32, #tpu.memory_space<vmem>>
      %dma_wait3A_284 = tpu.memref_squeeze %dma_wait3A_283 : memref<1x40x64xi32, #tpu.memory_space<vmem>> -> memref<40x64xi32, #tpu.memory_space<vmem>>
      %dma_wait3A_285 = arith.constant 0 : i32
      %dma_wait3A_286 = arith.constant 0 : i32
      %dma_wait3A_287 = tpu.memref_slice %arg2[%dma_wait3A_285, %dma_wait3A_286] : memref<10000x64xi32, #tpu.memory_space<hbm>> -> memref<40x64xi32, #tpu.memory_space<hbm>>
      tpu.wait_dma2 semaphore(%arg13 : memref<!tpu.dma_semaphore, #tpu.memory_space<semaphore_mem>>) src(%dma_wait3A_287 : memref<40x64xi32, #tpu.memory_space<hbm>>) dst(%dma_wait3A_284 : memref<40x64xi32, #tpu.memory_space<vmem>>)
      %dma_wait3A_288 = arith.constant 0 : i32
      %dma_wait3A_289 = arith.constant 0 : i32
      %dma_wait3A_290 = arith.constant 0 : i32
      %dma_wait3A_291 = tpu.memref_slice %arg11[%dma_wait3A_288, %dma_wait3A_289, %dma_wait3A_290] : memref<2x200x128xf32, #tpu.memory_space<vmem>> -> memref<1x200x128xf32, #tpu.memory_space<vmem>>
      %dma_wait3A_292 = tpu.memref_squeeze %dma_wait3A_291 : memref<1x200x128xf32, #tpu.memory_space<vmem>> -> memref<200x128xf32, #tpu.memory_space<vmem>>
      %dma_wait3A_293 = arith.constant 0 : i32
      %dma_wait3A_294 = arith.constant 0 : i32
      %dma_wait3A_295 = tpu.memref_slice %arg3[%dma_wait3A_293, %dma_wait3A_294] : memref<320000x128xf32, #tpu.memory_space<hbm>> -> memref<200x128xf32, #tpu.memory_space<hbm>>
      %dma_wait3A_296 = arith.constant 0 : i32
      %dma_wait3A_297 = arith.constant 0 : i32
      %dma_wait3A_298 = tpu.memref_slice %arg11[%dma_wait3A_288, %dma_wait3A_296, %dma_wait3A_297] : memref<2x200x128xf32, #tpu.memory_space<vmem>> -> memref<1x200x128xf32, #tpu.memory_space<vmem>>
      %dma_wait3A_299 = tpu.memref_squeeze %dma_wait3A_298 : memref<1x200x128xf32, #tpu.memory_space<vmem>> -> memref<200x128xf32, #tpu.memory_space<vmem>>
      %dma_wait3A_300 = arith.constant 0 : i32
      %dma_wait3A_301 = arith.constant 0 : i32
      %dma_wait3A_302 = tpu.memref_slice %arg3[%dma_wait3A_300, %dma_wait3A_301] : memref<320000x128xf32, #tpu.memory_space<hbm>> -> memref<200x128xf32, #tpu.memory_space<hbm>>
      tpu.wait_dma2 semaphore(%arg13 : memref<!tpu.dma_semaphore, #tpu.memory_space<semaphore_mem>>) src(%dma_wait3A_302 : memref<200x128xf32, #tpu.memory_space<hbm>>) dst(%dma_wait3A_299 : memref<200x128xf32, #tpu.memory_space<vmem>>)
      %ge3A = arith.constant 2 : i32
      %ge3A_303 = arith.cmpi sge, %add3A_197, %ge3A : i32
      %convert_element_type3A = arith.extui %ge3A_303 : i1 to i32
      %cond3A = arith.constant 0 : i32
      %cond3A_304 = arith.cmpi ne, %convert_element_type3A, %cond3A : i32
      scf.if %cond3A_304 {
        %dma_wait3A_462 = arith.constant 0 : i32
        %dma_wait3A_463 = arith.constant 0 : i32
        %dma_wait3A_464 = tpu.memref_slice %arg12[%dma_wait3A_462, %dma_wait3A_463] : memref<2x216xf32, #tpu.memory_space<vmem>> -> memref<1x200xf32, #tpu.memory_space<vmem>>
        %dma_wait3A_465 = tpu.memref_squeeze %dma_wait3A_464 : memref<1x200xf32, #tpu.memory_space<vmem>> -> memref<200xf32, #tpu.memory_space<vmem>>
        %dma_wait3A_466 = arith.constant 0 : i32
        %dma_wait3A_467 = tpu.memref_slice %arg6[%dma_wait3A_466] : memref<320000xf32, #tpu.memory_space<hbm>> -> memref<200xf32, #tpu.memory_space<hbm>>
        %dma_wait3A_468 = arith.constant 0 : i32
        %dma_wait3A_469 = tpu.memref_slice %arg12[%dma_wait3A_462, %dma_wait3A_468] : memref<2x216xf32, #tpu.memory_space<vmem>> -> memref<1x200xf32, #tpu.memory_space<vmem>>
        %dma_wait3A_470 = tpu.memref_squeeze %dma_wait3A_469 : memref<1x200xf32, #tpu.memory_space<vmem>> -> memref<200xf32, #tpu.memory_space<vmem>>
        %dma_wait3A_471 = arith.constant 0 : i32
        %dma_wait3A_472 = tpu.memref_slice %arg6[%dma_wait3A_471] : memref<320000xf32, #tpu.memory_space<hbm>> -> memref<200xf32, #tpu.memory_space<hbm>>
        tpu.wait_dma2 semaphore(%arg15 : memref<!tpu.dma_semaphore, #tpu.memory_space<semaphore_mem>>) src(%dma_wait3A_472 : memref<200xf32, #tpu.memory_space<hbm>>) dst(%dma_wait3A_470 : memref<200xf32, #tpu.memory_space<vmem>>)
      } else {
      }
      %parallel_loop3A = arith.constant 0 : i32
      %parallel_loop3A_305 = arith.constant 200 : i32
      %parallel_loop3A_306 = arith.constant 1 : i32
      scf.for %parallel_loop3A_462 = %parallel_loop3A to %parallel_loop3A_305 step %parallel_loop3A_306  : i32 {
        %parallel_loop3A_463 = arith.constant 0 : i32
        %parallel_loop3A_464 = arith.index_cast %parallel_loop3A_463 : i32 to index
        %parallel_loop3A_465 = arith.index_cast %parallel_loop3A_462 : i32 to index
        %parallel_loop3A_466 = arith.constant 0 : index
        %parallel_loop3A_467 = tpu.vector_load %arg9[%parallel_loop3A_464, %parallel_loop3A_465, %parallel_loop3A_466] {strides = array<i32>} : memref<2x200x64xi32, #tpu.memory_space<vmem>>, vector<16xi32>,
        %parallel_loop3A_468 = vector.bitcast %parallel_loop3A_467 : vector<16xi32> to vector<32xbf16>
        %parallel_loop3A_469 = arith.constant 0 : i32
        %parallel_loop3A_470 = arith.index_cast %parallel_loop3A_469 : i32 to index
        %parallel_loop3A_471 = arith.index_cast %parallel_loop3A_462 : i32 to index
        %parallel_loop3A_472 = arith.constant 0 : index
        %parallel_loop3A_473 = tpu.vector_load %arg10[%parallel_loop3A_470, %parallel_loop3A_471, %parallel_loop3A_472] {strides = array<i32>} : memref<2x200x64xi32, #tpu.memory_space<vmem>>, vector<16xi32>,
        %parallel_loop3A_474 = vector.bitcast %parallel_loop3A_473 : vector<16xi32> to vector<32xbf16>
        %parallel_loop3A_475 = arith.mulf %parallel_loop3A_468, %parallel_loop3A_474 : vector<32xbf16>
        %parallel_loop3A_476 = tpu.unpack_subelements %parallel_loop3A_475, 0 {pack_format = #tpu.pack_format<interleaved>} : vector<32xbf16> -> vector<16xf32>
        %parallel_loop3A_477 = tpu.unpack_subelements %parallel_loop3A_475, 1 {pack_format = #tpu.pack_format<interleaved>} : vector<32xbf16> -> vector<16xf32>
        %parallel_loop3A_478 = arith.constant 0 : i32
        %parallel_loop3A_479 = arith.index_cast %parallel_loop3A_478 : i32 to index
        %parallel_loop3A_480 = arith.index_cast %parallel_loop3A_462 : i32 to index
        %parallel_loop3A_481 = arith.constant 0 : index
        %parallel_loop3A_482 = tpu.vector_load %arg11[%parallel_loop3A_479, %parallel_loop3A_480, %parallel_loop3A_481] {strides = array<i32>} : memref<2x200x128xf32, #tpu.memory_space<vmem>>, vector<16xf32>,
        %parallel_loop3A_483 = arith.constant 0 : i32
        %parallel_loop3A_484 = arith.index_cast %parallel_loop3A_483 : i32 to index
        %parallel_loop3A_485 = arith.index_cast %parallel_loop3A_462 : i32 to index
        %parallel_loop3A_486 = arith.constant 16 : index
        %parallel_loop3A_487 = tpu.vector_load %arg11[%parallel_loop3A_484, %parallel_loop3A_485, %parallel_loop3A_486] {strides = array<i32>} : memref<2x200x128xf32, #tpu.memory_space<vmem>>, vector<16xf32>,
        %parallel_loop3A_488 = arith.mulf %parallel_loop3A_476, %parallel_loop3A_482 : vector<16xf32>
        %parallel_loop3A_489 = arith.mulf %parallel_loop3A_477, %parallel_loop3A_487 : vector<16xf32>
        %parallel_loop3A_490 = arith.constant 0 : i32
        %parallel_loop3A_491 = arith.index_cast %parallel_loop3A_490 : i32 to index
        %parallel_loop3A_492 = arith.index_cast %parallel_loop3A_462 : i32 to index
        %parallel_loop3A_493 = arith.constant 16 : index
        %parallel_loop3A_494 = tpu.vector_load %arg9[%parallel_loop3A_491, %parallel_loop3A_492, %parallel_loop3A_493] {strides = array<i32>} : memref<2x200x64xi32, #tpu.memory_space<vmem>>, vector<16xi32>,
        %parallel_loop3A_495 = vector.bitcast %parallel_loop3A_494 : vector<16xi32> to vector<32xbf16>
        %parallel_loop3A_496 = arith.constant 0 : i32
        %parallel_loop3A_497 = arith.index_cast %parallel_loop3A_496 : i32 to index
        %parallel_loop3A_498 = arith.index_cast %parallel_loop3A_462 : i32 to index
        %parallel_loop3A_499 = arith.constant 16 : index
        %parallel_loop3A_500 = tpu.vector_load %arg10[%parallel_loop3A_497, %parallel_loop3A_498, %parallel_loop3A_499] {strides = array<i32>} : memref<2x200x64xi32, #tpu.memory_space<vmem>>, vector<16xi32>,
        %parallel_loop3A_501 = vector.bitcast %parallel_loop3A_500 : vector<16xi32> to vector<32xbf16>
        %parallel_loop3A_502 = arith.mulf %parallel_loop3A_495, %parallel_loop3A_501 : vector<32xbf16>
        %parallel_loop3A_503 = tpu.unpack_subelements %parallel_loop3A_502, 0 {pack_format = #tpu.pack_format<interleaved>} : vector<32xbf16> -> vector<16xf32>
        %parallel_loop3A_504 = tpu.unpack_subelements %parallel_loop3A_502, 1 {pack_format = #tpu.pack_format<interleaved>} : vector<32xbf16> -> vector<16xf32>
        %parallel_loop3A_505 = arith.constant 0 : i32
        %parallel_loop3A_506 = arith.index_cast %parallel_loop3A_505 : i32 to index
        %parallel_loop3A_507 = arith.index_cast %parallel_loop3A_462 : i32 to index
        %parallel_loop3A_508 = arith.constant 32 : index
        %parallel_loop3A_509 = tpu.vector_load %arg11[%parallel_loop3A_506, %parallel_loop3A_507, %parallel_loop3A_508] {strides = array<i32>} : memref<2x200x128xf32, #tpu.memory_space<vmem>>, vector<16xf32>,
        %parallel_loop3A_510 = arith.constant 0 : i32
        %parallel_loop3A_511 = arith.index_cast %parallel_loop3A_510 : i32 to index
        %parallel_loop3A_512 = arith.index_cast %parallel_loop3A_462 : i32 to index
        %parallel_loop3A_513 = arith.constant 48 : index
        %parallel_loop3A_514 = tpu.vector_load %arg11[%parallel_loop3A_511, %parallel_loop3A_512, %parallel_loop3A_513] {strides = array<i32>} : memref<2x200x128xf32, #tpu.memory_space<vmem>>, vector<16xf32>,
        %parallel_loop3A_515 = arith.mulf %parallel_loop3A_503, %parallel_loop3A_509 : vector<16xf32>
        %parallel_loop3A_516 = arith.mulf %parallel_loop3A_504, %parallel_loop3A_514 : vector<16xf32>
        %parallel_loop3A_517 = arith.addf %parallel_loop3A_488, %parallel_loop3A_515 : vector<16xf32>
        %parallel_loop3A_518 = arith.addf %parallel_loop3A_489, %parallel_loop3A_516 : vector<16xf32>
        %parallel_loop3A_519 = arith.constant 0 : i32
        %parallel_loop3A_520 = arith.index_cast %parallel_loop3A_519 : i32 to index
        %parallel_loop3A_521 = arith.index_cast %parallel_loop3A_462 : i32 to index
        %parallel_loop3A_522 = arith.constant 32 : index
        %parallel_loop3A_523 = tpu.vector_load %arg9[%parallel_loop3A_520, %parallel_loop3A_521, %parallel_loop3A_522] {strides = array<i32>} : memref<2x200x64xi32, #tpu.memory_space<vmem>>, vector<16xi32>,
        %parallel_loop3A_524 = vector.bitcast %parallel_loop3A_523 : vector<16xi32> to vector<32xbf16>
        %parallel_loop3A_525 = arith.constant 0 : i32
        %parallel_loop3A_526 = arith.index_cast %parallel_loop3A_525 : i32 to index
        %parallel_loop3A_527 = arith.index_cast %parallel_loop3A_462 : i32 to index
        %parallel_loop3A_528 = arith.constant 32 : index
        %parallel_loop3A_529 = tpu.vector_load %arg10[%parallel_loop3A_526, %parallel_loop3A_527, %parallel_loop3A_528] {strides = array<i32>} : memref<2x200x64xi32, #tpu.memory_space<vmem>>, vector<16xi32>,
        %parallel_loop3A_530 = vector.bitcast %parallel_loop3A_529 : vector<16xi32> to vector<32xbf16>
        %parallel_loop3A_531 = arith.mulf %parallel_loop3A_524, %parallel_loop3A_530 : vector<32xbf16>
        %parallel_loop3A_532 = tpu.unpack_subelements %parallel_loop3A_531, 0 {pack_format = #tpu.pack_format<interleaved>} : vector<32xbf16> -> vector<16xf32>
        %parallel_loop3A_533 = tpu.unpack_subelements %parallel_loop3A_531, 1 {pack_format = #tpu.pack_format<interleaved>} : vector<32xbf16> -> vector<16xf32>
        %parallel_loop3A_534 = arith.constant 0 : i32
        %parallel_loop3A_535 = arith.index_cast %parallel_loop3A_534 : i32 to index
        %parallel_loop3A_536 = arith.index_cast %parallel_loop3A_462 : i32 to index
        %parallel_loop3A_537 = arith.constant 64 : index
        %parallel_loop3A_538 = tpu.vector_load %arg11[%parallel_loop3A_535, %parallel_loop3A_536, %parallel_loop3A_537] {strides = array<i32>} : memref<2x200x128xf32, #tpu.memory_space<vmem>>, vector<16xf32>,
        %parallel_loop3A_539 = arith.constant 0 : i32
        %parallel_loop3A_540 = arith.index_cast %parallel_loop3A_539 : i32 to index
        %parallel_loop3A_541 = arith.index_cast %parallel_loop3A_462 : i32 to index
        %parallel_loop3A_542 = arith.constant 80 : index
        %parallel_loop3A_543 = tpu.vector_load %arg11[%parallel_loop3A_540, %parallel_loop3A_541, %parallel_loop3A_542] {strides = array<i32>} : memref<2x200x128xf32, #tpu.memory_space<vmem>>, vector<16xf32>,
        %parallel_loop3A_544 = arith.mulf %parallel_loop3A_532, %parallel_loop3A_538 : vector<16xf32>
        %parallel_loop3A_545 = arith.mulf %parallel_loop3A_533, %parallel_loop3A_543 : vector<16xf32>
        %parallel_loop3A_546 = arith.addf %parallel_loop3A_517, %parallel_loop3A_544 : vector<16xf32>
        %parallel_loop3A_547 = arith.addf %parallel_loop3A_518, %parallel_loop3A_545 : vector<16xf32>
        %parallel_loop3A_548 = arith.constant 0 : i32
        %parallel_loop3A_549 = arith.index_cast %parallel_loop3A_548 : i32 to index
        %parallel_loop3A_550 = arith.index_cast %parallel_loop3A_462 : i32 to index
        %parallel_loop3A_551 = arith.constant 48 : index
        %parallel_loop3A_552 = tpu.vector_load %arg9[%parallel_loop3A_549, %parallel_loop3A_550, %parallel_loop3A_551] {strides = array<i32>} : memref<2x200x64xi32, #tpu.memory_space<vmem>>, vector<16xi32>,
        %parallel_loop3A_553 = vector.bitcast %parallel_loop3A_552 : vector<16xi32> to vector<32xbf16>
        %parallel_loop3A_554 = arith.constant 0 : i32
        %parallel_loop3A_555 = arith.index_cast %parallel_loop3A_554 : i32 to index
        %parallel_loop3A_556 = arith.index_cast %parallel_loop3A_462 : i32 to index
        %parallel_loop3A_557 = arith.constant 48 : index
        %parallel_loop3A_558 = tpu.vector_load %arg10[%parallel_loop3A_555, %parallel_loop3A_556, %parallel_loop3A_557] {strides = array<i32>} : memref<2x200x64xi32, #tpu.memory_space<vmem>>, vector<16xi32>,
        %parallel_loop3A_559 = vector.bitcast %parallel_loop3A_558 : vector<16xi32> to vector<32xbf16>
        %parallel_loop3A_560 = arith.mulf %parallel_loop3A_553, %parallel_loop3A_559 : vector<32xbf16>
        %parallel_loop3A_561 = tpu.unpack_subelements %parallel_loop3A_560, 0 {pack_format = #tpu.pack_format<interleaved>} : vector<32xbf16> -> vector<16xf32>
        %parallel_loop3A_562 = tpu.unpack_subelements %parallel_loop3A_560, 1 {pack_format = #tpu.pack_format<interleaved>} : vector<32xbf16> -> vector<16xf32>
        %parallel_loop3A_563 = arith.constant 0 : i32
        %parallel_loop3A_564 = arith.index_cast %parallel_loop3A_563 : i32 to index
        %parallel_loop3A_565 = arith.index_cast %parallel_loop3A_462 : i32 to index
        %parallel_loop3A_566 = arith.constant 96 : index
        %parallel_loop3A_567 = tpu.vector_load %arg11[%parallel_loop3A_564, %parallel_loop3A_565, %parallel_loop3A_566] {strides = array<i32>} : memref<2x200x128xf32, #tpu.memory_space<vmem>>, vector<16xf32>,
        %parallel_loop3A_568 = arith.constant 0 : i32
        %parallel_loop3A_569 = arith.index_cast %parallel_loop3A_568 : i32 to index
        %parallel_loop3A_570 = arith.index_cast %parallel_loop3A_462 : i32 to index
        %parallel_loop3A_571 = arith.constant 112 : index
        %parallel_loop3A_572 = tpu.vector_load %arg11[%parallel_loop3A_569, %parallel_loop3A_570, %parallel_loop3A_571] {strides = array<i32>} : memref<2x200x128xf32, #tpu.memory_space<vmem>>, vector<16xf32>,
        %parallel_loop3A_573 = arith.mulf %parallel_loop3A_561, %parallel_loop3A_567 : vector<16xf32>
        %parallel_loop3A_574 = arith.mulf %parallel_loop3A_562, %parallel_loop3A_572 : vector<16xf32>
        %parallel_loop3A_575 = arith.addf %parallel_loop3A_546, %parallel_loop3A_573 : vector<16xf32>
        %parallel_loop3A_576 = arith.addf %parallel_loop3A_547, %parallel_loop3A_574 : vector<16xf32>
        %parallel_loop3A_577 = arith.addf %parallel_loop3A_575, %parallel_loop3A_576 : vector<16xf32>
        %parallel_loop3A_578 = arith.constant 0 : i32
        %parallel_loop3A_579 = vector.broadcast %parallel_loop3A_578 : i32 to vector<16xi32>
        %parallel_loop3A_580 = arith.cmpi slt, %xor3A_4, %parallel_loop3A_579 : vector<16xi32>
        %parallel_loop3A_581 = arith.constant 16 : i32
        %parallel_loop3A_582 = vector.broadcast %parallel_loop3A_581 : i32 to vector<16xi32>
        %parallel_loop3A_583 = arith.addi %xor3A_4, %parallel_loop3A_582 : vector<16xi32>
        %parallel_loop3A_584 = arith.select %parallel_loop3A_580, %parallel_loop3A_583, %xor3A_4 : vector<16xi1>, vector<16xi32>
        %parallel_loop3A_585 = vector.shape_cast %parallel_loop3A_584 : vector<16xi32> to vector<16x1xi32>
        %parallel_loop3A_586 = vector.shape_cast %parallel_loop3A_585 : vector<16x1xi32> to vector<16xi32>
        %parallel_loop3A_587 = tpu.dynamic_gather %parallel_loop3A_577[%parallel_loop3A_586] in [0] : vector<16xf32>, vector<16xi32> -> vector<16xf32>
        %parallel_loop3A_588 = arith.addf %parallel_loop3A_577, %parallel_loop3A_587 : vector<16xf32>
        %parallel_loop3A_589 = arith.constant 0 : i32
        %parallel_loop3A_590 = vector.broadcast %parallel_loop3A_589 : i32 to vector<16xi32>
        %parallel_loop3A_591 = arith.cmpi slt, %xor3A_7, %parallel_loop3A_590 : vector<16xi32>
        %parallel_loop3A_592 = arith.constant 16 : i32
        %parallel_loop3A_593 = vector.broadcast %parallel_loop3A_592 : i32 to vector<16xi32>
        %parallel_loop3A_594 = arith.addi %xor3A_7, %parallel_loop3A_593 : vector<16xi32>
        %parallel_loop3A_595 = arith.select %parallel_loop3A_591, %parallel_loop3A_594, %xor3A_7 : vector<16xi1>, vector<16xi32>
        %parallel_loop3A_596 = vector.shape_cast %parallel_loop3A_595 : vector<16xi32> to vector<16x1xi32>
        %parallel_loop3A_597 = vector.shape_cast %parallel_loop3A_596 : vector<16x1xi32> to vector<16xi32>
        %parallel_loop3A_598 = tpu.dynamic_gather %parallel_loop3A_588[%parallel_loop3A_597] in [0] : vector<16xf32>, vector<16xi32> -> vector<16xf32>
        %parallel_loop3A_599 = arith.addf %parallel_loop3A_588, %parallel_loop3A_598 : vector<16xf32>
        %parallel_loop3A_600 = arith.constant 0 : i32
        %parallel_loop3A_601 = vector.broadcast %parallel_loop3A_600 : i32 to vector<16xi32>
        %parallel_loop3A_602 = arith.cmpi slt, %xor3A_10, %parallel_loop3A_601 : vector<16xi32>
        %parallel_loop3A_603 = arith.constant 16 : i32
        %parallel_loop3A_604 = vector.broadcast %parallel_loop3A_603 : i32 to vector<16xi32>
        %parallel_loop3A_605 = arith.addi %xor3A_10, %parallel_loop3A_604 : vector<16xi32>
        %parallel_loop3A_606 = arith.select %parallel_loop3A_602, %parallel_loop3A_605, %xor3A_10 : vector<16xi1>, vector<16xi32>
        %parallel_loop3A_607 = vector.shape_cast %parallel_loop3A_606 : vector<16xi32> to vector<16x1xi32>
        %parallel_loop3A_608 = vector.shape_cast %parallel_loop3A_607 : vector<16x1xi32> to vector<16xi32>
        %parallel_loop3A_609 = tpu.dynamic_gather %parallel_loop3A_599[%parallel_loop3A_608] in [0] : vector<16xf32>, vector<16xi32> -> vector<16xf32>
        %parallel_loop3A_610 = arith.addf %parallel_loop3A_599, %parallel_loop3A_609 : vector<16xf32>
        %parallel_loop3A_611 = arith.constant 0 : i32
        %parallel_loop3A_612 = vector.broadcast %parallel_loop3A_611 : i32 to vector<16xi32>
        %parallel_loop3A_613 = arith.cmpi slt, %xor3A_13, %parallel_loop3A_612 : vector<16xi32>
        %parallel_loop3A_614 = arith.constant 16 : i32
        %parallel_loop3A_615 = vector.broadcast %parallel_loop3A_614 : i32 to vector<16xi32>
        %parallel_loop3A_616 = arith.addi %xor3A_13, %parallel_loop3A_615 : vector<16xi32>
        %parallel_loop3A_617 = arith.select %parallel_loop3A_613, %parallel_loop3A_616, %xor3A_13 : vector<16xi1>, vector<16xi32>
        %parallel_loop3A_618 = vector.shape_cast %parallel_loop3A_617 : vector<16xi32> to vector<16x1xi32>
        %parallel_loop3A_619 = vector.shape_cast %parallel_loop3A_618 : vector<16x1xi32> to vector<16xi32>
        %parallel_loop3A_620 = tpu.dynamic_gather %parallel_loop3A_610[%parallel_loop3A_619] in [0] : vector<16xf32>, vector<16xi32> -> vector<16xf32>
        %parallel_loop3A_621 = arith.addf %parallel_loop3A_610, %parallel_loop3A_620 : vector<16xf32>
        %parallel_loop3A_622 = arith.constant 0 : i32
        %parallel_loop3A_623 = arith.index_cast %parallel_loop3A_622 : i32 to index
        %parallel_loop3A_624 = arith.index_cast %parallel_loop3A_462 : i32 to index
        %parallel_loop3A_625 = tpu.vector_load %arg12[%parallel_loop3A_623, %parallel_loop3A_624] masked %eq3A_15 {strides = array<i32>} : memref<2x216xf32, #tpu.memory_space<vmem>>, vector<16xf32>, vector<16xi1>
        tpu.vector_store %arg12[%parallel_loop3A_623, %parallel_loop3A_624], %parallel_loop3A_621 masked %eq3A_15 {strides = array<i32>} : memref<2x216xf32, #tpu.memory_space<vmem>>, vector<16xf32>, vector<16xi1>
      } {sc.loop_unroll_factor = 4 : i64, sc.parallel_access}
      %mul3A_307 = arith.constant 200 : i32
      %mul3A_308 = arith.muli %add3A_197, %mul3A_307 : i32
      %add3A_309 = arith.addi %mul3A_2, %mul3A_308 : i32
      %dma_start3A_310 = arith.constant 0 : i32
      %dma_start3A_311 = arith.constant 0 : i32
      %dma_start3A_312 = tpu.memref_slice %arg12[%dma_start3A_310, %dma_start3A_311] : memref<2x216xf32, #tpu.memory_space<vmem>> -> memref<1x200xf32, #tpu.memory_space<vmem>>
      %dma_start3A_313 = tpu.memref_squeeze %dma_start3A_312 : memref<1x200xf32, #tpu.memory_space<vmem>> -> memref<200xf32, #tpu.memory_space<vmem>>
      %dma_start3A_314 = tpu.memref_slice %arg6[%add3A_309] : memref<320000xf32, #tpu.memory_space<hbm>> -> memref<200xf32, #tpu.memory_space<hbm>>
      %dma_start3A_315 = tpu.memref_slice %arg6[%add3A_309] : memref<320000xf32, #tpu.memory_space<hbm>> -> memref<200xf32, #tpu.memory_space<hbm>>
      %dma_start3A_316 = arith.constant 0 : i32
      %dma_start3A_317 = tpu.memref_slice %arg12[%dma_start3A_310, %dma_start3A_316] : memref<2x216xf32, #tpu.memory_space<vmem>> -> memref<1x200xf32, #tpu.memory_space<vmem>>
      %dma_start3A_318 = tpu.memref_squeeze %dma_start3A_317 : memref<1x200xf32, #tpu.memory_space<vmem>> -> memref<200xf32, #tpu.memory_space<vmem>>
      tpu.enqueue_dma source(%dma_start3A_318 : memref<200xf32, #tpu.memory_space<vmem>>) target(%dma_start3A_315 : memref<200xf32, #tpu.memory_space<hbm>>) target_semaphore(%arg15 : memref<!tpu.dma_semaphore, #tpu.memory_space<semaphore_mem>>)
      %add3A_319 = arith.constant 2 : i32
      %add3A_320 = arith.addi %add3A_197, %add3A_319 : i32
      %lt3A = arith.constant 50 : i32
      %lt3A_321 = arith.cmpi slt, %add3A_320, %lt3A : i32
      %convert_element_type3A_322 = arith.extui %lt3A_321 : i1 to i32
      %cond3A_323 = arith.constant 0 : i32
      %cond3A_324 = arith.cmpi ne, %convert_element_type3A_322, %cond3A_323 : i32
      scf.if %cond3A_324 {
        %add3A_462 = arith.constant 2 : i32
        %add3A_463 = arith.addi %add3A_197, %add3A_462 : i32
        %mul3A_464 = arith.constant 200 : i32
        %mul3A_465 = arith.muli %add3A_463, %mul3A_464 : i32
        %add3A_466 = arith.constant 0 : i32
        %add3A_467 = arith.addi %mul3A_465, %add3A_466 : i32
        %dma_start3A_468 = arith.constant 0 : i32
        %dma_start3A_469 = arith.constant 0 : i32
        %dma_start3A_470 = arith.constant 0 : i32
        %dma_start3A_471 = tpu.memref_slice %arg9[%dma_start3A_468, %dma_start3A_469, %dma_start3A_470] : memref<2x200x64xi32, #tpu.memory_space<vmem>> -> memref<1x80x64xi32, #tpu.memory_space<vmem>>
        %dma_start3A_472 = tpu.memref_squeeze %dma_start3A_471 : memref<1x80x64xi32, #tpu.memory_space<vmem>> -> memref<80x64xi32, #tpu.memory_space<vmem>>
        %dma_start3A_473 = tpu.memref_slice %arg7[%add3A_467] : memref<10000xi32, #tpu.memory_space<vmem>> -> memref<80xi32, #tpu.memory_space<vmem>>
        %dma_start3A_474 = arith.constant 0 : i32
        %dma_start3A_475 = arith.constant 0 : i32
        %dma_start3A_476 = tpu.memref_slice %arg2[%dma_start3A_474, %dma_start3A_475] : memref<10000x64xi32, #tpu.memory_space<hbm>> -> memref<10000x64xi32, #tpu.memory_space<hbm>>
        tpu.enqueue_indirect_dma source(%dma_start3A_476 : memref<10000x64xi32, #tpu.memory_space<hbm>>) target(%dma_start3A_472 : memref<80x64xi32, #tpu.memory_space<vmem>>) offsets(%dma_start3A_473 : memref<80xi32, #tpu.memory_space<vmem>>) semaphore(%arg13 : memref<!tpu.dma_semaphore, #tpu.memory_space<semaphore_mem>>)
        %add3A_477 = arith.constant 0 : i32
        %add3A_478 = arith.addi %mul3A_465, %add3A_477 : i32
        %dma_start3A_479 = arith.constant 0 : i32
        %dma_start3A_480 = arith.constant 0 : i32
        %dma_start3A_481 = arith.constant 0 : i32
        %dma_start3A_482 = tpu.memref_slice %arg10[%dma_start3A_479, %dma_start3A_480, %dma_start3A_481] : memref<2x200x64xi32, #tpu.memory_space<vmem>> -> memref<1x80x64xi32, #tpu.memory_space<vmem>>
        %dma_start3A_483 = tpu.memref_squeeze %dma_start3A_482 : memref<1x80x64xi32, #tpu.memory_space<vmem>> -> memref<80x64xi32, #tpu.memory_space<vmem>>
        %dma_start3A_484 = tpu.memref_slice %arg8[%add3A_478] : memref<10000xi32, #tpu.memory_space<vmem>> -> memref<80xi32, #tpu.memory_space<vmem>>
        %dma_start3A_485 = arith.constant 0 : i32
        %dma_start3A_486 = arith.constant 0 : i32
        %dma_start3A_487 = tpu.memref_slice %arg2[%dma_start3A_485, %dma_start3A_486] : memref<10000x64xi32, #tpu.memory_space<hbm>> -> memref<10000x64xi32, #tpu.memory_space<hbm>>
        tpu.enqueue_indirect_dma source(%dma_start3A_487 : memref<10000x64xi32, #tpu.memory_space<hbm>>) target(%dma_start3A_483 : memref<80x64xi32, #tpu.memory_space<vmem>>) offsets(%dma_start3A_484 : memref<80xi32, #tpu.memory_space<vmem>>) semaphore(%arg13 : memref<!tpu.dma_semaphore, #tpu.memory_space<semaphore_mem>>)
        %add3A_488 = arith.constant 80 : i32
        %add3A_489 = arith.addi %mul3A_465, %add3A_488 : i32
        %dma_start3A_490 = arith.constant 0 : i32
        %dma_start3A_491 = arith.constant 80 : i32
        %dma_start3A_492 = arith.constant 0 : i32
        %dma_start3A_493 = tpu.memref_slice %arg9[%dma_start3A_490, %dma_start3A_491, %dma_start3A_492] : memref<2x200x64xi32, #tpu.memory_space<vmem>> -> memref<1x80x64xi32, #tpu.memory_space<vmem>>
        %dma_start3A_494 = tpu.memref_squeeze %dma_start3A_493 : memref<1x80x64xi32, #tpu.memory_space<vmem>> -> memref<80x64xi32, #tpu.memory_space<vmem>>
        %dma_start3A_495 = tpu.memref_slice %arg7[%add3A_489] : memref<10000xi32, #tpu.memory_space<vmem>> -> memref<80xi32, #tpu.memory_space<vmem>>
        %dma_start3A_496 = arith.constant 0 : i32
        %dma_start3A_497 = arith.constant 0 : i32
        %dma_start3A_498 = tpu.memref_slice %arg2[%dma_start3A_496, %dma_start3A_497] : memref<10000x64xi32, #tpu.memory_space<hbm>> -> memref<10000x64xi32, #tpu.memory_space<hbm>>
        tpu.enqueue_indirect_dma source(%dma_start3A_498 : memref<10000x64xi32, #tpu.memory_space<hbm>>) target(%dma_start3A_494 : memref<80x64xi32, #tpu.memory_space<vmem>>) offsets(%dma_start3A_495 : memref<80xi32, #tpu.memory_space<vmem>>) semaphore(%arg13 : memref<!tpu.dma_semaphore, #tpu.memory_space<semaphore_mem>>)
        %add3A_499 = arith.constant 80 : i32
        %add3A_500 = arith.addi %mul3A_465, %add3A_499 : i32
        %dma_start3A_501 = arith.constant 0 : i32
        %dma_start3A_502 = arith.constant 80 : i32
        %dma_start3A_503 = arith.constant 0 : i32
        %dma_start3A_504 = tpu.memref_slice %arg10[%dma_start3A_501, %dma_start3A_502, %dma_start3A_503] : memref<2x200x64xi32, #tpu.memory_space<vmem>> -> memref<1x80x64xi32, #tpu.memory_space<vmem>>
        %dma_start3A_505 = tpu.memref_squeeze %dma_start3A_504 : memref<1x80x64xi32, #tpu.memory_space<vmem>> -> memref<80x64xi32, #tpu.memory_space<vmem>>
        %dma_start3A_506 = tpu.memref_slice %arg8[%add3A_500] : memref<10000xi32, #tpu.memory_space<vmem>> -> memref<80xi32, #tpu.memory_space<vmem>>
        %dma_start3A_507 = arith.constant 0 : i32
        %dma_start3A_508 = arith.constant 0 : i32
        %dma_start3A_509 = tpu.memref_slice %arg2[%dma_start3A_507, %dma_start3A_508] : memref<10000x64xi32, #tpu.memory_space<hbm>> -> memref<10000x64xi32, #tpu.memory_space<hbm>>
        tpu.enqueue_indirect_dma source(%dma_start3A_509 : memref<10000x64xi32, #tpu.memory_space<hbm>>) target(%dma_start3A_505 : memref<80x64xi32, #tpu.memory_space<vmem>>) offsets(%dma_start3A_506 : memref<80xi32, #tpu.memory_space<vmem>>) semaphore(%arg13 : memref<!tpu.dma_semaphore, #tpu.memory_space<semaphore_mem>>)
        %add3A_510 = arith.constant 160 : i32
        %add3A_511 = arith.addi %mul3A_465, %add3A_510 : i32
        %dma_start3A_512 = arith.constant 0 : i32
        %dma_start3A_513 = arith.constant 160 : i32
        %dma_start3A_514 = arith.constant 0 : i32
        %dma_start3A_515 = tpu.memref_slice %arg9[%dma_start3A_512, %dma_start3A_513, %dma_start3A_514] : memref<2x200x64xi32, #tpu.memory_space<vmem>> -> memref<1x40x64xi32, #tpu.memory_space<vmem>>
        %dma_start3A_516 = tpu.memref_squeeze %dma_start3A_515 : memref<1x40x64xi32, #tpu.memory_space<vmem>> -> memref<40x64xi32, #tpu.memory_space<vmem>>
        %dma_start3A_517 = tpu.memref_slice %arg7[%add3A_511] : memref<10000xi32, #tpu.memory_space<vmem>> -> memref<40xi32, #tpu.memory_space<vmem>>
        %dma_start3A_518 = arith.constant 0 : i32
        %dma_start3A_519 = arith.constant 0 : i32
        %dma_start3A_520 = tpu.memref_slice %arg2[%dma_start3A_518, %dma_start3A_519] : memref<10000x64xi32, #tpu.memory_space<hbm>> -> memref<10000x64xi32, #tpu.memory_space<hbm>>
        tpu.enqueue_indirect_dma source(%dma_start3A_520 : memref<10000x64xi32, #tpu.memory_space<hbm>>) target(%dma_start3A_516 : memref<40x64xi32, #tpu.memory_space<vmem>>) offsets(%dma_start3A_517 : memref<40xi32, #tpu.memory_space<vmem>>) semaphore(%arg13 : memref<!tpu.dma_semaphore, #tpu.memory_space<semaphore_mem>>)
        %add3A_521 = arith.constant 160 : i32
        %add3A_522 = arith.addi %mul3A_465, %add3A_521 : i32
        %dma_start3A_523 = arith.constant 0 : i32
        %dma_start3A_524 = arith.constant 160 : i32
        %dma_start3A_525 = arith.constant 0 : i32
        %dma_start3A_526 = tpu.memref_slice %arg10[%dma_start3A_523, %dma_start3A_524, %dma_start3A_525] : memref<2x200x64xi32, #tpu.memory_space<vmem>> -> memref<1x40x64xi32, #tpu.memory_space<vmem>>
        %dma_start3A_527 = tpu.memref_squeeze %dma_start3A_526 : memref<1x40x64xi32, #tpu.memory_space<vmem>> -> memref<40x64xi32, #tpu.memory_space<vmem>>
        %dma_start3A_528 = tpu.memref_slice %arg8[%add3A_522] : memref<10000xi32, #tpu.memory_space<vmem>> -> memref<40xi32, #tpu.memory_space<vmem>>
        %dma_start3A_529 = arith.constant 0 : i32
        %dma_start3A_530 = arith.constant 0 : i32
        %dma_start3A_531 = tpu.memref_slice %arg2[%dma_start3A_529, %dma_start3A_530] : memref<10000x64xi32, #tpu.memory_space<hbm>> -> memref<10000x64xi32, #tpu.memory_space<hbm>>
        tpu.enqueue_indirect_dma source(%dma_start3A_531 : memref<10000x64xi32, #tpu.memory_space<hbm>>) target(%dma_start3A_527 : memref<40x64xi32, #tpu.memory_space<vmem>>) offsets(%dma_start3A_528 : memref<40xi32, #tpu.memory_space<vmem>>) semaphore(%arg13 : memref<!tpu.dma_semaphore, #tpu.memory_space<semaphore_mem>>)
        %add3A_532 = arith.addi %mul3A_2, %mul3A_465 : i32
        %dma_start3A_533 = arith.constant 0 : i32
        %dma_start3A_534 = arith.constant 0 : i32
        %dma_start3A_535 = arith.constant 0 : i32
        %dma_start3A_536 = tpu.memref_slice %arg11[%dma_start3A_533, %dma_start3A_534, %dma_start3A_535] : memref<2x200x128xf32, #tpu.memory_space<vmem>> -> memref<1x200x128xf32, #tpu.memory_space<vmem>>
        %dma_start3A_537 = tpu.memref_squeeze %dma_start3A_536 : memref<1x200x128xf32, #tpu.memory_space<vmem>> -> memref<200x128xf32, #tpu.memory_space<vmem>>
        %dma_start3A_538 = arith.constant 0 : i32
        %dma_start3A_539 = tpu.memref_slice %arg3[%add3A_532, %dma_start3A_538] : memref<320000x128xf32, #tpu.memory_space<hbm>> -> memref<200x128xf32, #tpu.memory_space<hbm>>
        %dma_start3A_540 = arith.constant 0 : i32
        %dma_start3A_541 = arith.constant 0 : i32
        %dma_start3A_542 = tpu.memref_slice %arg11[%dma_start3A_533, %dma_start3A_540, %dma_start3A_541] : memref<2x200x128xf32, #tpu.memory_space<vmem>> -> memref<1x200x128xf32, #tpu.memory_space<vmem>>
        %dma_start3A_543 = tpu.memref_squeeze %dma_start3A_542 : memref<1x200x128xf32, #tpu.memory_space<vmem>> -> memref<200x128xf32, #tpu.memory_space<vmem>>
        %dma_start3A_544 = arith.constant 0 : i32
        %dma_start3A_545 = tpu.memref_slice %arg3[%add3A_532, %dma_start3A_544] : memref<320000x128xf32, #tpu.memory_space<hbm>> -> memref<200x128xf32, #tpu.memory_space<hbm>>
        tpu.enqueue_dma source(%dma_start3A_545 : memref<200x128xf32, #tpu.memory_space<hbm>>) target(%dma_start3A_543 : memref<200x128xf32, #tpu.memory_space<vmem>>) target_semaphore(%arg13 : memref<!tpu.dma_semaphore, #tpu.memory_space<semaphore_mem>>)
      } else {
      }
      %mul3A_325 = arith.constant 2 : i32
      %mul3A_326 = arith.muli %scan3A_192, %mul3A_325 : i32
      %add3A_327 = arith.constant 1 : i32
      %add3A_328 = arith.addi %mul3A_326, %add3A_327 : i32
      %dma_wait3A_329 = arith.constant 1 : i32
      %dma_wait3A_330 = arith.constant 0 : i32
      %dma_wait3A_331 = arith.constant 0 : i32
      %dma_wait3A_332 = tpu.memref_slice %arg9[%dma_wait3A_329, %dma_wait3A_330, %dma_wait3A_331] : memref<2x200x64xi32, #tpu.memory_space<vmem>> -> memref<1x80x64xi32, #tpu.memory_space<vmem>>
      %dma_wait3A_333 = tpu.memref_squeeze %dma_wait3A_332 : memref<1x80x64xi32, #tpu.memory_space<vmem>> -> memref<80x64xi32, #tpu.memory_space<vmem>>
      %dma_wait3A_334 = arith.constant 0 : i32
      %dma_wait3A_335 = arith.constant 0 : i32
      %dma_wait3A_336 = tpu.memref_slice %arg2[%dma_wait3A_334, %dma_wait3A_335] : memref<10000x64xi32, #tpu.memory_space<hbm>> -> memref<80x64xi32, #tpu.memory_space<hbm>>
      %dma_wait3A_337 = arith.constant 0 : i32
      %dma_wait3A_338 = arith.constant 0 : i32
      %dma_wait3A_339 = tpu.memref_slice %arg9[%dma_wait3A_329, %dma_wait3A_337, %dma_wait3A_338] : memref<2x200x64xi32, #tpu.memory_space<vmem>> -> memref<1x80x64xi32, #tpu.memory_space<vmem>>
      %dma_wait3A_340 = tpu.memref_squeeze %dma_wait3A_339 : memref<1x80x64xi32, #tpu.memory_space<vmem>> -> memref<80x64xi32, #tpu.memory_space<vmem>>
      %dma_wait3A_341 = arith.constant 0 : i32
      %dma_wait3A_342 = arith.constant 0 : i32
      %dma_wait3A_343 = tpu.memref_slice %arg2[%dma_wait3A_341, %dma_wait3A_342] : memref<10000x64xi32, #tpu.memory_space<hbm>> -> memref<80x64xi32, #tpu.memory_space<hbm>>
      tpu.wait_dma2 semaphore(%arg14 : memref<!tpu.dma_semaphore, #tpu.memory_space<semaphore_mem>>) src(%dma_wait3A_343 : memref<80x64xi32, #tpu.memory_space<hbm>>) dst(%dma_wait3A_340 : memref<80x64xi32, #tpu.memory_space<vmem>>)
      %dma_wait3A_344 = arith.constant 1 : i32
      %dma_wait3A_345 = arith.constant 0 : i32
      %dma_wait3A_346 = arith.constant 0 : i32
      %dma_wait3A_347 = tpu.memref_slice %arg10[%dma_wait3A_344, %dma_wait3A_345, %dma_wait3A_346] : memref<2x200x64xi32, #tpu.memory_space<vmem>> -> memref<1x80x64xi32, #tpu.memory_space<vmem>>
      %dma_wait3A_348 = tpu.memref_squeeze %dma_wait3A_347 : memref<1x80x64xi32, #tpu.memory_space<vmem>> -> memref<80x64xi32, #tpu.memory_space<vmem>>
      %dma_wait3A_349 = arith.constant 0 : i32
      %dma_wait3A_350 = arith.constant 0 : i32
      %dma_wait3A_351 = tpu.memref_slice %arg2[%dma_wait3A_349, %dma_wait3A_350] : memref<10000x64xi32, #tpu.memory_space<hbm>> -> memref<80x64xi32, #tpu.memory_space<hbm>>
      %dma_wait3A_352 = arith.constant 0 : i32
      %dma_wait3A_353 = arith.constant 0 : i32
      %dma_wait3A_354 = tpu.memref_slice %arg10[%dma_wait3A_344, %dma_wait3A_352, %dma_wait3A_353] : memref<2x200x64xi32, #tpu.memory_space<vmem>> -> memref<1x80x64xi32, #tpu.memory_space<vmem>>
      %dma_wait3A_355 = tpu.memref_squeeze %dma_wait3A_354 : memref<1x80x64xi32, #tpu.memory_space<vmem>> -> memref<80x64xi32, #tpu.memory_space<vmem>>
      %dma_wait3A_356 = arith.constant 0 : i32
      %dma_wait3A_357 = arith.constant 0 : i32
      %dma_wait3A_358 = tpu.memref_slice %arg2[%dma_wait3A_356, %dma_wait3A_357] : memref<10000x64xi32, #tpu.memory_space<hbm>> -> memref<80x64xi32, #tpu.memory_space<hbm>>
      tpu.wait_dma2 semaphore(%arg14 : memref<!tpu.dma_semaphore, #tpu.memory_space<semaphore_mem>>) src(%dma_wait3A_358 : memref<80x64xi32, #tpu.memory_space<hbm>>) dst(%dma_wait3A_355 : memref<80x64xi32, #tpu.memory_space<vmem>>)
      %dma_wait3A_359 = arith.constant 1 : i32
      %dma_wait3A_360 = arith.constant 0 : i32
      %dma_wait3A_361 = arith.constant 0 : i32
      %dma_wait3A_362 = tpu.memref_slice %arg9[%dma_wait3A_359, %dma_wait3A_360, %dma_wait3A_361] : memref<2x200x64xi32, #tpu.memory_space<vmem>> -> memref<1x80x64xi32, #tpu.memory_space<vmem>>
      %dma_wait3A_363 = tpu.memref_squeeze %dma_wait3A_362 : memref<1x80x64xi32, #tpu.memory_space<vmem>> -> memref<80x64xi32, #tpu.memory_space<vmem>>
      %dma_wait3A_364 = arith.constant 0 : i32
      %dma_wait3A_365 = arith.constant 0 : i32
      %dma_wait3A_366 = tpu.memref_slice %arg2[%dma_wait3A_364, %dma_wait3A_365] : memref<10000x64xi32, #tpu.memory_space<hbm>> -> memref<80x64xi32, #tpu.memory_space<hbm>>
      %dma_wait3A_367 = arith.constant 0 : i32
      %dma_wait3A_368 = arith.constant 0 : i32
      %dma_wait3A_369 = tpu.memref_slice %arg9[%dma_wait3A_359, %dma_wait3A_367, %dma_wait3A_368] : memref<2x200x64xi32, #tpu.memory_space<vmem>> -> memref<1x80x64xi32, #tpu.memory_space<vmem>>
      %dma_wait3A_370 = tpu.memref_squeeze %dma_wait3A_369 : memref<1x80x64xi32, #tpu.memory_space<vmem>> -> memref<80x64xi32, #tpu.memory_space<vmem>>
      %dma_wait3A_371 = arith.constant 0 : i32
      %dma_wait3A_372 = arith.constant 0 : i32
      %dma_wait3A_373 = tpu.memref_slice %arg2[%dma_wait3A_371, %dma_wait3A_372] : memref<10000x64xi32, #tpu.memory_space<hbm>> -> memref<80x64xi32, #tpu.memory_space<hbm>>
      tpu.wait_dma2 semaphore(%arg14 : memref<!tpu.dma_semaphore, #tpu.memory_space<semaphore_mem>>) src(%dma_wait3A_373 : memref<80x64xi32, #tpu.memory_space<hbm>>) dst(%dma_wait3A_370 : memref<80x64xi32, #tpu.memory_space<vmem>>)
      %dma_wait3A_374 = arith.constant 1 : i32
      %dma_wait3A_375 = arith.constant 0 : i32
      %dma_wait3A_376 = arith.constant 0 : i32
      %dma_wait3A_377 = tpu.memref_slice %arg10[%dma_wait3A_374, %dma_wait3A_375, %dma_wait3A_376] : memref<2x200x64xi32, #tpu.memory_space<vmem>> -> memref<1x80x64xi32, #tpu.memory_space<vmem>>
      %dma_wait3A_378 = tpu.memref_squeeze %dma_wait3A_377 : memref<1x80x64xi32, #tpu.memory_space<vmem>> -> memref<80x64xi32, #tpu.memory_space<vmem>>
      %dma_wait3A_379 = arith.constant 0 : i32
      %dma_wait3A_380 = arith.constant 0 : i32
      %dma_wait3A_381 = tpu.memref_slice %arg2[%dma_wait3A_379, %dma_wait3A_380] : memref<10000x64xi32, #tpu.memory_space<hbm>> -> memref<80x64xi32, #tpu.memory_space<hbm>>
      %dma_wait3A_382 = arith.constant 0 : i32
      %dma_wait3A_383 = arith.constant 0 : i32
      %dma_wait3A_384 = tpu.memref_slice %arg10[%dma_wait3A_374, %dma_wait3A_382, %dma_wait3A_383] : memref<2x200x64xi32, #tpu.memory_space<vmem>> -> memref<1x80x64xi32, #tpu.memory_space<vmem>>
      %dma_wait3A_385 = tpu.memref_squeeze %dma_wait3A_384 : memref<1x80x64xi32, #tpu.memory_space<vmem>> -> memref<80x64xi32, #tpu.memory_space<vmem>>
      %dma_wait3A_386 = arith.constant 0 : i32
      %dma_wait3A_387 = arith.constant 0 : i32
      %dma_wait3A_388 = tpu.memref_slice %arg2[%dma_wait3A_386, %dma_wait3A_387] : memref<10000x64xi32, #tpu.memory_space<hbm>> -> memref<80x64xi32, #tpu.memory_space<hbm>>
      tpu.wait_dma2 semaphore(%arg14 : memref<!tpu.dma_semaphore, #tpu.memory_space<semaphore_mem>>) src(%dma_wait3A_388 : memref<80x64xi32, #tpu.memory_space<hbm>>) dst(%dma_wait3A_385 : memref<80x64xi32, #tpu.memory_space<vmem>>)
      %dma_wait3A_389 = arith.constant 1 : i32
      %dma_wait3A_390 = arith.constant 0 : i32
      %dma_wait3A_391 = arith.constant 0 : i32
      %dma_wait3A_392 = tpu.memref_slice %arg9[%dma_wait3A_389, %dma_wait3A_390, %dma_wait3A_391] : memref<2x200x64xi32, #tpu.memory_space<vmem>> -> memref<1x40x64xi32, #tpu.memory_space<vmem>>
      %dma_wait3A_393 = tpu.memref_squeeze %dma_wait3A_392 : memref<1x40x64xi32, #tpu.memory_space<vmem>> -> memref<40x64xi32, #tpu.memory_space<vmem>>
      %dma_wait3A_394 = arith.constant 0 : i32
      %dma_wait3A_395 = arith.constant 0 : i32
      %dma_wait3A_396 = tpu.memref_slice %arg2[%dma_wait3A_394, %dma_wait3A_395] : memref<10000x64xi32, #tpu.memory_space<hbm>> -> memref<40x64xi32, #tpu.memory_space<hbm>>
      %dma_wait3A_397 = arith.constant 0 : i32
      %dma_wait3A_398 = arith.constant 0 : i32
      %dma_wait3A_399 = tpu.memref_slice %arg9[%dma_wait3A_389, %dma_wait3A_397, %dma_wait3A_398] : memref<2x200x64xi32, #tpu.memory_space<vmem>> -> memref<1x40x64xi32, #tpu.memory_space<vmem>>
      %dma_wait3A_400 = tpu.memref_squeeze %dma_wait3A_399 : memref<1x40x64xi32, #tpu.memory_space<vmem>> -> memref<40x64xi32, #tpu.memory_space<vmem>>
      %dma_wait3A_401 = arith.constant 0 : i32
      %dma_wait3A_402 = arith.constant 0 : i32
      %dma_wait3A_403 = tpu.memref_slice %arg2[%dma_wait3A_401, %dma_wait3A_402] : memref<10000x64xi32, #tpu.memory_space<hbm>> -> memref<40x64xi32, #tpu.memory_space<hbm>>
      tpu.wait_dma2 semaphore(%arg14 : memref<!tpu.dma_semaphore, #tpu.memory_space<semaphore_mem>>) src(%dma_wait3A_403 : memref<40x64xi32, #tpu.memory_space<hbm>>) dst(%dma_wait3A_400 : memref<40x64xi32, #tpu.memory_space<vmem>>)
      %dma_wait3A_404 = arith.constant 1 : i32
      %dma_wait3A_405 = arith.constant 0 : i32
      %dma_wait3A_406 = arith.constant 0 : i32
      %dma_wait3A_407 = tpu.memref_slice %arg10[%dma_wait3A_404, %dma_wait3A_405, %dma_wait3A_406] : memref<2x200x64xi32, #tpu.memory_space<vmem>> -> memref<1x40x64xi32, #tpu.memory_space<vmem>>
      %dma_wait3A_408 = tpu.memref_squeeze %dma_wait3A_407 : memref<1x40x64xi32, #tpu.memory_space<vmem>> -> memref<40x64xi32, #tpu.memory_space<vmem>>
      %dma_wait3A_409 = arith.constant 0 : i32
      %dma_wait3A_410 = arith.constant 0 : i32
      %dma_wait3A_411 = tpu.memref_slice %arg2[%dma_wait3A_409, %dma_wait3A_410] : memref<10000x64xi32, #tpu.memory_space<hbm>> -> memref<40x64xi32, #tpu.memory_space<hbm>>
      %dma_wait3A_412 = arith.constant 0 : i32
      %dma_wait3A_413 = arith.constant 0 : i32
      %dma_wait3A_414 = tpu.memref_slice %arg10[%dma_wait3A_404, %dma_wait3A_412, %dma_wait3A_413] : memref<2x200x64xi32, #tpu.memory_space<vmem>> -> memref<1x40x64xi32, #tpu.memory_space<vmem>>
      %dma_wait3A_415 = tpu.memref_squeeze %dma_wait3A_414 : memref<1x40x64xi32, #tpu.memory_space<vmem>> -> memref<40x64xi32, #tpu.memory_space<vmem>>
      %dma_wait3A_416 = arith.constant 0 : i32
      %dma_wait3A_417 = arith.constant 0 : i32
      %dma_wait3A_418 = tpu.memref_slice %arg2[%dma_wait3A_416, %dma_wait3A_417] : memref<10000x64xi32, #tpu.memory_space<hbm>> -> memref<40x64xi32, #tpu.memory_space<hbm>>
      tpu.wait_dma2 semaphore(%arg14 : memref<!tpu.dma_semaphore, #tpu.memory_space<semaphore_mem>>) src(%dma_wait3A_418 : memref<40x64xi32, #tpu.memory_space<hbm>>) dst(%dma_wait3A_415 : memref<40x64xi32, #tpu.memory_space<vmem>>)
      %dma_wait3A_419 = arith.constant 1 : i32
      %dma_wait3A_420 = arith.constant 0 : i32
      %dma_wait3A_421 = arith.constant 0 : i32
      %dma_wait3A_422 = tpu.memref_slice %arg11[%dma_wait3A_419, %dma_wait3A_420, %dma_wait3A_421] : memref<2x200x128xf32, #tpu.memory_space<vmem>> -> memref<1x200x128xf32, #tpu.memory_space<vmem>>
      %dma_wait3A_423 = tpu.memref_squeeze %dma_wait3A_422 : memref<1x200x128xf32, #tpu.memory_space<vmem>> -> memref<200x128xf32, #tpu.memory_space<vmem>>
      %dma_wait3A_424 = arith.constant 0 : i32
      %dma_wait3A_425 = arith.constant 0 : i32
      %dma_wait3A_426 = tpu.memref_slice %arg3[%dma_wait3A_424, %dma_wait3A_425] : memref<320000x128xf32, #tpu.memory_space<hbm>> -> memref<200x128xf32, #tpu.memory_space<hbm>>
      %dma_wait3A_427 = arith.constant 0 : i32
      %dma_wait3A_428 = arith.constant 0 : i32
      %dma_wait3A_429 = tpu.memref_slice %arg11[%dma_wait3A_419, %dma_wait3A_427, %dma_wait3A_428] : memref<2x200x128xf32, #tpu.memory_space<vmem>> -> memref<1x200x128xf32, #tpu.memory_space<vmem>>
      %dma_wait3A_430 = tpu.memref_squeeze %dma_wait3A_429 : memref<1x200x128xf32, #tpu.memory_space<vmem>> -> memref<200x128xf32, #tpu.memory_space<vmem>>
      %dma_wait3A_431 = arith.constant 0 : i32
      %dma_wait3A_432 = arith.constant 0 : i32
      %dma_wait3A_433 = tpu.memref_slice %arg3[%dma_wait3A_431, %dma_wait3A_432] : memref<320000x128xf32, #tpu.memory_space<hbm>> -> memref<200x128xf32, #tpu.memory_space<hbm>>
      tpu.wait_dma2 semaphore(%arg14 : memref<!tpu.dma_semaphore, #tpu.memory_space<semaphore_mem>>) src(%dma_wait3A_433 : memref<200x128xf32, #tpu.memory_space<hbm>>) dst(%dma_wait3A_430 : memref<200x128xf32, #tpu.memory_space<vmem>>)
      %ge3A_434 = arith.constant 2 : i32
      %ge3A_435 = arith.cmpi sge, %add3A_328, %ge3A_434 : i32
      %convert_element_type3A_436 = arith.extui %ge3A_435 : i1 to i32
      %cond3A_437 = arith.constant 0 : i32
      %cond3A_438 = arith.cmpi ne, %convert_element_type3A_436, %cond3A_437 : i32
      scf.if %cond3A_438 {
        %dma_wait3A_462 = arith.constant 1 : i32
        %dma_wait3A_463 = arith.constant 0 : i32
        %dma_wait3A_464 = tpu.memref_slice %arg12[%dma_wait3A_462, %dma_wait3A_463] : memref<2x216xf32, #tpu.memory_space<vmem>> -> memref<1x200xf32, #tpu.memory_space<vmem>>
        %dma_wait3A_465 = tpu.memref_squeeze %dma_wait3A_464 : memref<1x200xf32, #tpu.memory_space<vmem>> -> memref<200xf32, #tpu.memory_space<vmem>>
        %dma_wait3A_466 = arith.constant 0 : i32
        %dma_wait3A_467 = tpu.memref_slice %arg6[%dma_wait3A_466] : memref<320000xf32, #tpu.memory_space<hbm>> -> memref<200xf32, #tpu.memory_space<hbm>>
        %dma_wait3A_468 = arith.constant 0 : i32
        %dma_wait3A_469 = tpu.memref_slice %arg12[%dma_wait3A_462, %dma_wait3A_468] : memref<2x216xf32, #tpu.memory_space<vmem>> -> memref<1x200xf32, #tpu.memory_space<vmem>>
        %dma_wait3A_470 = tpu.memref_squeeze %dma_wait3A_469 : memref<1x200xf32, #tpu.memory_space<vmem>> -> memref<200xf32, #tpu.memory_space<vmem>>
        %dma_wait3A_471 = arith.constant 0 : i32
        %dma_wait3A_472 = tpu.memref_slice %arg6[%dma_wait3A_471] : memref<320000xf32, #tpu.memory_space<hbm>> -> memref<200xf32, #tpu.memory_space<hbm>>
        tpu.wait_dma2 semaphore(%arg16 : memref<!tpu.dma_semaphore, #tpu.memory_space<semaphore_mem>>) src(%dma_wait3A_472 : memref<200xf32, #tpu.memory_space<hbm>>) dst(%dma_wait3A_470 : memref<200xf32, #tpu.memory_space<vmem>>)
      } else {
      }
      %parallel_loop3A_439 = arith.constant 0 : i32
      %parallel_loop3A_440 = arith.constant 200 : i32
      %parallel_loop3A_441 = arith.constant 1 : i32
      scf.for %parallel_loop3A_462 = %parallel_loop3A_439 to %parallel_loop3A_440 step %parallel_loop3A_441  : i32 {
        %parallel_loop3A_463 = arith.constant 1 : i32
        %parallel_loop3A_464 = arith.index_cast %parallel_loop3A_463 : i32 to index
        %parallel_loop3A_465 = arith.index_cast %parallel_loop3A_462 : i32 to index
        %parallel_loop3A_466 = arith.constant 0 : index
        %parallel_loop3A_467 = tpu.vector_load %arg9[%parallel_loop3A_464, %parallel_loop3A_465, %parallel_loop3A_466] {strides = array<i32>} : memref<2x200x64xi32, #tpu.memory_space<vmem>>, vector<16xi32>,
        %parallel_loop3A_468 = vector.bitcast %parallel_loop3A_467 : vector<16xi32> to vector<32xbf16>
        %parallel_loop3A_469 = arith.constant 1 : i32
        %parallel_loop3A_470 = arith.index_cast %parallel_loop3A_469 : i32 to index
        %parallel_loop3A_471 = arith.index_cast %parallel_loop3A_462 : i32 to index
        %parallel_loop3A_472 = arith.constant 0 : index
        %parallel_loop3A_473 = tpu.vector_load %arg10[%parallel_loop3A_470, %parallel_loop3A_471, %parallel_loop3A_472] {strides = array<i32>} : memref<2x200x64xi32, #tpu.memory_space<vmem>>, vector<16xi32>,
        %parallel_loop3A_474 = vector.bitcast %parallel_loop3A_473 : vector<16xi32> to vector<32xbf16>
        %parallel_loop3A_475 = arith.mulf %parallel_loop3A_468, %parallel_loop3A_474 : vector<32xbf16>
        %parallel_loop3A_476 = tpu.unpack_subelements %parallel_loop3A_475, 0 {pack_format = #tpu.pack_format<interleaved>} : vector<32xbf16> -> vector<16xf32>
        %parallel_loop3A_477 = tpu.unpack_subelements %parallel_loop3A_475, 1 {pack_format = #tpu.pack_format<interleaved>} : vector<32xbf16> -> vector<16xf32>
        %parallel_loop3A_478 = arith.constant 1 : i32
        %parallel_loop3A_479 = arith.index_cast %parallel_loop3A_478 : i32 to index
        %parallel_loop3A_480 = arith.index_cast %parallel_loop3A_462 : i32 to index
        %parallel_loop3A_481 = arith.constant 0 : index
        %parallel_loop3A_482 = tpu.vector_load %arg11[%parallel_loop3A_479, %parallel_loop3A_480, %parallel_loop3A_481] {strides = array<i32>} : memref<2x200x128xf32, #tpu.memory_space<vmem>>, vector<16xf32>,
        %parallel_loop3A_483 = arith.constant 1 : i32
        %parallel_loop3A_484 = arith.index_cast %parallel_loop3A_483 : i32 to index
        %parallel_loop3A_485 = arith.index_cast %parallel_loop3A_462 : i32 to index
        %parallel_loop3A_486 = arith.constant 16 : index
        %parallel_loop3A_487 = tpu.vector_load %arg11[%parallel_loop3A_484, %parallel_loop3A_485, %parallel_loop3A_486] {strides = array<i32>} : memref<2x200x128xf32, #tpu.memory_space<vmem>>, vector<16xf32>,
        %parallel_loop3A_488 = arith.mulf %parallel_loop3A_476, %parallel_loop3A_482 : vector<16xf32>
        %parallel_loop3A_489 = arith.mulf %parallel_loop3A_477, %parallel_loop3A_487 : vector<16xf32>
        %parallel_loop3A_490 = arith.constant 1 : i32
        %parallel_loop3A_491 = arith.index_cast %parallel_loop3A_490 : i32 to index
        %parallel_loop3A_492 = arith.index_cast %parallel_loop3A_462 : i32 to index
        %parallel_loop3A_493 = arith.constant 16 : index
        %parallel_loop3A_494 = tpu.vector_load %arg9[%parallel_loop3A_491, %parallel_loop3A_492, %parallel_loop3A_493] {strides = array<i32>} : memref<2x200x64xi32, #tpu.memory_space<vmem>>, vector<16xi32>,
        %parallel_loop3A_495 = vector.bitcast %parallel_loop3A_494 : vector<16xi32> to vector<32xbf16>
        %parallel_loop3A_496 = arith.constant 1 : i32
        %parallel_loop3A_497 = arith.index_cast %parallel_loop3A_496 : i32 to index
        %parallel_loop3A_498 = arith.index_cast %parallel_loop3A_462 : i32 to index
        %parallel_loop3A_499 = arith.constant 16 : index
        %parallel_loop3A_500 = tpu.vector_load %arg10[%parallel_loop3A_497, %parallel_loop3A_498, %parallel_loop3A_499] {strides = array<i32>} : memref<2x200x64xi32, #tpu.memory_space<vmem>>, vector<16xi32>,
        %parallel_loop3A_501 = vector.bitcast %parallel_loop3A_500 : vector<16xi32> to vector<32xbf16>
        %parallel_loop3A_502 = arith.mulf %parallel_loop3A_495, %parallel_loop3A_501 : vector<32xbf16>
        %parallel_loop3A_503 = tpu.unpack_subelements %parallel_loop3A_502, 0 {pack_format = #tpu.pack_format<interleaved>} : vector<32xbf16> -> vector<16xf32>
        %parallel_loop3A_504 = tpu.unpack_subelements %parallel_loop3A_502, 1 {pack_format = #tpu.pack_format<interleaved>} : vector<32xbf16> -> vector<16xf32>
        %parallel_loop3A_505 = arith.constant 1 : i32
        %parallel_loop3A_506 = arith.index_cast %parallel_loop3A_505 : i32 to index
        %parallel_loop3A_507 = arith.index_cast %parallel_loop3A_462 : i32 to index
        %parallel_loop3A_508 = arith.constant 32 : index
        %parallel_loop3A_509 = tpu.vector_load %arg11[%parallel_loop3A_506, %parallel_loop3A_507, %parallel_loop3A_508] {strides = array<i32>} : memref<2x200x128xf32, #tpu.memory_space<vmem>>, vector<16xf32>,
        %parallel_loop3A_510 = arith.constant 1 : i32
        %parallel_loop3A_511 = arith.index_cast %parallel_loop3A_510 : i32 to index
        %parallel_loop3A_512 = arith.index_cast %parallel_loop3A_462 : i32 to index
        %parallel_loop3A_513 = arith.constant 48 : index
        %parallel_loop3A_514 = tpu.vector_load %arg11[%parallel_loop3A_511, %parallel_loop3A_512, %parallel_loop3A_513] {strides = array<i32>} : memref<2x200x128xf32, #tpu.memory_space<vmem>>, vector<16xf32>,
        %parallel_loop3A_515 = arith.mulf %parallel_loop3A_503, %parallel_loop3A_509 : vector<16xf32>
        %parallel_loop3A_516 = arith.mulf %parallel_loop3A_504, %parallel_loop3A_514 : vector<16xf32>
        %parallel_loop3A_517 = arith.addf %parallel_loop3A_488, %parallel_loop3A_515 : vector<16xf32>
        %parallel_loop3A_518 = arith.addf %parallel_loop3A_489, %parallel_loop3A_516 : vector<16xf32>
        %parallel_loop3A_519 = arith.constant 1 : i32
        %parallel_loop3A_520 = arith.index_cast %parallel_loop3A_519 : i32 to index
        %parallel_loop3A_521 = arith.index_cast %parallel_loop3A_462 : i32 to index
        %parallel_loop3A_522 = arith.constant 32 : index
        %parallel_loop3A_523 = tpu.vector_load %arg9[%parallel_loop3A_520, %parallel_loop3A_521, %parallel_loop3A_522] {strides = array<i32>} : memref<2x200x64xi32, #tpu.memory_space<vmem>>, vector<16xi32>,
        %parallel_loop3A_524 = vector.bitcast %parallel_loop3A_523 : vector<16xi32> to vector<32xbf16>
        %parallel_loop3A_525 = arith.constant 1 : i32
        %parallel_loop3A_526 = arith.index_cast %parallel_loop3A_525 : i32 to index
        %parallel_loop3A_527 = arith.index_cast %parallel_loop3A_462 : i32 to index
        %parallel_loop3A_528 = arith.constant 32 : index
        %parallel_loop3A_529 = tpu.vector_load %arg10[%parallel_loop3A_526, %parallel_loop3A_527, %parallel_loop3A_528] {strides = array<i32>} : memref<2x200x64xi32, #tpu.memory_space<vmem>>, vector<16xi32>,
        %parallel_loop3A_530 = vector.bitcast %parallel_loop3A_529 : vector<16xi32> to vector<32xbf16>
        %parallel_loop3A_531 = arith.mulf %parallel_loop3A_524, %parallel_loop3A_530 : vector<32xbf16>
        %parallel_loop3A_532 = tpu.unpack_subelements %parallel_loop3A_531, 0 {pack_format = #tpu.pack_format<interleaved>} : vector<32xbf16> -> vector<16xf32>
        %parallel_loop3A_533 = tpu.unpack_subelements %parallel_loop3A_531, 1 {pack_format = #tpu.pack_format<interleaved>} : vector<32xbf16> -> vector<16xf32>
        %parallel_loop3A_534 = arith.constant 1 : i32
        %parallel_loop3A_535 = arith.index_cast %parallel_loop3A_534 : i32 to index
        %parallel_loop3A_536 = arith.index_cast %parallel_loop3A_462 : i32 to index
        %parallel_loop3A_537 = arith.constant 64 : index
        %parallel_loop3A_538 = tpu.vector_load %arg11[%parallel_loop3A_535, %parallel_loop3A_536, %parallel_loop3A_537] {strides = array<i32>} : memref<2x200x128xf32, #tpu.memory_space<vmem>>, vector<16xf32>,
        %parallel_loop3A_539 = arith.constant 1 : i32
        %parallel_loop3A_540 = arith.index_cast %parallel_loop3A_539 : i32 to index
        %parallel_loop3A_541 = arith.index_cast %parallel_loop3A_462 : i32 to index
        %parallel_loop3A_542 = arith.constant 80 : index
        %parallel_loop3A_543 = tpu.vector_load %arg11[%parallel_loop3A_540, %parallel_loop3A_541, %parallel_loop3A_542] {strides = array<i32>} : memref<2x200x128xf32, #tpu.memory_space<vmem>>, vector<16xf32>,
        %parallel_loop3A_544 = arith.mulf %parallel_loop3A_532, %parallel_loop3A_538 : vector<16xf32>
        %parallel_loop3A_545 = arith.mulf %parallel_loop3A_533, %parallel_loop3A_543 : vector<16xf32>
        %parallel_loop3A_546 = arith.addf %parallel_loop3A_517, %parallel_loop3A_544 : vector<16xf32>
        %parallel_loop3A_547 = arith.addf %parallel_loop3A_518, %parallel_loop3A_545 : vector<16xf32>
        %parallel_loop3A_548 = arith.constant 1 : i32
        %parallel_loop3A_549 = arith.index_cast %parallel_loop3A_548 : i32 to index
        %parallel_loop3A_550 = arith.index_cast %parallel_loop3A_462 : i32 to index
        %parallel_loop3A_551 = arith.constant 48 : index
        %parallel_loop3A_552 = tpu.vector_load %arg9[%parallel_loop3A_549, %parallel_loop3A_550, %parallel_loop3A_551] {strides = array<i32>} : memref<2x200x64xi32, #tpu.memory_space<vmem>>, vector<16xi32>,
        %parallel_loop3A_553 = vector.bitcast %parallel_loop3A_552 : vector<16xi32> to vector<32xbf16>
        %parallel_loop3A_554 = arith.constant 1 : i32
        %parallel_loop3A_555 = arith.index_cast %parallel_loop3A_554 : i32 to index
        %parallel_loop3A_556 = arith.index_cast %parallel_loop3A_462 : i32 to index
        %parallel_loop3A_557 = arith.constant 48 : index
        %parallel_loop3A_558 = tpu.vector_load %arg10[%parallel_loop3A_555, %parallel_loop3A_556, %parallel_loop3A_557] {strides = array<i32>} : memref<2x200x64xi32, #tpu.memory_space<vmem>>, vector<16xi32>,
        %parallel_loop3A_559 = vector.bitcast %parallel_loop3A_558 : vector<16xi32> to vector<32xbf16>
        %parallel_loop3A_560 = arith.mulf %parallel_loop3A_553, %parallel_loop3A_559 : vector<32xbf16>
        %parallel_loop3A_561 = tpu.unpack_subelements %parallel_loop3A_560, 0 {pack_format = #tpu.pack_format<interleaved>} : vector<32xbf16> -> vector<16xf32>
        %parallel_loop3A_562 = tpu.unpack_subelements %parallel_loop3A_560, 1 {pack_format = #tpu.pack_format<interleaved>} : vector<32xbf16> -> vector<16xf32>
        %parallel_loop3A_563 = arith.constant 1 : i32
        %parallel_loop3A_564 = arith.index_cast %parallel_loop3A_563 : i32 to index
        %parallel_loop3A_565 = arith.index_cast %parallel_loop3A_462 : i32 to index
        %parallel_loop3A_566 = arith.constant 96 : index
        %parallel_loop3A_567 = tpu.vector_load %arg11[%parallel_loop3A_564, %parallel_loop3A_565, %parallel_loop3A_566] {strides = array<i32>} : memref<2x200x128xf32, #tpu.memory_space<vmem>>, vector<16xf32>,
        %parallel_loop3A_568 = arith.constant 1 : i32
        %parallel_loop3A_569 = arith.index_cast %parallel_loop3A_568 : i32 to index
        %parallel_loop3A_570 = arith.index_cast %parallel_loop3A_462 : i32 to index
        %parallel_loop3A_571 = arith.constant 112 : index
        %parallel_loop3A_572 = tpu.vector_load %arg11[%parallel_loop3A_569, %parallel_loop3A_570, %parallel_loop3A_571] {strides = array<i32>} : memref<2x200x128xf32, #tpu.memory_space<vmem>>, vector<16xf32>,
        %parallel_loop3A_573 = arith.mulf %parallel_loop3A_561, %parallel_loop3A_567 : vector<16xf32>
        %parallel_loop3A_574 = arith.mulf %parallel_loop3A_562, %parallel_loop3A_572 : vector<16xf32>
        %parallel_loop3A_575 = arith.addf %parallel_loop3A_546, %parallel_loop3A_573 : vector<16xf32>
        %parallel_loop3A_576 = arith.addf %parallel_loop3A_547, %parallel_loop3A_574 : vector<16xf32>
        %parallel_loop3A_577 = arith.addf %parallel_loop3A_575, %parallel_loop3A_576 : vector<16xf32>
        %parallel_loop3A_578 = arith.constant 0 : i32
        %parallel_loop3A_579 = vector.broadcast %parallel_loop3A_578 : i32 to vector<16xi32>
        %parallel_loop3A_580 = arith.cmpi slt, %xor3A_4, %parallel_loop3A_579 : vector<16xi32>
        %parallel_loop3A_581 = arith.constant 16 : i32
        %parallel_loop3A_582 = vector.broadcast %parallel_loop3A_581 : i32 to vector<16xi32>
        %parallel_loop3A_583 = arith.addi %xor3A_4, %parallel_loop3A_582 : vector<16xi32>
        %parallel_loop3A_584 = arith.select %parallel_loop3A_580, %parallel_loop3A_583, %xor3A_4 : vector<16xi1>, vector<16xi32>
        %parallel_loop3A_585 = vector.shape_cast %parallel_loop3A_584 : vector<16xi32> to vector<16x1xi32>
        %parallel_loop3A_586 = vector.shape_cast %parallel_loop3A_585 : vector<16x1xi32> to vector<16xi32>
        %parallel_loop3A_587 = tpu.dynamic_gather %parallel_loop3A_577[%parallel_loop3A_586] in [0] : vector<16xf32>, vector<16xi32> -> vector<16xf32>
        %parallel_loop3A_588 = arith.addf %parallel_loop3A_577, %parallel_loop3A_587 : vector<16xf32>
        %parallel_loop3A_589 = arith.constant 0 : i32
        %parallel_loop3A_590 = vector.broadcast %parallel_loop3A_589 : i32 to vector<16xi32>
        %parallel_loop3A_591 = arith.cmpi slt, %xor3A_7, %parallel_loop3A_590 : vector<16xi32>
        %parallel_loop3A_592 = arith.constant 16 : i32
        %parallel_loop3A_593 = vector.broadcast %parallel_loop3A_592 : i32 to vector<16xi32>
        %parallel_loop3A_594 = arith.addi %xor3A_7, %parallel_loop3A_593 : vector<16xi32>
        %parallel_loop3A_595 = arith.select %parallel_loop3A_591, %parallel_loop3A_594, %xor3A_7 : vector<16xi1>, vector<16xi32>
        %parallel_loop3A_596 = vector.shape_cast %parallel_loop3A_595 : vector<16xi32> to vector<16x1xi32>
        %parallel_loop3A_597 = vector.shape_cast %parallel_loop3A_596 : vector<16x1xi32> to vector<16xi32>
        %parallel_loop3A_598 = tpu.dynamic_gather %parallel_loop3A_588[%parallel_loop3A_597] in [0] : vector<16xf32>, vector<16xi32> -> vector<16xf32>
        %parallel_loop3A_599 = arith.addf %parallel_loop3A_588, %parallel_loop3A_598 : vector<16xf32>
        %parallel_loop3A_600 = arith.constant 0 : i32
        %parallel_loop3A_601 = vector.broadcast %parallel_loop3A_600 : i32 to vector<16xi32>
        %parallel_loop3A_602 = arith.cmpi slt, %xor3A_10, %parallel_loop3A_601 : vector<16xi32>
        %parallel_loop3A_603 = arith.constant 16 : i32
        %parallel_loop3A_604 = vector.broadcast %parallel_loop3A_603 : i32 to vector<16xi32>
        %parallel_loop3A_605 = arith.addi %xor3A_10, %parallel_loop3A_604 : vector<16xi32>
        %parallel_loop3A_606 = arith.select %parallel_loop3A_602, %parallel_loop3A_605, %xor3A_10 : vector<16xi1>, vector<16xi32>
        %parallel_loop3A_607 = vector.shape_cast %parallel_loop3A_606 : vector<16xi32> to vector<16x1xi32>
        %parallel_loop3A_608 = vector.shape_cast %parallel_loop3A_607 : vector<16x1xi32> to vector<16xi32>
        %parallel_loop3A_609 = tpu.dynamic_gather %parallel_loop3A_599[%parallel_loop3A_608] in [0] : vector<16xf32>, vector<16xi32> -> vector<16xf32>
        %parallel_loop3A_610 = arith.addf %parallel_loop3A_599, %parallel_loop3A_609 : vector<16xf32>
        %parallel_loop3A_611 = arith.constant 0 : i32
        %parallel_loop3A_612 = vector.broadcast %parallel_loop3A_611 : i32 to vector<16xi32>
        %parallel_loop3A_613 = arith.cmpi slt, %xor3A_13, %parallel_loop3A_612 : vector<16xi32>
        %parallel_loop3A_614 = arith.constant 16 : i32
        %parallel_loop3A_615 = vector.broadcast %parallel_loop3A_614 : i32 to vector<16xi32>
        %parallel_loop3A_616 = arith.addi %xor3A_13, %parallel_loop3A_615 : vector<16xi32>
        %parallel_loop3A_617 = arith.select %parallel_loop3A_613, %parallel_loop3A_616, %xor3A_13 : vector<16xi1>, vector<16xi32>
        %parallel_loop3A_618 = vector.shape_cast %parallel_loop3A_617 : vector<16xi32> to vector<16x1xi32>
        %parallel_loop3A_619 = vector.shape_cast %parallel_loop3A_618 : vector<16x1xi32> to vector<16xi32>
        %parallel_loop3A_620 = tpu.dynamic_gather %parallel_loop3A_610[%parallel_loop3A_619] in [0] : vector<16xf32>, vector<16xi32> -> vector<16xf32>
        %parallel_loop3A_621 = arith.addf %parallel_loop3A_610, %parallel_loop3A_620 : vector<16xf32>
        %parallel_loop3A_622 = arith.constant 1 : i32
        %parallel_loop3A_623 = arith.index_cast %parallel_loop3A_622 : i32 to index
        %parallel_loop3A_624 = arith.index_cast %parallel_loop3A_462 : i32 to index
        %parallel_loop3A_625 = tpu.vector_load %arg12[%parallel_loop3A_623, %parallel_loop3A_624] masked %eq3A_15 {strides = array<i32>} : memref<2x216xf32, #tpu.memory_space<vmem>>, vector<16xf32>, vector<16xi1>
        tpu.vector_store %arg12[%parallel_loop3A_623, %parallel_loop3A_624], %parallel_loop3A_621 masked %eq3A_15 {strides = array<i32>} : memref<2x216xf32, #tpu.memory_space<vmem>>, vector<16xf32>, vector<16xi1>
      } {sc.loop_unroll_factor = 4 : i64, sc.parallel_access}
      %mul3A_442 = arith.constant 200 : i32
      %mul3A_443 = arith.muli %add3A_328, %mul3A_442 : i32
      %add3A_444 = arith.addi %mul3A_2, %mul3A_443 : i32
      %dma_start3A_445 = arith.constant 1 : i32
      %dma_start3A_446 = arith.constant 0 : i32
      %dma_start3A_447 = tpu.memref_slice %arg12[%dma_start3A_445, %dma_start3A_446] : memref<2x216xf32, #tpu.memory_space<vmem>> -> memref<1x200xf32, #tpu.memory_space<vmem>>
      %dma_start3A_448 = tpu.memref_squeeze %dma_start3A_447 : memref<1x200xf32, #tpu.memory_space<vmem>> -> memref<200xf32, #tpu.memory_space<vmem>>
      %dma_start3A_449 = tpu.memref_slice %arg6[%add3A_444] : memref<320000xf32, #tpu.memory_space<hbm>> -> memref<200xf32, #tpu.memory_space<hbm>>
      %dma_start3A_450 = tpu.memref_slice %arg6[%add3A_444] : memref<320000xf32, #tpu.memory_space<hbm>> -> memref<200xf32, #tpu.memory_space<hbm>>
      %dma_start3A_451 = arith.constant 0 : i32
      %dma_start3A_452 = tpu.memref_slice %arg12[%dma_start3A_445, %dma_start3A_451] : memref<2x216xf32, #tpu.memory_space<vmem>> -> memref<1x200xf32, #tpu.memory_space<vmem>>
      %dma_start3A_453 = tpu.memref_squeeze %dma_start3A_452 : memref<1x200xf32, #tpu.memory_space<vmem>> -> memref<200xf32, #tpu.memory_space<vmem>>
      tpu.enqueue_dma source(%dma_start3A_453 : memref<200xf32, #tpu.memory_space<vmem>>) target(%dma_start3A_450 : memref<200xf32, #tpu.memory_space<hbm>>) target_semaphore(%arg16 : memref<!tpu.dma_semaphore, #tpu.memory_space<semaphore_mem>>)
      %add3A_454 = arith.constant 2 : i32
      %add3A_455 = arith.addi %add3A_328, %add3A_454 : i32
      %lt3A_456 = arith.constant 50 : i32
      %lt3A_457 = arith.cmpi slt, %add3A_455, %lt3A_456 : i32
      %convert_element_type3A_458 = arith.extui %lt3A_457 : i1 to i32
      %cond3A_459 = arith.constant 0 : i32
      %cond3A_460 = arith.cmpi ne, %convert_element_type3A_458, %cond3A_459 : i32
      scf.if %cond3A_460 {
        %add3A_462 = arith.constant 2 : i32
        %add3A_463 = arith.addi %add3A_328, %add3A_462 : i32
        %mul3A_464 = arith.constant 200 : i32
        %mul3A_465 = arith.muli %add3A_463, %mul3A_464 : i32
        %add3A_466 = arith.constant 0 : i32
        %add3A_467 = arith.addi %mul3A_465, %add3A_466 : i32
        %dma_start3A_468 = arith.constant 1 : i32
        %dma_start3A_469 = arith.constant 0 : i32
        %dma_start3A_470 = arith.constant 0 : i32
        %dma_start3A_471 = tpu.memref_slice %arg9[%dma_start3A_468, %dma_start3A_469, %dma_start3A_470] : memref<2x200x64xi32, #tpu.memory_space<vmem>> -> memref<1x80x64xi32, #tpu.memory_space<vmem>>
        %dma_start3A_472 = tpu.memref_squeeze %dma_start3A_471 : memref<1x80x64xi32, #tpu.memory_space<vmem>> -> memref<80x64xi32, #tpu.memory_space<vmem>>
        %dma_start3A_473 = tpu.memref_slice %arg7[%add3A_467] : memref<10000xi32, #tpu.memory_space<vmem>> -> memref<80xi32, #tpu.memory_space<vmem>>
        %dma_start3A_474 = arith.constant 0 : i32
        %dma_start3A_475 = arith.constant 0 : i32
        %dma_start3A_476 = tpu.memref_slice %arg2[%dma_start3A_474, %dma_start3A_475] : memref<10000x64xi32, #tpu.memory_space<hbm>> -> memref<10000x64xi32, #tpu.memory_space<hbm>>
        tpu.enqueue_indirect_dma source(%dma_start3A_476 : memref<10000x64xi32, #tpu.memory_space<hbm>>) target(%dma_start3A_472 : memref<80x64xi32, #tpu.memory_space<vmem>>) offsets(%dma_start3A_473 : memref<80xi32, #tpu.memory_space<vmem>>) semaphore(%arg14 : memref<!tpu.dma_semaphore, #tpu.memory_space<semaphore_mem>>)
        %add3A_477 = arith.constant 0 : i32
        %add3A_478 = arith.addi %mul3A_465, %add3A_477 : i32
        %dma_start3A_479 = arith.constant 1 : i32
        %dma_start3A_480 = arith.constant 0 : i32
        %dma_start3A_481 = arith.constant 0 : i32
        %dma_start3A_482 = tpu.memref_slice %arg10[%dma_start3A_479, %dma_start3A_480, %dma_start3A_481] : memref<2x200x64xi32, #tpu.memory_space<vmem>> -> memref<1x80x64xi32, #tpu.memory_space<vmem>>
        %dma_start3A_483 = tpu.memref_squeeze %dma_start3A_482 : memref<1x80x64xi32, #tpu.memory_space<vmem>> -> memref<80x64xi32, #tpu.memory_space<vmem>>
        %dma_start3A_484 = tpu.memref_slice %arg8[%add3A_478] : memref<10000xi32, #tpu.memory_space<vmem>> -> memref<80xi32, #tpu.memory_space<vmem>>
        %dma_start3A_485 = arith.constant 0 : i32
        %dma_start3A_486 = arith.constant 0 : i32
        %dma_start3A_487 = tpu.memref_slice %arg2[%dma_start3A_485, %dma_start3A_486] : memref<10000x64xi32, #tpu.memory_space<hbm>> -> memref<10000x64xi32, #tpu.memory_space<hbm>>
        tpu.enqueue_indirect_dma source(%dma_start3A_487 : memref<10000x64xi32, #tpu.memory_space<hbm>>) target(%dma_start3A_483 : memref<80x64xi32, #tpu.memory_space<vmem>>) offsets(%dma_start3A_484 : memref<80xi32, #tpu.memory_space<vmem>>) semaphore(%arg14 : memref<!tpu.dma_semaphore, #tpu.memory_space<semaphore_mem>>)
        %add3A_488 = arith.constant 80 : i32
        %add3A_489 = arith.addi %mul3A_465, %add3A_488 : i32
        %dma_start3A_490 = arith.constant 1 : i32
        %dma_start3A_491 = arith.constant 80 : i32
        %dma_start3A_492 = arith.constant 0 : i32
        %dma_start3A_493 = tpu.memref_slice %arg9[%dma_start3A_490, %dma_start3A_491, %dma_start3A_492] : memref<2x200x64xi32, #tpu.memory_space<vmem>> -> memref<1x80x64xi32, #tpu.memory_space<vmem>>
        %dma_start3A_494 = tpu.memref_squeeze %dma_start3A_493 : memref<1x80x64xi32, #tpu.memory_space<vmem>> -> memref<80x64xi32, #tpu.memory_space<vmem>>
        %dma_start3A_495 = tpu.memref_slice %arg7[%add3A_489] : memref<10000xi32, #tpu.memory_space<vmem>> -> memref<80xi32, #tpu.memory_space<vmem>>
        %dma_start3A_496 = arith.constant 0 : i32
        %dma_start3A_497 = arith.constant 0 : i32
        %dma_start3A_498 = tpu.memref_slice %arg2[%dma_start3A_496, %dma_start3A_497] : memref<10000x64xi32, #tpu.memory_space<hbm>> -> memref<10000x64xi32, #tpu.memory_space<hbm>>
        tpu.enqueue_indirect_dma source(%dma_start3A_498 : memref<10000x64xi32, #tpu.memory_space<hbm>>) target(%dma_start3A_494 : memref<80x64xi32, #tpu.memory_space<vmem>>) offsets(%dma_start3A_495 : memref<80xi32, #tpu.memory_space<vmem>>) semaphore(%arg14 : memref<!tpu.dma_semaphore, #tpu.memory_space<semaphore_mem>>)
        %add3A_499 = arith.constant 80 : i32
        %add3A_500 = arith.addi %mul3A_465, %add3A_499 : i32
        %dma_start3A_501 = arith.constant 1 : i32
        %dma_start3A_502 = arith.constant 80 : i32
        %dma_start3A_503 = arith.constant 0 : i32
        %dma_start3A_504 = tpu.memref_slice %arg10[%dma_start3A_501, %dma_start3A_502, %dma_start3A_503] : memref<2x200x64xi32, #tpu.memory_space<vmem>> -> memref<1x80x64xi32, #tpu.memory_space<vmem>>
        %dma_start3A_505 = tpu.memref_squeeze %dma_start3A_504 : memref<1x80x64xi32, #tpu.memory_space<vmem>> -> memref<80x64xi32, #tpu.memory_space<vmem>>
        %dma_start3A_506 = tpu.memref_slice %arg8[%add3A_500] : memref<10000xi32, #tpu.memory_space<vmem>> -> memref<80xi32, #tpu.memory_space<vmem>>
        %dma_start3A_507 = arith.constant 0 : i32
        %dma_start3A_508 = arith.constant 0 : i32
        %dma_start3A_509 = tpu.memref_slice %arg2[%dma_start3A_507, %dma_start3A_508] : memref<10000x64xi32, #tpu.memory_space<hbm>> -> memref<10000x64xi32, #tpu.memory_space<hbm>>
        tpu.enqueue_indirect_dma source(%dma_start3A_509 : memref<10000x64xi32, #tpu.memory_space<hbm>>) target(%dma_start3A_505 : memref<80x64xi32, #tpu.memory_space<vmem>>) offsets(%dma_start3A_506 : memref<80xi32, #tpu.memory_space<vmem>>) semaphore(%arg14 : memref<!tpu.dma_semaphore, #tpu.memory_space<semaphore_mem>>)
        %add3A_510 = arith.constant 160 : i32
        %add3A_511 = arith.addi %mul3A_465, %add3A_510 : i32
        %dma_start3A_512 = arith.constant 1 : i32
        %dma_start3A_513 = arith.constant 160 : i32
        %dma_start3A_514 = arith.constant 0 : i32
        %dma_start3A_515 = tpu.memref_slice %arg9[%dma_start3A_512, %dma_start3A_513, %dma_start3A_514] : memref<2x200x64xi32, #tpu.memory_space<vmem>> -> memref<1x40x64xi32, #tpu.memory_space<vmem>>
        %dma_start3A_516 = tpu.memref_squeeze %dma_start3A_515 : memref<1x40x64xi32, #tpu.memory_space<vmem>> -> memref<40x64xi32, #tpu.memory_space<vmem>>
        %dma_start3A_517 = tpu.memref_slice %arg7[%add3A_511] : memref<10000xi32, #tpu.memory_space<vmem>> -> memref<40xi32, #tpu.memory_space<vmem>>
        %dma_start3A_518 = arith.constant 0 : i32
        %dma_start3A_519 = arith.constant 0 : i32
        %dma_start3A_520 = tpu.memref_slice %arg2[%dma_start3A_518, %dma_start3A_519] : memref<10000x64xi32, #tpu.memory_space<hbm>> -> memref<10000x64xi32, #tpu.memory_space<hbm>>
        tpu.enqueue_indirect_dma source(%dma_start3A_520 : memref<10000x64xi32, #tpu.memory_space<hbm>>) target(%dma_start3A_516 : memref<40x64xi32, #tpu.memory_space<vmem>>) offsets(%dma_start3A_517 : memref<40xi32, #tpu.memory_space<vmem>>) semaphore(%arg14 : memref<!tpu.dma_semaphore, #tpu.memory_space<semaphore_mem>>)
        %add3A_521 = arith.constant 160 : i32
        %add3A_522 = arith.addi %mul3A_465, %add3A_521 : i32
        %dma_start3A_523 = arith.constant 1 : i32
        %dma_start3A_524 = arith.constant 160 : i32
        %dma_start3A_525 = arith.constant 0 : i32
        %dma_start3A_526 = tpu.memref_slice %arg10[%dma_start3A_523, %dma_start3A_524, %dma_start3A_525] : memref<2x200x64xi32, #tpu.memory_space<vmem>> -> memref<1x40x64xi32, #tpu.memory_space<vmem>>
        %dma_start3A_527 = tpu.memref_squeeze %dma_start3A_526 : memref<1x40x64xi32, #tpu.memory_space<vmem>> -> memref<40x64xi32, #tpu.memory_space<vmem>>
        %dma_start3A_528 = tpu.memref_slice %arg8[%add3A_522] : memref<10000xi32, #tpu.memory_space<vmem>> -> memref<40xi32, #tpu.memory_space<vmem>>
        %dma_start3A_529 = arith.constant 0 : i32
        %dma_start3A_530 = arith.constant 0 : i32
        %dma_start3A_531 = tpu.memref_slice %arg2[%dma_start3A_529, %dma_start3A_530] : memref<10000x64xi32, #tpu.memory_space<hbm>> -> memref<10000x64xi32, #tpu.memory_space<hbm>>
        tpu.enqueue_indirect_dma source(%dma_start3A_531 : memref<10000x64xi32, #tpu.memory_space<hbm>>) target(%dma_start3A_527 : memref<40x64xi32, #tpu.memory_space<vmem>>) offsets(%dma_start3A_528 : memref<40xi32, #tpu.memory_space<vmem>>) semaphore(%arg14 : memref<!tpu.dma_semaphore, #tpu.memory_space<semaphore_mem>>)
        %add3A_532 = arith.addi %mul3A_2, %mul3A_465 : i32
        %dma_start3A_533 = arith.constant 1 : i32
        %dma_start3A_534 = arith.constant 0 : i32
        %dma_start3A_535 = arith.constant 0 : i32
        %dma_start3A_536 = tpu.memref_slice %arg11[%dma_start3A_533, %dma_start3A_534, %dma_start3A_535] : memref<2x200x128xf32, #tpu.memory_space<vmem>> -> memref<1x200x128xf32, #tpu.memory_space<vmem>>
        %dma_start3A_537 = tpu.memref_squeeze %dma_start3A_536 : memref<1x200x128xf32, #tpu.memory_space<vmem>> -> memref<200x128xf32, #tpu.memory_space<vmem>>
        %dma_start3A_538 = arith.constant 0 : i32
        %dma_start3A_539 = tpu.memref_slice %arg3[%add3A_532, %dma_start3A_538] : memref<320000x128xf32, #tpu.memory_space<hbm>> -> memref<200x128xf32, #tpu.memory_space<hbm>>
        %dma_start3A_540 = arith.constant 0 : i32
        %dma_start3A_541 = arith.constant 0 : i32
        %dma_start3A_542 = tpu.memref_slice %arg11[%dma_start3A_533, %dma_start3A_540, %dma_start3A_541] : memref<2x200x128xf32, #tpu.memory_space<vmem>> -> memref<1x200x128xf32, #tpu.memory_space<vmem>>
        %dma_start3A_543 = tpu.memref_squeeze %dma_start3A_542 : memref<1x200x128xf32, #tpu.memory_space<vmem>> -> memref<200x128xf32, #tpu.memory_space<vmem>>
        %dma_start3A_544 = arith.constant 0 : i32
        %dma_start3A_545 = tpu.memref_slice %arg3[%add3A_532, %dma_start3A_544] : memref<320000x128xf32, #tpu.memory_space<hbm>> -> memref<200x128xf32, #tpu.memory_space<hbm>>
        tpu.enqueue_dma source(%dma_start3A_545 : memref<200x128xf32, #tpu.memory_space<hbm>>) target(%dma_start3A_543 : memref<200x128xf32, #tpu.memory_space<vmem>>) target_semaphore(%arg14 : memref<!tpu.dma_semaphore, #tpu.memory_space<semaphore_mem>>)
      } else {
      }
      %scan3A_461 = arith.constant 0 : i32
      scf.yield %scan3A_461 : i32
    }
    %scan3A_170 = arith.constant 25 : i32
    %dma_wait3A = arith.constant 0 : i32
    %dma_wait3A_171 = arith.constant 0 : i32
    %dma_wait3A_172 = tpu.memref_slice %arg12[%dma_wait3A, %dma_wait3A_171] : memref<2x216xf32, #tpu.memory_space<vmem>> -> memref<1x200xf32, #tpu.memory_space<vmem>>
    %dma_wait3A_173 = tpu.memref_squeeze %dma_wait3A_172 : memref<1x200xf32, #tpu.memory_space<vmem>> -> memref<200xf32, #tpu.memory_space<vmem>>
    %dma_wait3A_174 = arith.constant 0 : i32
    %dma_wait3A_175 = tpu.memref_slice %arg6[%dma_wait3A_174] : memref<320000xf32, #tpu.memory_space<hbm>> -> memref<200xf32, #tpu.memory_space<hbm>>
    %dma_wait3A_176 = arith.constant 0 : i32
    %dma_wait3A_177 = tpu.memref_slice %arg12[%dma_wait3A, %dma_wait3A_176] : memref<2x216xf32, #tpu.memory_space<vmem>> -> memref<1x200xf32, #tpu.memory_space<vmem>>
    %dma_wait3A_178 = tpu.memref_squeeze %dma_wait3A_177 : memref<1x200xf32, #tpu.memory_space<vmem>> -> memref<200xf32, #tpu.memory_space<vmem>>
    %dma_wait3A_179 = arith.constant 0 : i32
    %dma_wait3A_180 = tpu.memref_slice %arg6[%dma_wait3A_179] : memref<320000xf32, #tpu.memory_space<hbm>> -> memref<200xf32, #tpu.memory_space<hbm>>
    tpu.wait_dma2 semaphore(%arg15 : memref<!tpu.dma_semaphore, #tpu.memory_space<semaphore_mem>>) src(%dma_wait3A_180 : memref<200xf32, #tpu.memory_space<hbm>>) dst(%dma_wait3A_178 : memref<200xf32, #tpu.memory_space<vmem>>)
    %dma_wait3A_181 = arith.constant 1 : i32
    %dma_wait3A_182 = arith.constant 0 : i32
    %dma_wait3A_183 = tpu.memref_slice %arg12[%dma_wait3A_181, %dma_wait3A_182] : memref<2x216xf32, #tpu.memory_space<vmem>> -> memref<1x200xf32, #tpu.memory_space<vmem>>
    %dma_wait3A_184 = tpu.memref_squeeze %dma_wait3A_183 : memref<1x200xf32, #tpu.memory_space<vmem>> -> memref<200xf32, #tpu.memory_space<vmem>>
    %dma_wait3A_185 = arith.constant 0 : i32
    %dma_wait3A_186 = tpu.memref_slice %arg6[%dma_wait3A_185] : memref<320000xf32, #tpu.memory_space<hbm>> -> memref<200xf32, #tpu.memory_space<hbm>>
    %dma_wait3A_187 = arith.constant 0 : i32
    %dma_wait3A_188 = tpu.memref_slice %arg12[%dma_wait3A_181, %dma_wait3A_187] : memref<2x216xf32, #tpu.memory_space<vmem>> -> memref<1x200xf32, #tpu.memory_space<vmem>>
    %dma_wait3A_189 = tpu.memref_squeeze %dma_wait3A_188 : memref<1x200xf32, #tpu.memory_space<vmem>> -> memref<200xf32, #tpu.memory_space<vmem>>
    %dma_wait3A_190 = arith.constant 0 : i32
    %dma_wait3A_191 = tpu.memref_slice %arg6[%dma_wait3A_190] : memref<320000xf32, #tpu.memory_space<hbm>> -> memref<200xf32, #tpu.memory_space<hbm>>
    tpu.wait_dma2 semaphore(%arg16 : memref<!tpu.dma_semaphore, #tpu.memory_space<semaphore_mem>>) src(%dma_wait3A_191 : memref<200xf32, #tpu.memory_space<hbm>>) dst(%dma_wait3A_189 : memref<200xf32, #tpu.memory_space<vmem>>)
    return
  }
}

</mosaic_0001>

<sc_bundles>
// kernel: kernel.3.cloned.1.call-start
scs
__scs_entry_jumppad:
0x0: {  	(pc) =	sbr.rel $0x88, $3  }
0x1: {  	(tag) =	ssettag $0x0;
	lr =	simm.s32 $0x1  }
0x2: {  	[smem:$0x3F9D] =	sst lr;
	_ =	strace $0xD0000000  }
0x3: {  	_ = 	snop  }
0x4: {  	_ = 	snop  }
0x5: {  	_ = 	snop  }
0x6: {  	_ = 	snop  }
0x7: {  	_ = 	snop  }
__scs_overlays_trampoline_lowered:
0x8: {  	[smem:$0x3FAC] =	sst s0  }
0x9: {  	[smem:$0x3FAD] =	sst s1  }
0xa: {  	[smem:$0x3FAE] =	sst s2  }
0xb: {  	[smem:$0x3FAF] =	sst s3  }
0xc: {  	[smem:$0x3FB0] =	sst s4  }
0xd: {  	[smem:$0x3FB1] =	sst s5  }
0xe: {  	[smem:$0x3FB2] =	sst s6  }
0xf: {  	[smem:$0x3FB3] =	sst s7  }
0x10: {  	[smem:$0x3FB4] =	sst s8  }
0x11: {  	[smem:$0x3FB5] =	sst s9;
	s0 =	simm.s32 @!p0 $0x0  }
0x12: {  	s1 =	sld [smem:$0x3F9B];
	s0 =	simm.s32 @p0 $0x1  }
0x13: {  	[smem:$0x3FB6] =	sst s0;
	s0 =	simm.s32 @!p1 $0x0  }
0x14: {  	s2 =	sld [smem:$0x3F9A];
	s0 =	simm.s32 @p1 $0x1  }
0x15: {  	[smem:$0x3FB7] =	sst s0;
	s0 =	simm.s32 @!p2 $0x0  }
0x16: {  	s3 =	sld [smem:$0x3FDB];
	s0 =	simm.s32 @p2 $0x1  }
0x17: {  	s4 =	simm.s32 $0x1BF5;
	[smem:$0x3FB9] =	sst s0  }
0x18: {  	s0 =	sld [smem:$0x3F9C];
	_ =	swait.ge [sflag:s4], $0x0  }
0x19: {  	s7 =	sld [smem:$0x3F9D]  }
0x1a: {  	s8 =	sadd.s32 $0xFFFFE003, lr  }
0x1b: {  	s9 =	sadd.s32 $0xFFFFFEF7, lr;
	s5 =	simm.s32 $0xFFFFFFFF;
	p2 =	slt.u32 s8, $0xFFFFF086  }
0x1c: {  	p1 =	slt.u32 s9, $0xF7A;
	s5 =	simm.s32 @!p2 $0x0  }
0x1d: {  	s5 =	simm.s32 @p1 $0x1;
	p0 =	seq.s32 s7, s2  }
0x1e: {  	s7 =	smul.u32 @!p0 $0xF7A, s2;
	p2 =	seq.s32 @!p0 s5, $0x0  }
0x1f: {  	s9 =	smul.u32 $0xF7A, s1;
	s8 =	simm.s32 @!p0 $0x1BF5;
	p2 =	por !p2, p0  }
0x20: {  	[sflag:s8] =	ssyncset.s32 @!p0 $0xFFFFF086;
	s6 =	sadd.s32 @!p0 s3, s7;
	s7 =	simm.s32 @!p0 $0x108  }
0x21: {  	s3 =	sadd.s32 s3, s9;
	s6 =	sadd.s32 @!p0 $0x88, s6;
	s7 =	simm.s32 @p2 $0x1082  }
0x22: {  	[simem:s7], [sflag:s8] =	dma.local @!p0 [hbm:s6], $0xF7A  }
0x23: {  	s9 =	sor.u32 $0xD0000000, s2;
	s6 =	simm.s32 $0x108;
	_ =	swait.ge @!p0 [sflag:s8], $0x0  }
0x24: {  	s3 =	sadd.s32 $0x88, s3;
	s6 =	simm.s32 @!p1 $0x1082;
	[sflag:s4] =	ssyncset.s32 $0xFFFFF086  }
0x25: {  	[simem:s6], [sflag:s4] =	dma.local [hbm:s3], $0xF7A  }
0x26: {  	[smem:$0x3F9D] =	sst s1;
	(tag) =	ssettag s2;
	_ =	strace s9  }
0x27: {  	s1 =	sld [smem:$0x3FAD]  }
0x28: {  	s2 =	sld [smem:$0x3FAE]  }
0x29: {  	s4 =	sld [smem:$0x3FB0]  }
0x2a: {  	p0 =	seq.s32 s5, $0x0;
	s5 =	sld [smem:$0x3FB1]  }
0x2b: {  	s6 =	sld [smem:$0x3FB2]  }
0x2c: {  	s7 =	sld [smem:$0x3FB3]  }
0x2d: {  	s3 =	simm.s32 $0x108;
	s8 =	sld [smem:$0x3FB4]  }
0x2e: {  	s3 =	simm.s32 @!p0 $0x1082;
	s9 =	sld [smem:$0x3FB5]  }
0x2f: {  	lr =	sadd.s32 s0, s3;
	s0 =	sld [smem:$0x3FAC]  }
0x30: {  	s3 =	sld [smem:$0x3FAF]  }
0x31: {  	[smem:$0x3FB8] =	sst s10  }
0x32: {  	s10 =	sld [smem:$0x3FB6];
	_ =	sdelay $0x3  }
0x33: {  	p0 =	seq.s32 s10, $0x1;
	s10 =	sld [smem:$0x3FB8];
	_ =	sdelay $0x3  }
0x34: {  	[smem:$0x3FB8] =	sst s10  }
0x35: {  	s10 =	sld [smem:$0x3FB7];
	_ =	sdelay $0x3  }
0x36: {  	p1 =	seq.s32 s10, $0x1;
	s10 =	sld [smem:$0x3FB8];
	_ =	sdelay $0x3  }
0x37: {  	[smem:$0x3FB8] =	sst s10  }
0x38: {  	s10 =	sld [smem:$0x3FB9]  }
0x39: {  	_ = 	snop;
	(pc) =	sbr.ind lr, $3  }
0x3a: {  	_ = 	snop  }
0x3b: {  	_ = 	snop  }
0x3c: {  	p2 =	seq.s32 s10, $0x1;
	s10 =	sld [smem:$0x3FB8]  }
0x3d: {  	_ =	shalt  }
0x3e: {  	_ =	shalt  }
0x3f: {  	_ =	shalt  }
0x40: {  	_ =	shalt  }
0x41: {  	_ =	shalt  }
0x42: {  	_ =	shalt  }
0x43: {  	_ =	shalt  }
0x44: {  	_ =	shalt  }
0x45: {  	_ =	shalt  }
0x46: {  	_ =	shalt  }
0x47: {  	_ =	shalt  }
0x48: {  	_ =	shalt  }
0x49: {  	_ =	shalt  }
0x4a: {  	_ =	shalt  }
0x4b: {  	_ =	shalt  }
0x4c: {  	_ =	shalt  }
0x4d: {  	_ =	shalt  }
0x4e: {  	_ =	shalt  }
0x4f: {  	_ =	shalt  }
0x50: {  	_ =	shalt  }
0x51: {  	_ =	shalt  }
0x52: {  	_ =	shalt  }
0x53: {  	_ =	shalt  }
0x54: {  	_ =	shalt  }
0x55: {  	_ =	shalt  }
0x56: {  	_ =	shalt  }
0x57: {  	_ =	shalt  }
0x58: {  	_ =	shalt  }
0x59: {  	_ =	shalt  }
0x5a: {  	_ =	shalt  }
0x5b: {  	_ =	shalt  }
0x5c: {  	_ =	shalt  }
0x5d: {  	_ =	shalt  }
0x5e: {  	_ =	shalt  }
0x5f: {  	_ =	shalt  }
0x60: {  	_ =	shalt  }
0x61: {  	_ =	shalt  }
0x62: {  	_ =	shalt  }
0x63: {  	_ =	shalt  }
0x64: {  	_ =	shalt  }
0x65: {  	_ =	shalt  }
0x66: {  	_ =	shalt  }
0x67: {  	_ =	shalt  }
0x68: {  	_ =	shalt  }
0x69: {  	_ =	shalt  }
0x6a: {  	_ =	shalt  }
0x6b: {  	_ =	shalt  }
0x6c: {  	_ =	shalt  }
0x6d: {  	_ =	shalt  }
0x6e: {  	_ =	shalt  }
0x6f: {  	_ =	shalt  }
0x70: {  	_ =	shalt  }
0x71: {  	_ =	shalt  }
0x72: {  	_ =	shalt  }
0x73: {  	_ =	shalt  }
0x74: {  	_ =	shalt  }
0x75: {  	_ =	shalt  }
0x76: {  	_ =	shalt  }
0x77: {  	_ =	shalt  }
0x78: {  	_ =	shalt  }
0x79: {  	_ =	shalt  }
0x7a: {  	_ =	shalt  }
0x7b: {  	_ =	shalt  }
0x7c: {  	_ =	shalt  }
0x7d: {  	_ =	shalt  }
0x7e: {  	_ =	shalt  }
0x7f: {  	_ =	shalt  }
0x80: {  	_ =	shalt  }
0x81: {  	_ =	shalt  }
0x82: {  	_ =	shalt  }
0x83: {  	_ =	shalt  }
0x84: {  	_ =	shalt  }
0x85: {  	_ =	shalt  }
0x86: {  	_ =	shalt  }
0x87: {  	_ =	shalt  }
.Lfunc_end0:
.L_simem_size_0:
called_computation_lowered:
.L_overlay_start_0:
0x88: {  	s2 =	sld [smem:$0x3FD9]  }
0x89: {  	s3 =	sld [smem:$0x3FFE];
	_ =	sdelay $0x1  }
0x8a: {  	s1 =	srdreg.scid  }
0x8b: {  	s0 =	sand.u32 $0x1, s1  }
0x8c: {  	s17 =	sshll.u32 s0, $0xA;
	s2 =	sadd.s32 s3, s2  }
0x8d: {  	s2 =	sadd.s32 s2, s17  }
0x8e: {  	[smem:$0x3FC4] =	sst s2  }
0x8f: {  	_ = 	snop  }
0x90: {  	s2 =	sld [smem:$0x3FC8]  }
0x91: {  	s18 =	sld [smem:$0x3FC7]  }
0x92: {  	s4 =	sld [smem:$0x3FC6]  }
0x93: {  	s5 =	sld [smem:$0x3FD0];
	(tm) =	ssettm $0x1  }
0x94: {  	s6 =	sld [smem:$0x3FFB];
	_ =	sdelay $0x3  }
0x95: {  	_ =	strace s6  }
0x96: {  	s6 =	sld [smem:$0x3FFC];
	_ =	sdelay $0x3  }
0x97: {  	_ =	strace s6  }
0x98: {  	s6 =	sld [smem:$0x3FFD];
	_ =	sdelay $0x3  }
0x99: {  	_ =	strace s6  }
0x9a: {  	_ =	strace $0x8FFFFFFF  }
0x9b: {  	s19 =	sld [smem:$0x3FDB];
	_ =	sdelay $0x1  }
0x9c: {  	s7 =	simm.s32 $_scs_section_size  }
0x9d: {  	s8 =	simm.s32 $_size__tile_overlayer_lowered;
	s9 =	simm.s32 $_tile_overlayer_lowered  }
0x9e: {  	s22 =	simm.s32 $0x1BFF;
	s21 =	sshll.u32 s9, $0x1;
	s6 =	sadd.s32 s7, s19  }
0x9f: {  	s10 =	simm.s32 $0x0;
	s20 =	sshll.u32 s8, $0x1;
	s8 =	sadd.s32 s21, s6  }
0xa0: {  	[timem:s10], [sflag:s22] =	dma.local [hbm:s8], s20  }
0xa1: {  	_ =	swait.ge [sflag:s22], s20  }
0xa2: {  	s7 =	ssub.s32 $0x0, s20;
	[sflag:s22] =	ssyncset.done $0x0  }
0xa3: {  	[sflag:s22] =	ssyncadd.s32 s7;
	_ =	sdelay $0x1  }
0xa4: {  	s23 =	simm.s32 $0x1B8B  }
0xa5: {  	_ =	swait.ge [sflag:s23], $0x1  }
0xa6: {  	[sflag:s23] =	ssyncset.done $0x0  }
0xa7: {  	s25 =	simm.s32 $0x1B8E;
	s24 =	sld [smem:$0x3FFE];
	[sflag:s23] =	ssyncadd.s32 $0xFFFFFFFF  }
0xa8: {  	s26 =	simm.s32 $execute0_lowered;
	[smem:$0x3FD2] =	sst s25  }
0xa9: {  	s8 =	sshll.u32 s26, $0x1;
	_ =	strace $0x80000046;
	[dreg:$0x1] =	wrdreg $0xFFFFFFFF  }
0xaa: {  	s28 =	simm.s32 $_size_execute0_lowered;
	s6 =	sadd.s32 s6, s8;
	[dreg:$0x0] =	wrdreg $0x0  }
0xab: {  	s8 =	sshll.u32 s28, $0x1;
	[dreg:$0x2] =	wrdreg s6  }
0xac: {  	[dreg:$0x3] =	wrdreg s8  }
0xad: {  	[dreg:$0x4] =	wrdreg $0xC0  }
0xae: {  	_ =	task [dreg:s10], $0x5FFFF  }
0xaf: {  	[dreg:$0x1] =	wrdreg $0xFFFFFFFF  }
0xb0: {  	[dreg:$0x0] =	wrdreg $0x60  }
0xb1: {  	[dreg:$0x2] =	wrdreg s24  }
0xb2: {  	[dreg:$0x3] =	wrdreg s2  }
0xb3: {  	[dreg:$0x4] =	wrdreg s18  }
0xb4: {  	[dreg:$0x5] =	wrdreg s4  }
0xb5: {  	[dreg:$0x6] =	wrdreg s5  }
0xb6: {  	[dreg:$0x7] =	wrdreg $0x9  }
0xb7: {  	_ =	task.clear_ibuf [dreg:s10], $0x8FFFF;
	_ =	strace $0x90000046  }
0xb8: {  	s29 =	simm.s32 $0x9;
	_ =	strace $0x80000048  }
0xb9: {  	_ =	swait.ge [sflag:s29], $0x1  }
0xba: {  	[sflag:s29] =	ssyncadd.s32 $0xFFFFFFFF  }
0xbb: {  	_ =	strace $0x90000048  }
0xbc: {  	_ =	sfence  }
0xbd: {  	s30 =	sld [smem:$0x0];
	_ =	sdelay $0x2  }
0xbe: {  	s31 =	sshll.u32 s1, $0xD;
	s1 =	sshrl.u32 s1, $0x2  }
0xbf: {  	s3 =	sand.u32 $0x4000, s31;
	s1 =	sadd.s32 s1, s30  }
0xc0: {  	s0 =	sor.u32 s3, s0;
	s1 =	sshll.u32 s1, $0x11  }
0xc1: {  	s0 =	sor.u32 s1, s0  }
0xc2: {  	s0 =	sadd.s32 $0x8F2B, s0  }
0xc3: {  	[sflag:s0] =	ssyncadd.remote.s32 $0x1  }
0xc4: {  	_ =	sfence.sel $0xFFFF  }
0xc5: {  	[dreg:$0x0] =	wrdreg $0xFFFFFFFF;
	(pc) =	sbr.abs _section_cstart, $3  }
0xc6: {  	[dreg:$0x1] =	wrdreg $0xFFFFFFFF  }
0xc7: {  	_ =	task.clear_ibuf [dreg:s10], $0x2FFFF;
	_ =	strace $0x9FFFFFFF  }
0xc8: {  	(tm) =	ssettm $0x7FFFFFFF  }
0xc9: {  	_ =	shalt  }
tec
execute0_lowered:
.L_overlay_start_1:
0x0: {  	(tag) =	ssettag $0x1  }
0x1: {  	s1 =	rddreg [dreg:$0x0]  }
0x2: {  	s4 =	rddreg [dreg:$0x1]  }
0x3: {  	s3 =	srdreg.scid;
	s2 =	stileid.u32  }
0x4: {  	s0 =	rddreg [dreg:$0x2];
	v0 =	vimm.s32 $0xEFCDAB89;
	v1 =	vimm.s32 $0x67452301;
	s3 =	sand.u32 $0x1, s3;
	s5 =	sshll.u32 s2, $0x1  }
0x5: {  	s7 =	rddreg [dreg:$0x3];
	v2 =	vimm.s32 $0xDCFE98BA;
	v3 =	vimm.s32 $0x54761032;
	v4 =	vimm.s32 $0xBA98FEDC;
	s8 =	sor.u32 s3, s5  }
0x6: {  	s22 =	rddreg [dreg:$0x4];
	s14 =	simm.s32 $0x50;
	v5 =	vimm.s32 $0x32107654;
	v6 =	vimm.s32 $0xFEDCBA98;
	s6 =	smul.u32 $0x2710, s8  }
0x7: {  	s20 =	simm.s32 $0x28;
	v7 =	vimm.s32 $0x76543210;
	v0 =	vunpack.c.l.s4.s8 v0;
	v1 =	vunpack.c.l.s4.s8 v1;
	s5 =	simm.s32 $0x0;
	s9 =	smul.u32 $0x138800, s8  }
0x8: {  	v2 =	vunpack.c.l.s4.s8 v2;
	v3 =	vunpack.c.l.s4.s8 v3;
	v4 =	vunpack.c.l.s4.s8 v4;
	s3 =	ssub.s32 $0x2, s3;
	[smem:$0x7FF] =	sst s5;
	s8 =	smul.u32 $0x27100, s8  }
0x9: {  	s24 =	simm.s32 $0x1;
	v5 =	vunpack.c.l.s4.s8 v5;
	v6 =	vunpack.c.l.s4.s8 v6;
	v7 =	vunpack.c.l.s4.s8 v7;
	s10 =	sshrl.u32 s3, $0x1;
	_ =	strace $0x80000047  }
0xa: {  	v0 =	vunpack.c.0.s8.s32 v0;
	v1 =	vunpack.c.0.s8.s32 v1;
	v2 =	vunpack.c.0.s8.s32 v2;
	s3 =	ssub.s32 s3, s10;
	s11 =	sshrl.u32 s6, $0x3;
	s30 =	sadd.s32 s4, s8  }
.Ltmp0:
0xb: {  	v3 =	vunpack.c.0.s8.s32 v3;
	v4 =	vunpack.c.0.s8.s32 v4;
	v5 =	vunpack.c.0.s8.s32 v5;
	s31 =	smax.u32 s3, $0x1;
	[dreg:$0x8] =	wrdreg s30;
	(pc) =	sbr.rel .LBB2_1-.Ltmp0, $4  }
0xc: {  	s9 =	sshrl.u32 s9, $0x3;
	v0 =	vcombine.low v1, v0;
	v1 =	vunpack.c.0.s8.s32 v6;
	s0 =	sadd.s32 s0, s11;
	[dreg:$0xa] =	wrdreg s31  }
0xd: {  	v2 =	vcombine.low v3, v2;
	v3 =	vcombine.low v5, v4;
	v4 =	vunpack.c.0.s8.s32 v7;
	s28 =	sadd.s32 s4, s9;
	s29 =	sadd.s32 s7, s11;
	[dreg:$0x6] =	wrdreg s0  }
0xe: {  	s26 =	simm.s32 $0x2;
	[dreg:$0x7] =	wrdreg s29;
	s0 =	sadd.s32 $0xC80, s28;
	v0 =	vand.u32 $0xF, v0;
	v5 =	vand.u32 $0xF, v1  }
0xf: {  	s3 =	simm.s32 $0x0;
	s11 =	sadd.s32 $0xC8, s6;
	v1 =	vand.u32 $0xF, v2;
	v2 =	vand.u32 $0xF, v3;
	[dreg:$0x9] =	wrdreg s0;
	v3 =	vcombine.low v5, v4  }
.LBB2_8:
0x10: {  	s0 =	simm.s32 $0x3  }
0x11: {  	_ =	swait.ge [sflag:s0], $0xC8  }
0x12: {  	[sflag:s0] =	ssyncset.done $0x0  }
0x13: {  	s2 =	simm.s32 $0x4;
	[sflag:s0] =	ssyncadd.s32 $0xFFFFFF38  }
0x14: {  	_ =	swait.ge [sflag:s2], $0xC8  }
0x15: {  	s3 =	rddreg [dreg:$0xb]  }
0x16: {  	s31 =	rddreg [dreg:$0xa];
	s3 =	sadd.s32 $0x1, s3  }
0x17: {  	p0 =	sne.s32 s3, s31  }
.Ltmp1:
0x18: {  	_ = 	snop;
	(pc) =	sbr.rel @!p0 .LBB2_9-.Ltmp1, $3  }
0x19: {  	_ =	sdelay $0x1  }
0x1a: {  	[sflag:s2] =	ssyncset.done $0x0  }
0x1b: {  	[sflag:s2] =	ssyncadd.s32 $0xFFFFFF38  }
.LBB2_1:
0x1c: {  	[dreg:$0xb] =	wrdreg s3  }
0x1d: {  	s0 =	rddreg [dreg:$0x6];
	s21 =	simm.s32 $0x5  }
0x1e: {  	[tilespmem:s5], [sflag:$0x5] =	stream.linear.gather [hbm4b:s0+s5], $0x2710, $0x38;
	[tilespmem:$0x1DFD0] =	vst v63  }
0x1f: {  	_ =	swait.ge [sflag:s21], $0x2710  }
0x20: {  	[sflag:s21] =	ssyncset.done $0x0  }
0x21: {  	s2 =	simm.s32 $0x2710;
	s23 =	rddreg [dreg:$0x7];
	[sflag:s21] =	ssyncadd.s32 $0xFFFFD8F0  }
0x22: {  	[tilespmem:s2], [sflag:$0x5] =	stream.linear.gather [hbm4b:s23+s5], $0x2710, $0x38;
	[tilespmem:$0x1DFD0] =	vst v63  }
0x23: {  	_ =	swait.ge [sflag:s21], $0x2710  }
0x24: {  	[sflag:s21] =	ssyncset.done $0x0  }
0x25: {  	s25 =	simm.s32 $0x4E20;
	[sflag:s21] =	ssyncadd.s32 $0xFFFFD8F0  }
0x26: {  	[tilespmem:s25], [sflag:$0x1] =	stream.indirect.gather [hbm4b:s1+s14], $0x40, s5, s14, $0xb8;
	[tilespmem:$0x1DFD0] =	vst v63  }
0x27: {  	s28 =	simm.s32 $0xB220  }
0x28: {  	[tilespmem:s28], [sflag:$0x1] =	stream.indirect.gather [hbm4b:s1+s14], $0x40, s2, s14, $0xb8;
	[tilespmem:$0x1DFD0] =	vst v63  }
0x29: {  	s29 =	simm.s32 $0x6220  }
0x2a: {  	[tilespmem:s29], [sflag:$0x1] =	stream.indirect.gather [hbm4b:s1+s14], $0x40, s14, s14, $0xb8;
	[tilespmem:$0x1DFD0] =	vst v63  }
0x2b: {  	s30 =	simm.s32 $0x2760;
	s31 =	simm.s32 $0xC620  }
0x2c: {  	[tilespmem:s31], [sflag:$0x1] =	stream.indirect.gather [hbm4b:s1+s14], $0x40, s30, s14, $0xb8;
	[tilespmem:$0x1DFD0] =	vst v63  }
0x2d: {  	s3 =	simm.s32 $0xA0;
	s4 =	simm.s32 $0x7620  }
0x2e: {  	[tilespmem:s4], [sflag:$0x1] =	stream.indirect.gather [hbm4b:s1+s20], $0x40, s3, s20, $0xb8;
	[tilespmem:$0x1DFD0] =	vst v63  }
0x2f: {  	s7 =	simm.s32 $0x27B0;
	s8 =	simm.s32 $0xDA20  }
0x30: {  	[tilespmem:s8], [sflag:$0x1] =	stream.indirect.gather [hbm4b:s1+s20], $0x40, s7, s20, $0xb8;
	[tilespmem:$0x1DFD0] =	vst v63  }
0x31: {  	s10 =	simm.s32 $0x11620;
	s9 =	rddreg [dreg:$0x8]  }
0x32: {  	[tilespmem:s10], [sflag:$0x1] =	stream.linear.gather [hbm4b:s9+s5], $0x6400, $0x38;
	[tilespmem:$0x1DFD0] =	vst v63  }
0x33: {  	s12 =	simm.s32 $0xC8;
	s13 =	simm.s32 $0x8020  }
0x34: {  	[tilespmem:s13], [sflag:$0x2] =	stream.indirect.gather [hbm4b:s1+s14], $0x40, s12, s14, $0xb8;
	[tilespmem:$0x1DFD0] =	vst v63  }
0x35: {  	s15 =	simm.s32 $0x27D8;
	s16 =	simm.s32 $0xE420  }
0x36: {  	[tilespmem:s16], [sflag:$0x2] =	stream.indirect.gather [hbm4b:s1+s14], $0x40, s15, s14, $0xb8;
	[tilespmem:$0x1DFD0] =	vst v63  }
0x37: {  	s17 =	simm.s32 $0x118;
	s18 =	simm.s32 $0x9420  }
0x38: {  	[tilespmem:s18], [sflag:$0x2] =	stream.indirect.gather [hbm4b:s1+s14], $0x40, s17, s14, $0xb8;
	[tilespmem:$0x1DFD0] =	vst v63  }
0x39: {  	s19 =	simm.s32 $0x2828;
	s21 =	simm.s32 $0xF820  }
0x3a: {  	[tilespmem:s21], [sflag:$0x2] =	stream.indirect.gather [hbm4b:s1+s14], $0x40, s19, s14, $0xb8;
	[tilespmem:$0x1DFD0] =	vst v63  }
0x3b: {  	s23 =	simm.s32 $0x168;
	s25 =	simm.s32 $0xA820  }
0x3c: {  	[tilespmem:s25], [sflag:$0x2] =	stream.indirect.gather [hbm4b:s1+s20], $0x40, s23, s20, $0xb8;
	[tilespmem:$0x1DFD0] =	vst v63  }
0x3d: {  	s28 =	simm.s32 $0x2878;
	s29 =	simm.s32 $0x10C20  }
0x3e: {  	[tilespmem:s29], [sflag:$0x2] =	stream.indirect.gather [hbm4b:s1+s20], $0x40, s28, s20, $0xb8;
	[tilespmem:$0x1DFD0] =	vst v63  }
0x3f: {  	s30 =	rddreg [dreg:$0x9];
	s31 =	simm.s32 $0x17A20;
	s17 =	simm.s32 $0x0  }
0x40: {  	[tilespmem:s31], [sflag:$0x2] =	stream.linear.gather [hbm4b:s30+s5], $0x6400, $0x38;
	[tilespmem:$0x1DFD0] =	vst v63  }
.LBB2_2:
0x41: {  	_ =	swait.ge [sflag:s24], $0x1400  }
0x42: {  	[sflag:s24] =	ssyncset.done $0x0  }
0x43: {  	[sflag:s24] =	ssyncadd.s32 $0xFFFFEC00  }
0x44: {  	_ =	swait.ge [sflag:s24], $0x1400  }
0x45: {  	[sflag:s24] =	ssyncset.done $0x0  }
0x46: {  	[sflag:s24] =	ssyncadd.s32 $0xFFFFEC00  }
0x47: {  	_ =	swait.ge [sflag:s24], $0x1400  }
0x48: {  	[sflag:s24] =	ssyncset.done $0x0  }
0x49: {  	[sflag:s24] =	ssyncadd.s32 $0xFFFFEC00  }
0x4a: {  	_ =	swait.ge [sflag:s24], $0x1400  }
0x4b: {  	[sflag:s24] =	ssyncset.done $0x0  }
0x4c: {  	[sflag:s24] =	ssyncadd.s32 $0xFFFFEC00  }
0x4d: {  	_ =	swait.ge [sflag:s24], $0xA00  }
0x4e: {  	[sflag:s24] =	ssyncset.done $0x0  }
0x4f: {  	[sflag:s24] =	ssyncadd.s32 $0xFFFFF600  }
0x50: {  	_ =	swait.ge [sflag:s24], $0xA00  }
0x51: {  	[sflag:s24] =	ssyncset.done $0x0  }
0x52: {  	[sflag:s24] =	ssyncadd.s32 $0xFFFFF600  }
0x53: {  	_ =	swait.ge [sflag:s24], $0x6400  }
0x54: {  	p1 =	seq.s32 s17, $0x0;
	[sflag:s24] =	ssyncset.done $0x0  }
0x55: {  	s0 =	simm.s32 @!p1 $0x3;
	[sflag:s24] =	ssyncadd.s32 $0xFFFF9C00  }
0x56: {  	_ =	swait.ge @!p1 [sflag:s0], $0xC8  }
0x57: {  	[sflag:s0] =	ssyncset.done @!p1 $0x0  }
0x58: {  	s7 =	simm.s32 $0x11720;
	[sflag:s0] =	ssyncadd.s32 @!p1 $0xFFFFFF38  }
0x59: {  	s0 =	simm.s32 $0x4EA0;
	v4 =	vld [tilespmem:s7+$0xFFFFFF30]  }
0x5a: {  	s8 =	simm.s32 $0xB2A0;
	v5 =	vld [tilespmem:s0+$0xFFFFFFB0]  }
0x5b: {  	v6 =	vld [tilespmem:s8+$0xFFFFFFB0]  }
0x5c: {  	v8 =	vld [tilespmem:s0+$0xFFFFFF80]  }
0x5d: {  	v9 =	vld [tilespmem:s8+$0xFFFFFF90]  }
0x5e: {  	v10 =	vld [tilespmem:s0+$0xFFFFFF90]  }
0x5f: {  	v11 =	vld [tilespmem:s8+$0xFFFFFF80]  }
0x60: {  	v12 =	vld [tilespmem:s8+$0xFFFFFFA0]  }
0x61: {  	v13 =	vld [tilespmem:s0+$0xFFFFFFA0]  }
0x62: {  	v7 =	vld [tilespmem:s7+$0xFFFFFF20]  }
0x63: {  	v14 =	vld [tilespmem:s7+$0xFFFFFF10]  }
0x64: {  	v15 =	vld [tilespmem:s7+$0xFFFFFF00]  }
0x65: {  	v40 =	vld [tilespmem:s7+$0xFFFFFF50];
	v9 =	vmul.bf16 v9, v10;
	v8 =	vmul.bf16 v11, v8  }
0x66: {  	v5 =	vmul.bf16 v6, v5;
	v6 =	vld [tilespmem:s7+$0xFFFFFF40];
	v12 =	vmul.bf16 v12, v13  }
0x67: {  	v17 =	vld [tilespmem:s7+$0xFFFFFF60];
	v41 =	vunpack.i.u.bf16.f32 v9;
	v9 =	vunpack.i.l.bf16.f32 v9;
	v16 =	vunpack.i.u.bf16.f32 v8  }
0x68: {  	v42 =	vld [tilespmem:s7+$0xFFFFFF70];
	v8 =	vunpack.i.l.bf16.f32 v8;
	v14 =	vmul.f32 v14, v16;
	v4 =	vmul.f32 v4, v41  }
0x69: {  	v43 =	vunpack.i.u.bf16.f32 v12;
	v8 =	vmul.f32 v15, v8;
	v7 =	vmul.f32 v7, v9  }
0x6a: {  	v44 =	vunpack.i.l.bf16.f32 v12;
	v9 =	vmul.f32 v40, v43;
	v4 =	vadd.f32 v4, v14  }
0x6b: {  	v7 =	vadd.f32 v7, v8;
	v6 =	vmul.f32 v6, v44;
	v8 =	vunpack.i.l.bf16.f32 v5  }
0x6c: {  	v5 =	vunpack.i.u.bf16.f32 v5;
	v8 =	vmul.f32 v17, v8  }
0x6d: {  	v5 =	vmul.f32 v42, v5;
	v6 =	vadd.f32 v6, v7;
	v4 =	vadd.f32 v9, v4;
	_ =	sdelay $0x1  }
0x6e: {  	v6 =	vadd.f32 v8, v6;
	v4 =	vadd.f32 v5, v4;
	_ =	sdelay $0x1  }
0x6f: {  	v4 =	vadd.f32 v4, v6;
	_ =	sdelay $0x1  }
0x70: {  	v5 =	vperm.xlane v4, v0;
	_ =	sdelay $0x1  }
0x71: {  	v4 =	vadd.f32 v4, v5;
	_ =	sdelay $0x1  }
0x72: {  	v5 =	vperm.xlane v4, v1;
	_ =	sdelay $0x1  }
0x73: {  	v4 =	vadd.f32 v4, v5;
	_ =	sdelay $0x1  }
0x74: {  	v5 =	vperm.xlane v4, v2;
	_ =	sdelay $0x1  }
0x75: {  	v4 =	vadd.f32 v4, v5;
	_ =	sdelay $0x1  }
0x76: {  	v5 =	vperm.xlane v4, v3;
	_ =	sdelay $0x1  }
0x77: {  	v4 =	vadd.f32 v4, v5  }
0x78: {  	s3 =	simm.s32 $0x1DE22;
	s9 =	simm.s32 $0x11920  }
0x79: {  	v57 =	vld [tilespmem:s9+$0xFFFFFF30];
	[tilespmem:s3+$0xFFFFFFFE] =	vst.msk $0x1, v4  }
0x7a: {  	v4 =	vld [tilespmem:s0+$0xFFFFFFC0]  }
0x7b: {  	v5 =	vld [tilespmem:s8+$0xFFFFFFC0]  }
0x7c: {  	v6 =	vld [tilespmem:s0+$0xFFFFFFD0]  }
0x7d: {  	v7 =	vld [tilespmem:s0+$0xFFFFFFF0]  }
0x7e: {  	v8 =	vld [tilespmem:s8+$0xFFFFFFF0]  }
0x7f: {  	v45 =	vld [tilespmem:s0+$0xFFFFFFE0]  }
0x80: {  	v46 =	vld [tilespmem:s8+$0xFFFFFFE0]  }
0x81: {  	v47 =	vld [tilespmem:s8+$0xFFFFFFD0]  }
0x82: {  	v48 =	vld [tilespmem:s7+$0xFFFFFFB0]  }
0x83: {  	v49 =	vld [tilespmem:s7+$0xFFFFFF90]  }
0x84: {  	v50 =	vld [tilespmem:s7+$0xFFFFFF80]  }
0x85: {  	v51 =	vld [tilespmem:s7+$0xFFFFFFA0];
	v4 =	vmul.bf16 v5, v4  }
0x86: {  	v52 =	vld [tilespmem:s7+$0xFFFFFFC0];
	v6 =	vmul.bf16 v47, v6  }
0x87: {  	v5 =	vld [tilespmem:s7+$0xFFFFFFD0];
	v7 =	vmul.bf16 v8, v7;
	v9 =	vmul.bf16 v46, v45;
	v53 =	vunpack.i.u.bf16.f32 v4  }
0x88: {  	v8 =	vld [tilespmem:s7+$0xFFFFFFF0];
	v4 =	vunpack.i.l.bf16.f32 v4;
	v56 =	vunpack.i.u.bf16.f32 v6;
	v6 =	vunpack.i.l.bf16.f32 v6  }
0x89: {  	s13 =	simm.s32 $0x4FA0;
	v55 =	vld [tilespmem:s7+$0xFFFFFFE0];
	v58 =	vunpack.i.u.bf16.f32 v9;
	v54 =	vmul.f32 v49, v53;
	v4 =	vmul.f32 v50, v4  }
0x8a: {  	s10 =	simm.s32 $0xB3A0;
	v59 =	vld [tilespmem:s13+$0xFFFFFFB0];
	v9 =	vunpack.i.l.bf16.f32 v9;
	v6 =	vmul.f32 v51, v6;
	v12 =	vmul.f32 v48, v56  }
0x8b: {  	v61 =	vld [tilespmem:s10+$0xFFFFFFB0];
	v60 =	vunpack.i.u.bf16.f32 v7;
	v9 =	vmul.f32 v52, v9  }
0x8c: {  	v62 =	vld [tilespmem:s9+$0xFFFFFF20];
	v5 =	vmul.f32 v5, v58;
	v4 =	vadd.f32 v6, v4;
	v6 =	vadd.f32 v12, v54  }
0x8d: {  	v20 =	vld [tilespmem:s13+$0xFFFFFF90];
	v7 =	vunpack.i.l.bf16.f32 v7;
	v8 =	vmul.f32 v8, v60  }
0x8e: {  	v4 =	vadd.f32 v9, v4;
	v5 =	vadd.f32 v5, v6;
	v6 =	vmul.f32 v55, v7;
	v7 =	vld [tilespmem:s10+$0xFFFFFF90]  }
0x8f: {  	v63 =	vld [tilespmem:s13+$0xFFFFFF80]  }
0x90: {  	v4 =	vadd.f32 v6, v4;
	v5 =	vadd.f32 v8, v5;
	v6 =	vld [tilespmem:s10+$0xFFFFFF80]  }
0x91: {  	v8 =	vld [tilespmem:s10+$0xFFFFFFA0]  }
0x92: {  	v4 =	vadd.f32 v5, v4;
	v5 =	vld [tilespmem:s13+$0xFFFFFFA0]  }
0x93: {  	v23 =	vld [tilespmem:s9+$0xFFFFFF00];
	v25 =	vmul.bf16 v61, v59;
	v7 =	vmul.bf16 v7, v20  }
0x94: {  	v21 =	vld [tilespmem:s9+$0xFFFFFF10]  }
0x95: {  	v26 =	vld [tilespmem:s9+$0xFFFFFF40];
	v12 =	vunpack.i.u.bf16.f32 v25;
	v6 =	vmul.bf16 v6, v63;
	v27 =	vunpack.i.u.bf16.f32 v7  }
0x96: {  	v24 =	vld [tilespmem:s9+$0xFFFFFF50];
	v22 =	vperm.xlane v4, v0;
	v7 =	vunpack.i.l.bf16.f32 v7;
	v14 =	vmul.f32 v57, v27  }
0x97: {  	v18 =	vld [tilespmem:s9+$0xFFFFFF60];
	v28 =	vunpack.i.u.bf16.f32 v6;
	v5 =	vmul.bf16 v8, v5;
	v6 =	vunpack.i.l.bf16.f32 v6  }
0x98: {  	v4 =	vadd.f32 v4, v22;
	v7 =	vmul.f32 v62, v7;
	v8 =	vld [tilespmem:s9+$0xFFFFFF70];
	v6 =	vmul.f32 v23, v6  }
0x99: {  	v11 =	vmul.f32 v21, v28;
	v29 =	vunpack.i.u.bf16.f32 v5;
	v5 =	vunpack.i.l.bf16.f32 v5  }
0x9a: {  	v30 =	vperm.xlane v4, v1;
	v6 =	vadd.f32 v7, v6;
	v5 =	vmul.f32 v26, v5  }
0x9b: {  	v11 =	vadd.f32 v14, v11;
	v9 =	vmul.f32 v24, v29;
	v7 =	vunpack.i.l.bf16.f32 v25  }
0x9c: {  	v4 =	vadd.f32 v4, v30;
	v7 =	vmul.f32 v18, v7;
	v5 =	vadd.f32 v5, v6  }
0x9d: {  	v6 =	vadd.f32 v9, v11;
	v8 =	vmul.f32 v8, v12  }
0x9e: {  	v5 =	vadd.f32 v7, v5;
	v7 =	vperm.xlane v4, v2  }
0x9f: {  	v6 =	vadd.f32 v8, v6  }
0xa0: {  	v4 =	vadd.f32 v4, v7  }
0xa1: {  	v5 =	vadd.f32 v6, v5  }
0xa2: {  	v7 =	vperm.xlane v4, v3  }
0xa3: {  	v6 =	vperm.xlane v5, v0  }
0xa4: {  	v4 =	vadd.f32 v4, v7  }
0xa5: {  	v5 =	vadd.f32 v5, v6  }
0xa6: {  	[tilespmem:s3+$0xFFFFFFFF] =	vst.msk $0x1, v4  }
0xa7: {  	v6 =	vperm.xlane v5, v1;
	v8 =	vld [tilespmem:s0+$0x10]  }
0xa8: {  	v31 =	vld [tilespmem:s8+$0x30]  }
0xa9: {  	v32 =	vld [tilespmem:s7+$0x20];
	v4 =	vadd.f32 v5, v6  }
0xaa: {  	v34 =	vld [tilespmem:s7+$0x0]  }
0xab: {  	v35 =	vld [tilespmem:s7+$0x30];
	v7 =	vperm.xlane v4, v2  }
0xac: {  	v5 =	vld [tilespmem:s0+$0x0]  }
0xad: {  	v6 =	vld [tilespmem:s8+$0x0];
	v4 =	vadd.f32 v4, v7  }
0xae: {  	v36 =	vld [tilespmem:s7+$0x10]  }
0xaf: {  	v19 =	vld [tilespmem:s0+$0x20];
	v33 =	vperm.xlane v4, v3  }
0xb0: {  	v54 =	vld [tilespmem:s7+$0x50]  }
0xb1: {  	v7 =	vld [tilespmem:s0+$0x30];
	v4 =	vadd.f32 v4, v33  }
0xb2: {  	s16 =	simm.s32 $0x1DE26;
	v5 =	vmul.bf16 v6, v5;
	v6 =	vld [tilespmem:s8+$0x10]  }
0xb3: {  	[tilespmem:s16+$0xFFFFFFFE] =	vst.msk $0x1, v4;
	v4 =	vld [tilespmem:s8+$0x20]  }
0xb4: {  	v37 =	vld [tilespmem:s13+$0xFFFFFFC0]  }
0xb5: {  	v38 =	vld [tilespmem:s10+$0xFFFFFFC0]  }
0xb6: {  	v39 =	vld [tilespmem:s13+$0xFFFFFFD0]  }
0xb7: {  	v40 =	vld [tilespmem:s13+$0xFFFFFFF0]  }
0xb8: {  	v41 =	vld [tilespmem:s10+$0xFFFFFFF0]  }
0xb9: {  	v20 =	vld [tilespmem:s13+$0xFFFFFFE0]  }
0xba: {  	v21 =	vld [tilespmem:s10+$0xFFFFFFE0]  }
0xbb: {  	v6 =	vmul.bf16 v6, v8;
	v22 =	vld [tilespmem:s10+$0xFFFFFFD0]  }
0xbc: {  	v44 =	vunpack.i.u.bf16.f32 v5;
	v5 =	vunpack.i.l.bf16.f32 v5;
	v7 =	vmul.bf16 v31, v7;
	v43 =	vld [tilespmem:s9+$0xFFFFFF90]  }
0xbd: {  	v5 =	vmul.f32 v34, v5;
	v11 =	vmul.f32 v36, v44;
	v45 =	vld [tilespmem:s9+$0xFFFFFF80];
	v55 =	vunpack.i.u.bf16.f32 v6  }
0xbe: {  	v23 =	vunpack.i.u.bf16.f32 v7;
	v25 =	vld [tilespmem:s9+$0xFFFFFFA0];
	v6 =	vunpack.i.l.bf16.f32 v6;
	v13 =	vmul.f32 v35, v55  }
0xbf: {  	v26 =	vld [tilespmem:s9+$0xFFFFFFB0];
	v7 =	vunpack.i.l.bf16.f32 v7;
	v6 =	vmul.f32 v32, v6;
	v4 =	vmul.bf16 v4, v19  }
0xc0: {  	v47 =	vld [tilespmem:s9+$0xFFFFFFD0];
	v11 =	vadd.f32 v13, v11;
	v42 =	vmul.bf16 v38, v37;
	v16 =	vmul.bf16 v22, v39  }
0xc1: {  	v50 =	vld [tilespmem:s9+$0xFFFFFFC0];
	v17 =	vmul.bf16 v41, v40;
	v20 =	vmul.bf16 v21, v20;
	v48 =	vunpack.i.u.bf16.f32 v4  }
0xc2: {  	v51 =	vld [tilespmem:s9+$0xFFFFFFF0];
	v24 =	vunpack.i.u.bf16.f32 v42;
	v9 =	vunpack.i.l.bf16.f32 v42;
	v52 =	vunpack.i.l.bf16.f32 v16  }
0xc3: {  	v53 =	vld [tilespmem:s9+$0xFFFFFFE0];
	v16 =	vunpack.i.u.bf16.f32 v16;
	v8 =	vmul.f32 v43, v24;
	v9 =	vmul.f32 v45, v9  }
0xc4: {  	v56 =	vld [tilespmem:s7+$0x40];
	v49 =	vunpack.i.u.bf16.f32 v20;
	v24 =	vmul.f32 v25, v52;
	v16 =	vmul.f32 v26, v16  }
0xc5: {  	v57 =	vld [tilespmem:s7+$0x70];
	v46 =	vunpack.i.u.bf16.f32 v17;
	v20 =	vunpack.i.l.bf16.f32 v20;
	v12 =	vmul.f32 v47, v49  }
0xc6: {  	v59 =	vld [tilespmem:s7+$0x60];
	v58 =	vmul.f32 v50, v20;
	v9 =	vadd.f32 v24, v9;
	v8 =	vadd.f32 v16, v8  }
0xc7: {  	v4 =	vunpack.i.l.bf16.f32 v4;
	v17 =	vunpack.i.l.bf16.f32 v17;
	v14 =	vmul.f32 v51, v46  }
0xc8: {  	v60 =	vmul.f32 v53, v17;
	v9 =	vadd.f32 v58, v9;
	v8 =	vadd.f32 v12, v8  }
0xc9: {  	v5 =	vadd.f32 v6, v5;
	v61 =	vmul.f32 v54, v48;
	v4 =	vmul.f32 v56, v4  }
0xca: {  	v63 =	vmul.f32 v57, v23;
	v6 =	vadd.f32 v60, v9;
	v8 =	vadd.f32 v14, v8  }
0xcb: {  	v62 =	vadd.f32 v61, v11;
	v4 =	vadd.f32 v4, v5;
	v5 =	vmul.f32 v59, v7  }
0xcc: {  	v6 =	vadd.f32 v8, v6  }
0xcd: {  	s18 =	simm.s32 $0x4;
	s19 =	simm.s32 $0xB4A0;
	v4 =	vadd.f32 v5, v4;
	v5 =	vadd.f32 v63, v62  }
0xce: {  	s21 =	simm.s32 $0x11B20;
	s15 =	simm.s32 $0x4FA0;
	s12 =	simm.s32 $0x1DE26;
	v7 =	vperm.xlane v6, v0  }
.LBB2_3:
0xcf: {  	v8 =	vld [tilespmem:s21+$0xFFFFFF30];
	s18 =	sadd.s32 $0x4, s18;
	s13 =	sadd.s32 $0x100, s13;
	v4 =	vadd.f32 v5, v4  }
0xd0: {  	v5 =	vld [tilespmem:s13+$0xFFFFFFB0];
	p0 =	slt.u32 s18, $0xC4;
	v6 =	vadd.f32 v6, v7  }
0xd1: {  	v7 =	vld [tilespmem:s19+$0xFFFFFFB0];
	v9 =	vperm.xlane v4, v0  }
0xd2: {  	v10 =	vld [tilespmem:s21+$0xFFFFFF20];
	v11 =	vperm.xlane v6, v1  }
0xd3: {  	v12 =	vld [tilespmem:s13+$0xFFFFFF80];
	v4 =	vadd.f32 v4, v9  }
0xd4: {  	v9 =	vld [tilespmem:s19+$0xFFFFFF90];
	v6 =	vadd.f32 v6, v11  }
0xd5: {  	v11 =	vld [tilespmem:s13+$0xFFFFFF90];
	v13 =	vperm.xlane v4, v1  }
0xd6: {  	v14 =	vld [tilespmem:s19+$0xFFFFFF80];
	v5 =	vmul.bf16 v7, v5;
	v7 =	vperm.xlane v6, v2  }
0xd7: {  	v15 =	vld [tilespmem:s19+$0xFFFFFFA0];
	v4 =	vadd.f32 v4, v13  }
0xd8: {  	v13 =	vld [tilespmem:s13+$0xFFFFFFA0];
	v6 =	vadd.f32 v6, v7  }
0xd9: {  	v7 =	vld [tilespmem:s21+$0xFFFFFF00];
	v16 =	vperm.xlane v4, v2  }
0xda: {  	v17 =	vld [tilespmem:s21+$0xFFFFFF10];
	v9 =	vmul.bf16 v9, v11;
	v11 =	vperm.xlane v6, v3  }
0xdb: {  	v12 =	vmul.bf16 v14, v12;
	v14 =	vld [tilespmem:s21+$0xFFFFFF40];
	v4 =	vadd.f32 v4, v16  }
0xdc: {  	v16 =	vunpack.i.u.bf16.f32 v9;
	v9 =	vunpack.i.l.bf16.f32 v9;
	v18 =	vld [tilespmem:s21+$0xFFFFFF50];
	v6 =	vadd.f32 v6, v11  }
0xdd: {  	v11 =	vunpack.i.u.bf16.f32 v12;
	v12 =	vunpack.i.l.bf16.f32 v12;
	v19 =	vld [tilespmem:s21+$0xFFFFFF60];
	v20 =	vperm.xlane v4, v3  }
0xde: {  	v7 =	vmul.f32 v7, v12;
	v12 =	vmul.bf16 v15, v13;
	v13 =	vld [tilespmem:s21+$0xFFFFFF70];
	[tilespmem:s16+$0xFFFFFFFF] =	vst.msk $0x1, v6  }
0xdf: {  	v8 =	vmul.f32 v8, v16;
	v6 =	vmul.f32 v17, v11;
	v11 =	vld [tilespmem:s15+$0x0];
	v15 =	vadd.f32 v4, v20  }
0xe0: {  	v9 =	vmul.f32 v10, v9;
	v4 =	vunpack.i.u.bf16.f32 v12;
	v10 =	vunpack.i.l.bf16.f32 v12;
	v12 =	vld [tilespmem:s10+$0x0]  }
0xe1: {  	v6 =	vadd.f32 v8, v6;
	v8 =	vmul.f32 v18, v4;
	v4 =	vld [tilespmem:s15+$0x10];
	[tilespmem:s3+$0x0] =	vst.msk $0x1, v15  }
0xe2: {  	v7 =	vadd.f32 v9, v7;
	v9 =	vmul.f32 v14, v10;
	v10 =	vunpack.i.l.bf16.f32 v5;
	v14 =	vld [tilespmem:s7+$0xD0]  }
0xe3: {  	v5 =	vunpack.i.u.bf16.f32 v5;
	v10 =	vmul.f32 v19, v10;
	v15 =	vld [tilespmem:s8+$0x70]  }
0xe4: {  	v7 =	vadd.f32 v9, v7;
	v6 =	vadd.f32 v8, v6;
	v5 =	vmul.f32 v13, v5;
	v8 =	vld [tilespmem:s7+$0xA0]  }
0xe5: {  	v9 =	vmul.bf16 v12, v11;
	v11 =	vld [tilespmem:s0+$0x60]  }
0xe6: {  	v7 =	vadd.f32 v10, v7;
	v6 =	vadd.f32 v5, v6;
	v10 =	vld [tilespmem:s8+$0x50]  }
0xe7: {  	v5 =	vunpack.i.u.bf16.f32 v9;
	v9 =	vunpack.i.l.bf16.f32 v9;
	v12 =	vld [tilespmem:s8+$0x60]  }
0xe8: {  	v6 =	vadd.f32 v6, v7;
	v7 =	vld [tilespmem:s0+$0x40]  }
0xe9: {  	v13 =	vld [tilespmem:s8+$0x40];
	s8 =	smov.u32 s10;
	s10 =	smov.u32 s19  }
0xea: {  	v16 =	vperm.xlane v6, v0;
	v17 =	vld [tilespmem:s0+$0x50]  }
0xeb: {  	v18 =	vld [tilespmem:s7+$0x80]  }
0xec: {  	v6 =	vadd.f32 v6, v16;
	v16 =	vld [tilespmem:s7+$0x90];
	v11 =	vmul.bf16 v12, v11  }
0xed: {  	v12 =	vld [tilespmem:s7+$0xB0]  }
0xee: {  	v19 =	vperm.xlane v6, v1;
	v7 =	vmul.bf16 v13, v7;
	v13 =	vunpack.i.u.bf16.f32 v11;
	v20 =	vld [tilespmem:s0+$0x70];
	s0 =	smov.u32 s15;
	s15 =	smov.u32 s13  }
0xef: {  	v11 =	vunpack.i.l.bf16.f32 v11;
	v10 =	vmul.bf16 v10, v17;
	v13 =	vmul.f32 v14, v13;
	v14 =	vld [tilespmem:s7+$0xF0]  }
0xf0: {  	v6 =	vadd.f32 v6, v19;
	v17 =	vunpack.i.u.bf16.f32 v7;
	v7 =	vunpack.i.l.bf16.f32 v7;
	v19 =	vld [tilespmem:s7+$0xC0]  }
0xf1: {  	v16 =	vmul.f32 v16, v17;
	v17 =	vunpack.i.u.bf16.f32 v10;
	v10 =	vunpack.i.l.bf16.f32 v10;
	v21 =	vld [tilespmem:s7+$0xE0];
	s7 =	smov.u32 s9;
	s9 =	smov.u32 s21  }
0xf2: {  	v22 =	vperm.xlane v6, v2;
	v12 =	vmul.f32 v12, v17  }
0xf3: {  	v8 =	vmul.f32 v8, v10;
	v17 =	vld [tilespmem:s8+$0x30];
	v10 =	vmul.bf16 v15, v20  }
0xf4: {  	v6 =	vadd.f32 v6, v22;
	v15 =	vld [tilespmem:s0+$0x30];
	v12 =	vadd.f32 v12, v16  }
0xf5: {  	v7 =	vmul.f32 v18, v7;
	v16 =	vld [tilespmem:s7+$0x20];
	v18 =	vunpack.i.u.bf16.f32 v10;
	v10 =	vunpack.i.l.bf16.f32 v10  }
0xf6: {  	v20 =	vperm.xlane v6, v3;
	v22 =	vld [tilespmem:s7+$0x0];
	v12 =	vadd.f32 v13, v12;
	v13 =	vmul.f32 v14, v18  }
0xf7: {  	s16 =	sadd.s32 $0x4, s16;
	v7 =	vadd.f32 v8, v7;
	v8 =	vmul.f32 v19, v11;
	v10 =	vmul.f32 v21, v10;
	v14 =	vld [tilespmem:s7+$0x30]  }
0xf8: {  	v6 =	vadd.f32 v6, v20;
	v11 =	vld [tilespmem:s7+$0x50];
	v12 =	vadd.f32 v13, v12  }
0xf9: {  	v7 =	vadd.f32 v8, v7;
	v13 =	vld [tilespmem:s7+$0x10];
	v15 =	vmul.bf16 v17, v15  }
0xfa: {  	[tilespmem:s16+$0xFFFFFFFE] =	vst.msk $0x1, v6;
	v6 =	vld [tilespmem:s8+$0x20]  }
0xfb: {  	v7 =	vadd.f32 v10, v7;
	v8 =	vld [tilespmem:s13+$0xFFFFFFC0];
	v17 =	vunpack.i.u.bf16.f32 v15;
	v15 =	vunpack.i.l.bf16.f32 v15  }
0xfc: {  	v10 =	vld [tilespmem:s19+$0xFFFFFFC0]  }
0xfd: {  	v7 =	vadd.f32 v12, v7;
	v18 =	vld [tilespmem:s13+$0xFFFFFFD0]  }
0xfe: {  	v12 =	vld [tilespmem:s13+$0xFFFFFFF0]  }
0xff: {  	v20 =	vperm.xlane v7, v0;
	v19 =	vld [tilespmem:s19+$0xFFFFFFF0]  }
0x100: {  	v21 =	vld [tilespmem:s0+$0x20]  }
0x101: {  	v7 =	vadd.f32 v7, v20;
	v8 =	vmul.bf16 v10, v8;
	v10 =	vld [tilespmem:s13+$0xFFFFFFE0]  }
0x102: {  	v20 =	vld [tilespmem:s19+$0xFFFFFFE0]  }
0x103: {  	v25 =	vperm.xlane v7, v1;
	v23 =	vunpack.i.u.bf16.f32 v8;
	v8 =	vunpack.i.l.bf16.f32 v8;
	v24 =	vld [tilespmem:s19+$0xFFFFFFD0]  }
0x104: {  	v26 =	vld [tilespmem:s21+$0xFFFFFFB0];
	v12 =	vmul.bf16 v19, v12  }
0x105: {  	v7 =	vadd.f32 v7, v25;
	v19 =	vld [tilespmem:s8+$0x10];
	v6 =	vmul.bf16 v6, v21  }
0x106: {  	v9 =	vmul.f32 v22, v9;
	v21 =	vld [tilespmem:s21+$0xFFFFFF90];
	v25 =	vunpack.i.u.bf16.f32 v12;
	v12 =	vunpack.i.l.bf16.f32 v12  }
0x107: {  	v27 =	vperm.xlane v7, v2;
	v22 =	vld [tilespmem:s21+$0xFFFFFF80];
	v10 =	vmul.bf16 v20, v10;
	v20 =	vunpack.i.u.bf16.f32 v6  }
0x108: {  	v5 =	vmul.f32 v13, v5;
	v6 =	vunpack.i.l.bf16.f32 v6;
	v28 =	vld [tilespmem:s21+$0xFFFFFFA0];
	v11 =	vmul.f32 v11, v20  }
0x109: {  	v7 =	vadd.f32 v7, v27;
	v13 =	vunpack.i.u.bf16.f32 v10;
	v10 =	vunpack.i.l.bf16.f32 v10;
	v20 =	vld [tilespmem:s21+$0xFFFFFFD0]  }
0x10a: {  	v18 =	vmul.bf16 v24, v18;
	v24 =	vld [tilespmem:s21+$0xFFFFFFC0];
	v4 =	vmul.bf16 v19, v4  }
0x10b: {  	v19 =	vmul.f32 v21, v23;
	v21 =	vld [tilespmem:s21+$0xFFFFFFF0];
	v23 =	vperm.xlane v7, v3  }
0x10c: {  	v8 =	vmul.f32 v22, v8;
	v22 =	vunpack.i.u.bf16.f32 v18;
	v18 =	vunpack.i.l.bf16.f32 v18;
	v27 =	vld [tilespmem:s21+$0xFFFFFFE0]  }
0x10d: {  	v18 =	vmul.f32 v28, v18;
	v22 =	vmul.f32 v26, v22;
	v26 =	vunpack.i.u.bf16.f32 v4;
	v28 =	vld [tilespmem:s7+$0x40]  }
0x10e: {  	v4 =	vunpack.i.l.bf16.f32 v4;
	v13 =	vmul.f32 v20, v13;
	v14 =	vmul.f32 v14, v26;
	v20 =	vld [tilespmem:s7+$0x70]  }
0x10f: {  	v8 =	vadd.f32 v18, v8;
	v18 =	vadd.f32 v22, v19;
	v10 =	vmul.f32 v24, v10;
	v19 =	vld [tilespmem:s7+$0x60]  }
0x110: {  	v4 =	vmul.f32 v16, v4;
	v21 =	vmul.f32 v21, v25;
	v5 =	vadd.f32 v14, v5  }
0x111: {  	v8 =	vadd.f32 v10, v8;
	v10 =	vadd.f32 v13, v18;
	v12 =	vmul.f32 v27, v12  }
0x112: {  	v4 =	vadd.f32 v4, v9;
	v6 =	vmul.f32 v28, v6;
	v5 =	vadd.f32 v11, v5  }
.Ltmp2:
0x113: {  	v8 =	vadd.f32 v12, v8;
	v9 =	vadd.f32 v21, v10;
	v10 =	vmul.f32 v20, v17;
	(pc) =	sbr.rel @p0 .LBB2_3-.Ltmp2, $4  }
0x114: {  	v7 =	vadd.f32 v7, v23;
	v4 =	vadd.f32 v6, v4;
	v11 =	vmul.f32 v19, v15  }
0x115: {  	v6 =	vadd.f32 v9, v8  }
0x116: {  	v5 =	vadd.f32 v10, v5;
	v4 =	vadd.f32 v11, v4;
	[tilespmem:s3+$0x1] =	vst.msk $0x1, v7;
	s3 =	smov.u32 s12;
	s12 =	smov.u32 s16  }
0x117: {  	s19 =	sadd.s32 $0x100, s19;
	s21 =	sadd.s32 $0x200, s21;
	v7 =	vperm.xlane v6, v0  }
0x118: {  	_ = 	snop  }
0x119: {  	v6 =	vadd.f32 v6, v7;
	_ =	sdelay $0x1  }
0x11a: {  	v7 =	vperm.xlane v6, v1;
	_ =	sdelay $0x1  }
0x11b: {  	v6 =	vadd.f32 v6, v7;
	_ =	sdelay $0x1  }
0x11c: {  	v7 =	vperm.xlane v6, v2;
	_ =	sdelay $0x1  }
0x11d: {  	v6 =	vadd.f32 v6, v7;
	_ =	sdelay $0x1  }
0x11e: {  	v7 =	vperm.xlane v6, v3;
	_ =	sdelay $0x1  }
0x11f: {  	v6 =	vadd.f32 v6, v7;
	_ =	sdelay $0x1  }
0x120: {  	[tilespmem:s16+$0xFFFFFFFF] =	vst.msk $0x1, v6  }
0x121: {  	v6 =	vld [tilespmem:s15+$0x0]  }
0x122: {  	v7 =	vld [tilespmem:s10+$0x0]  }
0x123: {  	v4 =	vadd.f32 v5, v4;
	v8 =	vld [tilespmem:s15+$0x10]  }
0x124: {  	v5 =	vld [tilespmem:s10+$0x30]  }
0x125: {  	v10 =	vperm.xlane v4, v0;
	v9 =	vld [tilespmem:s15+$0x30]  }
0x126: {  	v11 =	vld [tilespmem:s9+$0x20]  }
0x127: {  	v4 =	vadd.f32 v4, v10;
	v10 =	vld [tilespmem:s10+$0x10]  }
0x128: {  	v13 =	vld [tilespmem:s10+$0x20]  }
0x129: {  	v14 =	vperm.xlane v4, v1;
	v15 =	vld [tilespmem:s15+$0x20]  }
0x12a: {  	v12 =	vld [tilespmem:s9+$0x30]  }
0x12b: {  	v4 =	vadd.f32 v4, v14;
	v16 =	vld [tilespmem:s9+$0x10]  }
0x12c: {  	v6 =	vmul.bf16 v7, v6;
	v7 =	vld [tilespmem:s9+$0x0]  }
0x12d: {  	v14 =	vld [tilespmem:s9+$0x50];
	v8 =	vmul.bf16 v10, v8;
	v10 =	vperm.xlane v4, v2  }
0x12e: {  	v18 =	vld [tilespmem:s9+$0x40];
	v5 =	vmul.bf16 v5, v9;
	v9 =	vmul.bf16 v13, v15  }
0x12f: {  	v15 =	vld [tilespmem:s9+$0x70];
	v17 =	vunpack.i.u.bf16.f32 v6;
	v6 =	vunpack.i.l.bf16.f32 v6;
	v13 =	vunpack.i.u.bf16.f32 v8  }
0x130: {  	v8 =	vunpack.i.l.bf16.f32 v8;
	v16 =	vmul.f32 v16, v17;
	v12 =	vmul.f32 v12, v13;
	v13 =	vld [tilespmem:s9+$0x60]  }
0x131: {  	v8 =	vmul.f32 v11, v8;
	v6 =	vmul.f32 v7, v6;
	v7 =	vunpack.i.u.bf16.f32 v9  }
0x132: {  	v9 =	vunpack.i.l.bf16.f32 v9;
	v11 =	vadd.f32 v12, v16;
	v7 =	vmul.f32 v14, v7  }
0x133: {  	v4 =	vadd.f32 v4, v10;
	v6 =	vadd.f32 v8, v6;
	v8 =	vmul.f32 v18, v9  }
0x134: {  	v9 =	vunpack.i.u.bf16.f32 v5;
	v5 =	vunpack.i.l.bf16.f32 v5;
	v7 =	vadd.f32 v7, v11  }
0x135: {  	v9 =	vmul.f32 v15, v9;
	v5 =	vmul.f32 v13, v5;
	v6 =	vadd.f32 v8, v6;
	_ =	sdelay $0x1  }
0x136: {  	v8 =	vperm.xlane v4, v3;
	v5 =	vadd.f32 v5, v6;
	v6 =	vadd.f32 v9, v7;
	_ =	sdelay $0x1  }
0x137: {  	v4 =	vadd.f32 v4, v8;
	v5 =	vadd.f32 v6, v5;
	_ =	sdelay $0x1  }
0x138: {  	[tilespmem:s3+$0x0] =	vst.msk $0x1, v4;
	v4 =	vperm.xlane v5, v0  }
0x139: {  	v6 =	vld [tilespmem:s7+$0xD0]  }
0x13a: {  	v7 =	vld [tilespmem:s8+$0x70];
	v4 =	vadd.f32 v5, v4  }
0x13b: {  	v8 =	vld [tilespmem:s0+$0x60]  }
0x13c: {  	v10 =	vld [tilespmem:s8+$0x50];
	v9 =	vperm.xlane v4, v1  }
0x13d: {  	v11 =	vld [tilespmem:s8+$0x60]  }
0x13e: {  	v12 =	vld [tilespmem:s8+$0x40];
	v4 =	vadd.f32 v4, v9  }
0x13f: {  	v14 =	vld [tilespmem:s0+$0x50]  }
0x140: {  	v15 =	vld [tilespmem:s7+$0x80];
	v13 =	vperm.xlane v4, v2  }
0x141: {  	v16 =	vld [tilespmem:s7+$0xB0]  }
0x142: {  	v18 =	vld [tilespmem:s0+$0x70];
	v4 =	vadd.f32 v4, v13  }
0x143: {  	v19 =	vld [tilespmem:s7+$0xF0]  }
0x144: {  	v20 =	vld [tilespmem:s7+$0xE0];
	v17 =	vperm.xlane v4, v3  }
0x145: {  	v5 =	vld [tilespmem:s7+$0xA0]  }
0x146: {  	v9 =	vld [tilespmem:s0+$0x40];
	v4 =	vadd.f32 v4, v17  }
0x147: {  	v13 =	vld [tilespmem:s7+$0x90]  }
0x148: {  	v17 =	vld [tilespmem:s7+$0xC0];
	[tilespmem:s12+$0x0] =	vst.msk $0x1, v4  }
0x149: {  	v4 =	vld [tilespmem:s9+$0xD0]  }
0x14a: {  	v21 =	vld [tilespmem:s10+$0x70]  }
0x14b: {  	v22 =	vld [tilespmem:s15+$0x60]  }
0x14c: {  	v10 =	vmul.bf16 v10, v14;
	v9 =	vmul.bf16 v12, v9;
	v12 =	vld [tilespmem:s10+$0x50]  }
0x14d: {  	v8 =	vmul.bf16 v11, v8;
	v11 =	vld [tilespmem:s10+$0x60]  }
0x14e: {  	v23 =	vunpack.i.u.bf16.f32 v10;
	v14 =	vunpack.i.u.bf16.f32 v9;
	v24 =	vld [tilespmem:s15+$0x40]  }
0x14f: {  	v16 =	vmul.f32 v16, v23;
	v13 =	vmul.f32 v13, v14;
	v14 =	vunpack.i.u.bf16.f32 v8;
	v23 =	vld [tilespmem:s10+$0x40]  }
0x150: {  	v7 =	vmul.bf16 v7, v18;
	v6 =	vmul.f32 v6, v14;
	v14 =	vld [tilespmem:s15+$0x50]  }
0x151: {  	v10 =	vunpack.i.l.bf16.f32 v10;
	v9 =	vunpack.i.l.bf16.f32 v9;
	v13 =	vadd.f32 v16, v13;
	v16 =	vld [tilespmem:s9+$0xA0]  }
0x152: {  	v5 =	vmul.f32 v5, v10;
	v9 =	vmul.f32 v15, v9;
	v10 =	vld [tilespmem:s9+$0x90]  }
0x153: {  	v15 =	vunpack.i.u.bf16.f32 v7;
	v7 =	vunpack.i.l.bf16.f32 v7;
	v6 =	vadd.f32 v6, v13;
	v13 =	vld [tilespmem:s9+$0xB0]  }
0x154: {  	v8 =	vunpack.i.l.bf16.f32 v8;
	v15 =	vmul.f32 v19, v15;
	v18 =	vld [tilespmem:s9+$0x80];
	v11 =	vmul.bf16 v11, v22  }
0x155: {  	v5 =	vadd.f32 v5, v9;
	v19 =	vld [tilespmem:s15+$0x70];
	v9 =	vmul.bf16 v23, v24;
	v12 =	vmul.bf16 v12, v14  }
0x156: {  	v7 =	vmul.f32 v20, v7;
	v8 =	vmul.f32 v17, v8;
	v17 =	vld [tilespmem:s9+$0xC0];
	v14 =	vunpack.i.u.bf16.f32 v11  }
0x157: {  	v20 =	vld [tilespmem:s9+$0xF0];
	v22 =	vunpack.i.u.bf16.f32 v9;
	v9 =	vunpack.i.l.bf16.f32 v9;
	v23 =	vunpack.i.u.bf16.f32 v12  }
0x158: {  	v12 =	vunpack.i.l.bf16.f32 v12;
	v10 =	vmul.f32 v10, v22;
	v22 =	vld [tilespmem:s9+$0xE0];
	v13 =	vmul.f32 v13, v23  }
0x159: {  	v11 =	vunpack.i.l.bf16.f32 v11;
	v12 =	vmul.f32 v16, v12;
	v9 =	vmul.f32 v18, v9  }
0x15a: {  	v4 =	vmul.f32 v4, v14;
	v14 =	vmul.bf16 v21, v19;
	v10 =	vadd.f32 v13, v10  }
0x15b: {  	v5 =	vadd.f32 v8, v5;
	v8 =	vadd.f32 v12, v9;
	v9 =	vmul.f32 v17, v11  }
0x15c: {  	v11 =	vunpack.i.u.bf16.f32 v14;
	v12 =	vunpack.i.l.bf16.f32 v14;
	v4 =	vadd.f32 v4, v10  }
0x15d: {  	v10 =	vmul.f32 v20, v11;
	v8 =	vadd.f32 v9, v8;
	v11 =	vmul.f32 v22, v12  }
0x15e: {  	v6 =	vadd.f32 v15, v6;
	v5 =	vadd.f32 v7, v5  }
0x15f: {  	v4 =	vadd.f32 v10, v4;
	v7 =	vadd.f32 v11, v8  }
0x160: {  	v5 =	vadd.f32 v6, v5  }
0x161: {  	v4 =	vadd.f32 v4, v7  }
0x162: {  	v6 =	vperm.xlane v5, v0  }
0x163: {  	v7 =	vperm.xlane v4, v0  }
0x164: {  	v5 =	vadd.f32 v5, v6  }
0x165: {  	v4 =	vadd.f32 v4, v7  }
0x166: {  	v6 =	vperm.xlane v5, v1  }
0x167: {  	v7 =	vperm.xlane v4, v1  }
0x168: {  	v5 =	vadd.f32 v5, v6  }
0x169: {  	v4 =	vadd.f32 v4, v7  }
0x16a: {  	v6 =	vperm.xlane v5, v2  }
0x16b: {  	v7 =	vperm.xlane v4, v2  }
0x16c: {  	v5 =	vadd.f32 v5, v6  }
0x16d: {  	v4 =	vadd.f32 v4, v7  }
0x16e: {  	v6 =	vperm.xlane v5, v3  }
0x16f: {  	s19 =	smul.u32 $0x190, s17;
	v7 =	vperm.xlane v4, v3  }
0x170: {  	v5 =	vadd.f32 v5, v6  }
0x171: {  	s28 =	sadd.s32 s6, s19;
	v4 =	vadd.f32 v4, v7  }
0x172: {  	s0 =	sshrl.u32 s28, $0x3;
	[tilespmem:s3+$0x1] =	vst.msk $0x1, v5  }
0x173: {  	s2 =	simm.s32 $0x1DE20;
	p0 =	seq.s32 s17, $0x18;
	s0 =	sadd.s32 s22, s0;
	[tilespmem:s12+$0x1] =	vst.msk $0x1, v4  }
0x174: {  	[hbm4b:s0+s5] =	stream.linear.scatter [tilespmem:s2], [sflag:$0x3], $0xC8, $0x38;
	[tilespmem:$0x1DFD0] =	vst v63  }
0x175: {  	s7 =	simm.s32 @!p0 $0x4E20;
	s3 =	simm.s32 @!p0 $0x50;
	s0 =	sadd.s32 @!p0 $0x190, s19  }
0x176: {  	[tilespmem:s7], [sflag:$0x1] =	stream.indirect.gather @!p0 [hbm4b:s1+s3], $0x40, s0, s3, $0xb8;
	[tilespmem:$0x1DFD0] =	vst v63  }
0x177: {  	s8 =	simm.s32 @!p0 $0xB220;
	s2 =	rddreg [dreg:$0x1];
	s7 =	sadd.s32 @!p0 $0x28A0, s19  }
0x178: {  	[tilespmem:s8], [sflag:$0x1] =	stream.indirect.gather @!p0 [hbm4b:s1+s3], $0x40, s7, s3, $0xb8;
	[tilespmem:$0x1DFD0] =	vst v63  }
0x179: {  	s0 =	sadd.s32 @!p0 s6, s0;
	s7 =	sadd.s32 @!p0 $0x1E0, s19;
	s8 =	simm.s32 @!p0 $0x6220  }
0x17a: {  	[tilespmem:s8], [sflag:$0x1] =	stream.indirect.gather @!p0 [hbm4b:s1+s3], $0x40, s7, s3, $0xb8;
	[tilespmem:$0x1DFD0] =	vst v63  }
0x17b: {  	s0 =	sshll.u32 @!p0 s0, $0x4;
	s7 =	sadd.s32 @!p0 $0x28F0, s19;
	s8 =	simm.s32 @!p0 $0xC620  }
0x17c: {  	[tilespmem:s8], [sflag:$0x1] =	stream.indirect.gather @!p0 [hbm4b:s1+s3], $0x40, s7, s3, $0xb8;
	[tilespmem:$0x1DFD0] =	vst v63  }
0x17d: {  	s3 =	sadd.s32 @!p0 $0x230, s19;
	s7 =	simm.s32 @!p0 $0x28;
	s8 =	simm.s32 @!p0 $0x7620  }
0x17e: {  	[tilespmem:s8], [sflag:$0x1] =	stream.indirect.gather @!p0 [hbm4b:s1+s7], $0x40, s3, s7, $0xb8;
	[tilespmem:$0x1DFD0] =	vst v63  }
0x17f: {  	s0 =	sand.u32 @!p0 $0x1FFFFF00, s0;
	s3 =	sadd.s32 @!p0 $0x2940, s19;
	s8 =	simm.s32 @!p0 $0xDA20  }
0x180: {  	[tilespmem:s8], [sflag:$0x1] =	stream.indirect.gather @!p0 [hbm4b:s1+s7], $0x40, s3, s7, $0xb8;
	[tilespmem:$0x1DFD0] =	vst v63  }
0x181: {  	s0 =	sadd.s32 @!p0 s2, s0;
	s3 =	simm.s32 @!p0 $0x0;
	s7 =	simm.s32 @!p0 $0x11620  }
0x182: {  	[tilespmem:s7], [sflag:$0x1] =	stream.linear.gather @!p0 [hbm4b:s0+s3], $0x6400, $0x38;
	[tilespmem:$0x1DFD0] =	vst v63  }
0x183: {  	_ =	swait.ge [sflag:s26], $0x1400  }
0x184: {  	[sflag:s26] =	ssyncset.done $0x0  }
0x185: {  	[sflag:s26] =	ssyncadd.s32 $0xFFFFEC00  }
0x186: {  	_ =	swait.ge [sflag:s26], $0x1400  }
0x187: {  	[sflag:s26] =	ssyncset.done $0x0  }
0x188: {  	[sflag:s26] =	ssyncadd.s32 $0xFFFFEC00  }
0x189: {  	_ =	swait.ge [sflag:s26], $0x1400  }
0x18a: {  	[sflag:s26] =	ssyncset.done $0x0  }
0x18b: {  	[sflag:s26] =	ssyncadd.s32 $0xFFFFEC00  }
0x18c: {  	_ =	swait.ge [sflag:s26], $0x1400  }
0x18d: {  	[sflag:s26] =	ssyncset.done $0x0  }
0x18e: {  	[sflag:s26] =	ssyncadd.s32 $0xFFFFEC00  }
0x18f: {  	_ =	swait.ge [sflag:s26], $0xA00  }
0x190: {  	[sflag:s26] =	ssyncset.done $0x0  }
0x191: {  	[sflag:s26] =	ssyncadd.s32 $0xFFFFF600  }
0x192: {  	_ =	swait.ge [sflag:s26], $0xA00  }
0x193: {  	[sflag:s26] =	ssyncset.done $0x0  }
0x194: {  	[sflag:s26] =	ssyncadd.s32 $0xFFFFF600  }
0x195: {  	_ =	swait.ge [sflag:s26], $0x6400  }
0x196: {  	[sflag:s26] =	ssyncset.done $0x0  }
0x197: {  	s0 =	simm.s32 @!p1 $0x4;
	[sflag:s26] =	ssyncadd.s32 $0xFFFF9C00  }
0x198: {  	_ =	swait.ge @!p1 [sflag:s0], $0xC8  }
0x199: {  	[sflag:s0] =	ssyncset.done @!p1 $0x0  }
0x19a: {  	s8 =	simm.s32 $0x17C10;
	[sflag:s0] =	ssyncadd.s32 @!p1 $0xFFFFFF38  }
0x19b: {  	v4 =	vld [tilespmem:s8+$0xFFFFFE20]  }
0x19c: {  	v5 =	vld [tilespmem:s8+$0xFFFFFE10]  }
0x19d: {  	s2 =	simm.s32 $0xE510;
	v6 =	vld [tilespmem:s8+$0xFFFFFE30]  }
0x19e: {  	v7 =	vld [tilespmem:s2+$0xFFFFFF30]  }
0x19f: {  	s9 =	simm.s32 $0x8110;
	v8 =	vld [tilespmem:s2+$0xFFFFFF20]  }
0x1a0: {  	v9 =	vld [tilespmem:s9+$0xFFFFFF20]  }
0x1a1: {  	v10 =	vld [tilespmem:s2+$0xFFFFFF10]  }
0x1a2: {  	v11 =	vld [tilespmem:s9+$0xFFFFFF10]  }
0x1a3: {  	v12 =	vld [tilespmem:s9+$0xFFFFFF30]  }
0x1a4: {  	v13 =	vld [tilespmem:s8+$0xFFFFFE40]  }
0x1a5: {  	v14 =	vld [tilespmem:s2+$0xFFFFFF40]  }
0x1a6: {  	v15 =	vld [tilespmem:s9+$0xFFFFFF40]  }
0x1a7: {  	v8 =	vmul.bf16 v8, v9;
	v9 =	vld [tilespmem:s8+$0xFFFFFE50]  }
0x1a8: {  	v10 =	vmul.bf16 v10, v11;
	v11 =	vld [tilespmem:s8+$0xFFFFFE60]  }
0x1a9: {  	v7 =	vmul.bf16 v7, v12;
	v12 =	vunpack.i.u.bf16.f32 v8;
	v8 =	vunpack.i.l.bf16.f32 v8  }
0x1aa: {  	v16 =	vld [tilespmem:s8+$0xFFFFFE80];
	v12 =	vmul.f32 v13, v12;
	v13 =	vunpack.i.l.bf16.f32 v10;
	v10 =	vunpack.i.u.bf16.f32 v10  }
0x1ab: {  	v17 =	vld [tilespmem:s8+$0xFFFFFE70];
	v6 =	vmul.f32 v6, v8;
	v8 =	vunpack.i.l.bf16.f32 v7;
	v5 =	vmul.f32 v5, v13  }
0x1ac: {  	v7 =	vunpack.i.u.bf16.f32 v7;
	v13 =	vmul.bf16 v14, v15;
	v4 =	vmul.f32 v4, v10  }
0x1ad: {  	v8 =	vmul.f32 v9, v8;
	v7 =	vmul.f32 v11, v7  }
0x1ae: {  	v5 =	vadd.f32 v6, v5;
	v6 =	vunpack.i.u.bf16.f32 v13;
	v4 =	vadd.f32 v12, v4  }
0x1af: {  	v9 =	vunpack.i.l.bf16.f32 v13;
	v6 =	vmul.f32 v16, v6  }
0x1b0: {  	v5 =	vadd.f32 v8, v5;
	v8 =	vmul.f32 v17, v9;
	v4 =	vadd.f32 v7, v4;
	_ =	sdelay $0x1  }
0x1b1: {  	v5 =	vadd.f32 v8, v5;
	v4 =	vadd.f32 v6, v4;
	_ =	sdelay $0x1  }
0x1b2: {  	v4 =	vadd.f32 v4, v5;
	_ =	sdelay $0x1  }
0x1b3: {  	v5 =	vperm.xlane v4, v0;
	_ =	sdelay $0x1  }
0x1b4: {  	v4 =	vadd.f32 v4, v5;
	_ =	sdelay $0x1  }
0x1b5: {  	v5 =	vperm.xlane v4, v1;
	_ =	sdelay $0x1  }
0x1b6: {  	v4 =	vadd.f32 v4, v5;
	_ =	sdelay $0x1  }
0x1b7: {  	v5 =	vperm.xlane v4, v2;
	_ =	sdelay $0x1  }
0x1b8: {  	v4 =	vadd.f32 v4, v5;
	_ =	sdelay $0x1  }
0x1b9: {  	s13 =	simm.s32 $0x0;
	v5 =	vperm.xlane v4, v3  }
0x1ba: {  	s15 =	sand.u32 $0xF8, s13  }
0x1bb: {  	s18 =	sand.u32 $0x4, s13;
	s7 =	sadd.s32 $0x1DEF8, s15;
	v4 =	vadd.f32 v4, v5  }
0x1bc: {  	s0 =	sor.u32 s18, s7  }
0x1bd: {  	[tilespmem:s0+$0x0] =	vst.msk $0x1, v4  }
0x1be: {  	v4 =	vld [tilespmem:s8+$0xFFFFFE90]  }
0x1bf: {  	v5 =	vld [tilespmem:s2+$0xFFFFFF80]  }
0x1c0: {  	v6 =	vld [tilespmem:s9+$0xFFFFFF70]  }
0x1c1: {  	v7 =	vld [tilespmem:s9+$0xFFFFFF50]  }
0x1c2: {  	v8 =	vld [tilespmem:s2+$0xFFFFFF60]  }
0x1c3: {  	v9 =	vld [tilespmem:s2+$0xFFFFFF70]  }
0x1c4: {  	v10 =	vld [tilespmem:s9+$0xFFFFFF60]  }
0x1c5: {  	v11 =	vld [tilespmem:s2+$0xFFFFFF50]  }
0x1c6: {  	v12 =	vld [tilespmem:s9+$0xFFFFFF80]  }
0x1c7: {  	v13 =	vld [tilespmem:s8+$0xFFFFFEC0]  }
0x1c8: {  	v14 =	vld [tilespmem:s8+$0xFFFFFEB0]  }
0x1c9: {  	v15 =	vld [tilespmem:s8+$0xFFFFFEA0]  }
0x1ca: {  	v16 =	vld [tilespmem:s8+$0xFFFFFEE0];
	v8 =	vmul.bf16 v8, v10;
	v7 =	vmul.bf16 v11, v7  }
0x1cb: {  	v10 =	vld [tilespmem:s8+$0xFFFFFED0];
	v6 =	vmul.bf16 v9, v6;
	v5 =	vmul.bf16 v5, v12  }
0x1cc: {  	v9 =	vld [tilespmem:s8+$0xFFFFFF00];
	v11 =	vunpack.i.u.bf16.f32 v8;
	v8 =	vunpack.i.l.bf16.f32 v8;
	v12 =	vunpack.i.l.bf16.f32 v7  }
0x1cd: {  	v17 =	vld [tilespmem:s8+$0xFFFFFEF0];
	v7 =	vunpack.i.u.bf16.f32 v7;
	v11 =	vmul.f32 v13, v11;
	v4 =	vmul.f32 v4, v12  }
0x1ce: {  	s30 =	simm.s32 $0x17E10;
	v12 =	vunpack.i.u.bf16.f32 v6;
	v8 =	vmul.f32 v14, v8;
	v7 =	vmul.f32 v15, v7  }
0x1cf: {  	v6 =	vunpack.i.l.bf16.f32 v6;
	v13 =	vunpack.i.u.bf16.f32 v5;
	v14 =	vld [tilespmem:s30+$0xFFFFFE20];
	v12 =	vmul.f32 v16, v12  }
0x1d0: {  	s23 =	simm.s32 $0xE610;
	v15 =	vld [tilespmem:s30+$0xFFFFFE10];
	v6 =	vmul.f32 v10, v6;
	v4 =	vadd.f32 v8, v4;
	v7 =	vadd.f32 v11, v7  }
0x1d1: {  	v5 =	vunpack.i.l.bf16.f32 v5;
	v8 =	vmul.f32 v9, v13;
	v9 =	vld [tilespmem:s23+$0xFFFFFF30]  }
0x1d2: {  	s3 =	simm.s32 $0x8210;
	v5 =	vmul.f32 v17, v5;
	v10 =	vld [tilespmem:s23+$0xFFFFFF20];
	v4 =	vadd.f32 v6, v4;
	v7 =	vadd.f32 v12, v7  }
0x1d3: {  	v11 =	vld [tilespmem:s3+$0xFFFFFF10]  }
0x1d4: {  	v6 =	vld [tilespmem:s3+$0xFFFFFF30];
	v4 =	vadd.f32 v5, v4;
	v7 =	vadd.f32 v8, v7  }
0x1d5: {  	v5 =	vld [tilespmem:s3+$0xFFFFFF20]  }
0x1d6: {  	v8 =	vld [tilespmem:s23+$0xFFFFFF10];
	v4 =	vadd.f32 v7, v4  }
0x1d7: {  	v16 =	vld [tilespmem:s3+$0xFFFFFF40]  }
0x1d8: {  	v12 =	vld [tilespmem:s30+$0xFFFFFE40];
	v13 =	vperm.xlane v4, v0  }
0x1d9: {  	v7 =	vld [tilespmem:s30+$0xFFFFFE30];
	v6 =	vmul.bf16 v9, v6  }
0x1da: {  	v9 =	vld [tilespmem:s23+$0xFFFFFF40];
	v5 =	vmul.bf16 v10, v5;
	v4 =	vadd.f32 v4, v13  }
0x1db: {  	v10 =	vld [tilespmem:s30+$0xFFFFFE50];
	v8 =	vmul.bf16 v8, v11;
	v13 =	vunpack.i.l.bf16.f32 v6  }
0x1dc: {  	v11 =	vld [tilespmem:s30+$0xFFFFFE60];
	v17 =	vunpack.i.u.bf16.f32 v5;
	v5 =	vunpack.i.l.bf16.f32 v5;
	v18 =	vperm.xlane v4, v1  }
0x1dd: {  	v19 =	vld [tilespmem:s30+$0xFFFFFE80];
	v12 =	vmul.f32 v12, v17;
	v17 =	vunpack.i.u.bf16.f32 v8;
	v8 =	vunpack.i.l.bf16.f32 v8  }
0x1de: {  	v20 =	vld [tilespmem:s30+$0xFFFFFE70];
	v5 =	vmul.f32 v7, v5;
	v8 =	vmul.f32 v15, v8;
	v4 =	vadd.f32 v4, v18  }
0x1df: {  	v6 =	vunpack.i.u.bf16.f32 v6;
	v7 =	vmul.bf16 v9, v16;
	v9 =	vmul.f32 v14, v17  }
0x1e0: {  	v10 =	vmul.f32 v10, v13;
	v5 =	vadd.f32 v5, v8;
	v8 =	vperm.xlane v4, v2  }
0x1e1: {  	v13 =	vunpack.i.u.bf16.f32 v7;
	v6 =	vmul.f32 v11, v6;
	v9 =	vadd.f32 v12, v9  }
0x1e2: {  	v7 =	vunpack.i.l.bf16.f32 v7;
	v11 =	vmul.f32 v19, v13;
	v4 =	vadd.f32 v4, v8  }
0x1e3: {  	v7 =	vmul.f32 v20, v7;
	v5 =	vadd.f32 v10, v5;
	v6 =	vadd.f32 v6, v9  }
0x1e4: {  	v8 =	vperm.xlane v4, v3  }
0x1e5: {  	s21 =	simm.s32 $0x1;
	v5 =	vadd.f32 v7, v5;
	v6 =	vadd.f32 v11, v6  }
0x1e6: {  	s15 =	simm.s32 $0x18010;
	s0 =	sand.u32 $0x5, s21;
	v4 =	vadd.f32 v4, v8  }
0x1e7: {  	v23 =	vld [tilespmem:s15+$0xFFFFFE50];
	s0 =	sor.u32 s0, s7;
	v5 =	vadd.f32 v6, v5  }
0x1e8: {  	v62 =	vld [tilespmem:s15+$0xFFFFFE10];
	[tilespmem:s0+$0x0] =	vst.msk $0x1, v4  }
0x1e9: {  	v4 =	vperm.xlane v5, v0;
	v6 =	vld [tilespmem:s9+$0xFFFFFF90]  }
0x1ea: {  	v7 =	vld [tilespmem:s9+$0xFFFFFFC0]  }
0x1eb: {  	v8 =	vld [tilespmem:s9+$0xFFFFFFA0];
	v4 =	vadd.f32 v5, v4  }
0x1ec: {  	v10 =	vld [tilespmem:s8+$0xFFFFFF10]  }
0x1ed: {  	v11 =	vld [tilespmem:s2+$0xFFFFFFB0];
	v9 =	vperm.xlane v4, v1  }
0x1ee: {  	v12 =	vld [tilespmem:s2+$0xFFFFFFC0]  }
0x1ef: {  	v14 =	vld [tilespmem:s8+$0xFFFFFF70];
	v4 =	vadd.f32 v4, v9  }
0x1f0: {  	v15 =	vld [tilespmem:s2+$0xFFFFFFA0]  }
0x1f1: {  	v16 =	vld [tilespmem:s8+$0xFFFFFF30];
	v13 =	vperm.xlane v4, v2  }
0x1f2: {  	v5 =	vld [tilespmem:s2+$0xFFFFFF90]  }
0x1f3: {  	v18 =	vld [tilespmem:s8+$0xFFFFFF40];
	v4 =	vadd.f32 v4, v13  }
0x1f4: {  	v9 =	vld [tilespmem:s9+$0xFFFFFFB0]  }
0x1f5: {  	s12 =	simm.s32 $0x4;
	v19 =	vld [tilespmem:s8+$0xFFFFFF20];
	v17 =	vperm.xlane v4, v3  }
0x1f6: {  	s4 =	smov.u32 s22;
	s22 =	sand.u32 $0xF8, s12;
	v20 =	vld [tilespmem:s8+$0xFFFFFF60]  }
0x1f7: {  	s25 =	sand.u32 $0x4, s12;
	s10 =	sadd.s32 $0x1DEF8, s22;
	v8 =	vmul.bf16 v15, v8;
	v6 =	vmul.bf16 v5, v6;
	v5 =	vld [tilespmem:s15+$0xFFFFFE80];
	v4 =	vadd.f32 v4, v17  }
0x1f8: {  	s0 =	sor.u32 s25, s10;
	v7 =	vmul.bf16 v12, v7;
	v13 =	vld [tilespmem:s8+$0xFFFFFF80]  }
0x1f9: {  	v9 =	vmul.bf16 v11, v9;
	v11 =	vunpack.i.l.bf16.f32 v8;
	v8 =	vunpack.i.u.bf16.f32 v8;
	v17 =	vld [tilespmem:s8+$0xFFFFFF50];
	[tilespmem:s0+$0x0] =	vst.msk $0x1, v4  }
0x1fa: {  	v11 =	vmul.f32 v16, v11;
	v8 =	vmul.f32 v18, v8;
	v4 =	vunpack.i.l.bf16.f32 v6;
	v15 =	vld [tilespmem:s30+$0xFFFFFE90]  }
0x1fb: {  	v21 =	vunpack.i.u.bf16.f32 v9;
	v6 =	vunpack.i.u.bf16.f32 v6;
	v4 =	vmul.f32 v10, v4;
	v10 =	vld [tilespmem:s30+$0xFFFFFEC0]  }
0x1fc: {  	v9 =	vunpack.i.l.bf16.f32 v9;
	v16 =	vld [tilespmem:s23+$0xFFFFFF80];
	v6 =	vmul.f32 v19, v6;
	v19 =	vunpack.i.u.bf16.f32 v7  }
0x1fd: {  	v18 =	vld [tilespmem:s3+$0xFFFFFF70];
	v7 =	vunpack.i.l.bf16.f32 v7;
	v13 =	vmul.f32 v13, v19;
	v4 =	vadd.f32 v11, v4  }
0x1fe: {  	v19 =	vld [tilespmem:s23+$0xFFFFFF70];
	v9 =	vmul.f32 v17, v9;
	v17 =	vmul.f32 v20, v21;
	v6 =	vadd.f32 v8, v6  }
0x1ff: {  	v7 =	vmul.f32 v14, v7;
	v14 =	vld [tilespmem:s23+$0xFFFFFF50]  }
0x200: {  	v11 =	vld [tilespmem:s3+$0xFFFFFF50];
	v4 =	vadd.f32 v9, v4;
	v6 =	vadd.f32 v17, v6  }
0x201: {  	v8 =	vld [tilespmem:s23+$0xFFFFFF60]  }
0x202: {  	v9 =	vld [tilespmem:s3+$0xFFFFFF60];
	v4 =	vadd.f32 v7, v4;
	v6 =	vadd.f32 v13, v6  }
0x203: {  	v17 =	vld [tilespmem:s30+$0xFFFFFEE0]  }
0x204: {  	v7 =	vld [tilespmem:s3+$0xFFFFFF80];
	v4 =	vadd.f32 v6, v4  }
0x205: {  	v12 =	vld [tilespmem:s30+$0xFFFFFEB0]  }
0x206: {  	v20 =	vld [tilespmem:s30+$0xFFFFFF00];
	v18 =	vmul.bf16 v19, v18;
	v21 =	vperm.xlane v4, v0  }
0x207: {  	v19 =	vld [tilespmem:s30+$0xFFFFFEA0];
	v11 =	vmul.bf16 v14, v11;
	v8 =	vmul.bf16 v8, v9  }
0x208: {  	v6 =	vld [tilespmem:s30+$0xFFFFFED0];
	v9 =	vunpack.i.u.bf16.f32 v18;
	v18 =	vunpack.i.l.bf16.f32 v18;
	v4 =	vadd.f32 v4, v21  }
0x209: {  	v13 =	vld [tilespmem:s15+$0xFFFFFE70];
	v9 =	vmul.f32 v17, v9;
	v7 =	vmul.bf16 v16, v7;
	v16 =	vunpack.i.l.bf16.f32 v11  }
0x20a: {  	v14 =	vld [tilespmem:s15+$0xFFFFFE60];
	v22 =	vunpack.i.l.bf16.f32 v8;
	v15 =	vmul.f32 v15, v16;
	v16 =	vperm.xlane v4, v1  }
0x20b: {  	s0 =	simm.s32 $0x8310;
	v8 =	vunpack.i.u.bf16.f32 v8;
	v11 =	vunpack.i.u.bf16.f32 v11;
	v21 =	vld [tilespmem:s30+$0xFFFFFEF0];
	v12 =	vmul.f32 v12, v22  }
0x20c: {  	v17 =	vld [tilespmem:s0+$0xFFFFFF10];
	v8 =	vmul.f32 v10, v8;
	v10 =	vmul.f32 v19, v11;
	v4 =	vadd.f32 v4, v16  }
0x20d: {  	v22 =	vld [tilespmem:s15+$0xFFFFFE20];
	v6 =	vmul.f32 v6, v18;
	v11 =	vadd.f32 v12, v15  }
0x20e: {  	s18 =	simm.s32 $0xE710;
	v18 =	vld [tilespmem:s15+$0xFFFFFE40];
	v12 =	vunpack.i.u.bf16.f32 v7;
	v8 =	vadd.f32 v8, v10;
	v10 =	vperm.xlane v4, v2  }
0x20f: {  	v15 =	vld [tilespmem:s18+$0xFFFFFF30];
	v7 =	vunpack.i.l.bf16.f32 v7;
	v12 =	vmul.f32 v20, v12;
	v6 =	vadd.f32 v6, v11  }
0x210: {  	v16 =	vld [tilespmem:s15+$0xFFFFFE30];
	v8 =	vadd.f32 v9, v8;
	v7 =	vmul.f32 v21, v7;
	v4 =	vadd.f32 v4, v10  }
0x211: {  	v11 =	vld [tilespmem:s0+$0xFFFFFF30]  }
0x212: {  	v6 =	vadd.f32 v7, v6;
	v7 =	vadd.f32 v12, v8;
	v12 =	vld [tilespmem:s18+$0xFFFFFF10];
	v8 =	vperm.xlane v4, v3  }
0x213: {  	s21 =	simm.s32 $0x2;
	v9 =	vld [tilespmem:s18+$0xFFFFFF20]  }
0x214: {  	s21 =	sand.u32 $0x6, s21;
	v10 =	vld [tilespmem:s0+$0xFFFFFF20];
	v6 =	vadd.f32 v7, v6;
	v4 =	vadd.f32 v4, v8  }
0x215: {  	s21 =	sor.u32 s21, s7;
	v7 =	vld [tilespmem:s18+$0xFFFFFF40]  }
0x216: {  	v11 =	vmul.bf16 v15, v11;
	v15 =	vperm.xlane v6, v0;
	v8 =	vld [tilespmem:s0+$0xFFFFFF40];
	[tilespmem:s21+$0x0] =	vst.msk $0x1, v4  }
0x217: {  	v12 =	vmul.bf16 v12, v17;
	v4 =	vld [tilespmem:s2+$0x0]  }
0x218: {  	v19 =	vunpack.i.l.bf16.f32 v11;
	v17 =	vunpack.i.u.bf16.f32 v11;
	v20 =	vadd.f32 v6, v15;
	v6 =	vld [tilespmem:s2+$0xFFFFFFD0]  }
0x219: {  	v21 =	vmul.bf16 v9, v10;
	v15 =	vmul.f32 v23, v19;
	v11 =	vunpack.i.l.bf16.f32 v12;
	v9 =	vld [tilespmem:s9+$0xFFFFFFE0]  }
0x21a: {  	v19 =	vperm.xlane v20, v1;
	v10 =	vld [tilespmem:s2+$0xFFFFFFE0];
	v23 =	vmul.f32 v62, v11  }
0x21b: {  	v11 =	vld [tilespmem:s9+$0xFFFFFFF0];
	v8 =	vmul.bf16 v7, v8;
	v7 =	vunpack.i.u.bf16.f32 v21;
	v21 =	vunpack.i.l.bf16.f32 v21  }
0x21c: {  	s21 =	simm.s32 $0x8;
	v63 =	vunpack.i.u.bf16.f32 v12;
	v12 =	vld [tilespmem:s2+$0xFFFFFFF0];
	v21 =	vmul.f32 v16, v21;
	v16 =	vadd.f32 v20, v19  }
0x21d: {  	s31 =	simm.s32 $0xFFFFFFFC;
	s28 =	sand.u32 $0xF8, s21;
	v22 =	vmul.f32 v22, v63;
	v19 =	vmul.f32 v18, v7;
	v7 =	vld [tilespmem:s8+$0xFFFFFF90];
	v20 =	vunpack.i.l.bf16.f32 v8  }
0x21e: {  	s16 =	simm.s32 $0xE710;
	s22 =	simm.s32 $0x8;
	s29 =	sadd.s32 $0x1DEF8, s28;
	v21 =	vadd.f32 v21, v23;
	v23 =	vunpack.i.u.bf16.f32 v8;
	v18 =	vperm.xlane v16, v2;
	v8 =	vld [tilespmem:s8+$0xFFFFFFA0]  }
.LBB2_5:
0x21f: {  	v19 =	vadd.f32 v19, v22;
	v14 =	vmul.f32 v14, v17;
	v5 =	vmul.f32 v5, v23;
	v17 =	vld [tilespmem:s8+$0xFFFFFFB0];
	s28 =	smov.u32 s21;
	s21 =	sadd.s32 $0x4, s21  }
0x220: {  	v13 =	vmul.f32 v13, v20;
	s25 =	sand.u32 $0xF8, s21;
	p1 =	slt.u32 s21, $0xC4;
	v15 =	vadd.f32 v15, v21;
	v16 =	vadd.f32 v16, v18;
	v18 =	vld [tilespmem:s8+$0xFFFFFFC0]  }
0x221: {  	v9 =	vmul.bf16 v10, v9;
	s25 =	sadd.s32 $0x1DEF8, s25;
	v14 =	vadd.f32 v14, v19;
	v10 =	vmul.bf16 v12, v11;
	v11 =	vld [tilespmem:s9+$0x0]  }
0x222: {  	v12 =	vperm.xlane v16, v3;
	v19 =	vld [tilespmem:s9+$0xFFFFFFD0];
	s9 =	smov.u32 s3;
	s3 =	smov.u32 s0  }
0x223: {  	s2 =	sadd.s32 $0x5, s13;
	v13 =	vadd.f32 v13, v15;
	v5 =	vadd.f32 v5, v14;
	v14 =	vunpack.i.u.bf16.f32 v10;
	v15 =	vld [tilespmem:s8+$0xFFFFFFF0]  }
0x224: {  	s2 =	sand.u32 $0x5, s2;
	v10 =	vunpack.i.l.bf16.f32 v10;
	v12 =	vadd.f32 v16, v12;
	v16 =	vunpack.i.u.bf16.f32 v9;
	v20 =	vld [tilespmem:s8+$0x0]  }
0x225: {  	s2 =	sor.u32 s2, s10;
	v5 =	vadd.f32 v5, v13;
	v13 =	vmul.f32 v18, v16;
	v16 =	vld [tilespmem:s8+$0xFFFFFFE0]  }
0x226: {  	[tilespmem:s2+$0x0] =	vst.msk $0x1, v12;
	v12 =	vld [tilespmem:s8+$0xFFFFFFD0];
	v4 =	vmul.bf16 v4, v11;
	s8 =	smov.u32 s30;
	s30 =	smov.u32 s15  }
0x227: {  	v11 =	vperm.xlane v5, v0;
	v18 =	vld [tilespmem:s9+$0xFFFFFF90];
	v6 =	vmul.bf16 v6, v19  }
0x228: {  	v19 =	vld [tilespmem:s9+$0xFFFFFFC0];
	v21 =	vunpack.i.u.bf16.f32 v4;
	v4 =	vunpack.i.l.bf16.f32 v4  }
0x229: {  	v5 =	vadd.f32 v5, v11;
	v11 =	vld [tilespmem:s9+$0xFFFFFFA0];
	v4 =	vmul.f32 v15, v4;
	v15 =	vmul.f32 v20, v21  }
0x22a: {  	v21 =	vunpack.i.u.bf16.f32 v6;
	v6 =	vunpack.i.l.bf16.f32 v6;
	v20 =	vld [tilespmem:s23+$0xFFFFFF90];
	v14 =	vmul.f32 v16, v14  }
0x22b: {  	v9 =	vunpack.i.l.bf16.f32 v9;
	v8 =	vmul.f32 v8, v21;
	v16 =	vperm.xlane v5, v1;
	v22 =	vld [tilespmem:s8+$0xFFFFFF10]  }
0x22c: {  	v6 =	vmul.f32 v7, v6;
	v7 =	vmul.f32 v17, v9;
	v21 =	vld [tilespmem:s23+$0xFFFFFFB0]  }
0x22d: {  	v10 =	vmul.f32 v12, v10;
	v8 =	vadd.f32 v13, v8;
	v5 =	vadd.f32 v5, v16;
	v9 =	vld [tilespmem:s9+$0xFFFFFFB0]  }
0x22e: {  	v6 =	vadd.f32 v7, v6;
	v12 =	vld [tilespmem:s23+$0xFFFFFFC0]  }
0x22f: {  	v8 =	vadd.f32 v14, v8;
	v7 =	vperm.xlane v5, v2;
	v13 =	vmul.bf16 v20, v18;
	v16 =	vld [tilespmem:s8+$0xFFFFFF70]  }
0x230: {  	v6 =	vadd.f32 v10, v6;
	v14 =	vld [tilespmem:s23+$0xFFFFFFA0]  }
0x231: {  	v8 =	vadd.f32 v15, v8;
	v5 =	vadd.f32 v5, v7;
	v7 =	vunpack.i.l.bf16.f32 v13;
	v10 =	vld [tilespmem:s8+$0xFFFFFF80]  }
0x232: {  	v4 =	vadd.f32 v4, v6;
	v7 =	vmul.f32 v22, v7;
	v15 =	vld [tilespmem:s8+$0xFFFFFF30];
	v9 =	vmul.bf16 v21, v9  }
0x233: {  	v6 =	vperm.xlane v5, v3;
	v17 =	vld [tilespmem:s8+$0xFFFFFF40];
	v12 =	vmul.bf16 v12, v19  }
0x234: {  	v4 =	vadd.f32 v8, v4;
	v18 =	vld [tilespmem:s8+$0xFFFFFF20];
	v19 =	vunpack.i.u.bf16.f32 v9;
	v9 =	vunpack.i.l.bf16.f32 v9  }
0x235: {  	s2 =	sand.u32 $0x4, s22;
	s22 =	smov.u32 s21;
	v6 =	vadd.f32 v5, v6;
	v8 =	vld [tilespmem:s8+$0xFFFFFF50];
	v5 =	vunpack.i.u.bf16.f32 v12;
	v12 =	vunpack.i.l.bf16.f32 v12  }
0x236: {  	s15 =	sadd.s32 $0x200, s15;
	s2 =	sor.u32 s2, s29;
	v11 =	vmul.bf16 v14, v11;
	v14 =	vld [tilespmem:s8+$0xFFFFFF60];
	v10 =	vmul.f32 v10, v5  }
0x237: {  	v5 =	vld [tilespmem:s15+$0xFFFFFE80];
	[tilespmem:s2+$0x0] =	vst.msk $0x1, v6;
	v6 =	vmul.f32 v16, v12;
	v12 =	vperm.xlane v4, v0  }
0x238: {  	v13 =	vunpack.i.u.bf16.f32 v13;
	v20 =	vunpack.i.u.bf16.f32 v11;
	v11 =	vunpack.i.l.bf16.f32 v11;
	v16 =	vld [tilespmem:s30+$0xFFFFFE90]  }
0x239: {  	v11 =	vmul.f32 v15, v11;
	v21 =	vld [tilespmem:s30+$0xFFFFFEC0];
	v13 =	vmul.f32 v18, v13;
	v4 =	vadd.f32 v4, v12  }
0x23a: {  	v15 =	vmul.f32 v17, v20;
	v12 =	vld [tilespmem:s30+$0xFFFFFEB0]  }
0x23b: {  	v7 =	vadd.f32 v11, v7;
	v8 =	vmul.f32 v8, v9;
	v17 =	vld [tilespmem:s18+$0xFFFFFF80];
	v9 =	vmul.f32 v14, v19  }
0x23c: {  	v13 =	vadd.f32 v15, v13;
	v14 =	vperm.xlane v4, v1;
	v11 =	vld [tilespmem:s0+$0xFFFFFF70]  }
0x23d: {  	v7 =	vadd.f32 v8, v7;
	v15 =	vld [tilespmem:s0+$0xFFFFFF50]  }
0x23e: {  	v9 =	vadd.f32 v9, v13;
	v4 =	vadd.f32 v4, v14;
	v8 =	vld [tilespmem:s18+$0xFFFFFF60]  }
0x23f: {  	v6 =	vadd.f32 v6, v7;
	v13 =	vld [tilespmem:s18+$0xFFFFFF70]  }
0x240: {  	v9 =	vadd.f32 v10, v9;
	v10 =	vperm.xlane v4, v2;
	v7 =	vld [tilespmem:s0+$0xFFFFFF60]  }
0x241: {  	v14 =	vld [tilespmem:s18+$0xFFFFFF50]  }
0x242: {  	v6 =	vadd.f32 v9, v6;
	v4 =	vadd.f32 v4, v10;
	v18 =	vld [tilespmem:s0+$0xFFFFFF80]  }
0x243: {  	v9 =	vld [tilespmem:s30+$0xFFFFFEE0]  }
0x244: {  	s2 =	sadd.s32 $0xFFFFFFFF, s31;
	s31 =	smov.u32 s13;
	s13 =	smov.u32 s12;
	v19 =	vperm.xlane v6, v0;
	v20 =	vperm.xlane v4, v3;
	v10 =	vld [tilespmem:s30+$0xFFFFFED0]  }
0x245: {  	s12 =	smov.u32 s28;
	s2 =	sand.u32 $0x7, s2;
	v7 =	vmul.bf16 v8, v7;
	v8 =	vmul.bf16 v13, v11;
	v11 =	vld [tilespmem:s30+$0xFFFFFF00]  }
0x246: {  	s2 =	sor.u32 s2, s7;
	s7 =	smov.u32 s10;
	s10 =	smov.u32 s29;
	v6 =	vadd.f32 v6, v19;
	v4 =	vadd.f32 v4, v20;
	v15 =	vmul.bf16 v14, v15;
	v22 =	vld [tilespmem:s30+$0xFFFFFEA0]  }
0x247: {  	s29 =	smov.u32 s25;
	v13 =	vld [tilespmem:s15+$0xFFFFFE70];
	v14 =	vunpack.i.u.bf16.f32 v8;
	v8 =	vunpack.i.l.bf16.f32 v8;
	v17 =	vmul.bf16 v17, v18  }
0x248: {  	v18 =	vunpack.i.u.bf16.f32 v7;
	v7 =	vunpack.i.l.bf16.f32 v7;
	v9 =	vmul.f32 v9, v14;
	v19 =	vld [tilespmem:s30+$0xFFFFFEF0];
	[tilespmem:s2+$0x0] =	vst.msk $0x1, v4  }
0x249: {  	v4 =	vunpack.i.u.bf16.f32 v15;
	v18 =	vmul.f32 v21, v18;
	v14 =	vld [tilespmem:s15+$0xFFFFFE60];
	v20 =	vunpack.i.u.bf16.f32 v17  }
0x24a: {  	v15 =	vunpack.i.l.bf16.f32 v15;
	v21 =	vld [tilespmem:s15+$0xFFFFFE50];
	v11 =	vmul.f32 v11, v20;
	v20 =	vperm.xlane v6, v1  }
0x24b: {  	v7 =	vmul.f32 v12, v7;
	v15 =	vmul.f32 v16, v15;
	v12 =	vunpack.i.l.bf16.f32 v17;
	v23 =	vld [tilespmem:s15+$0xFFFFFE20]  }
0x24c: {  	v8 =	vmul.f32 v10, v8;
	v4 =	vmul.f32 v22, v4;
	v16 =	vld [tilespmem:s15+$0xFFFFFE10];
	v6 =	vadd.f32 v6, v20  }
0x24d: {  	s18 =	sadd.s32 $0x100, s18;
	v7 =	vadd.f32 v7, v15;
	v20 =	vld [tilespmem:s15+$0xFFFFFE30];
	v10 =	vmul.f32 v19, v12  }
0x24e: {  	v4 =	vadd.f32 v18, v4;
	v12 =	vld [tilespmem:s18+$0xFFFFFF30];
	v15 =	vperm.xlane v6, v2  }
0x24f: {  	s0 =	sadd.s32 $0x100, s0;
	v7 =	vadd.f32 v8, v7;
	v18 =	vld [tilespmem:s15+$0xFFFFFE40]  }
0x250: {  	v4 =	vadd.f32 v9, v4;
	v8 =	vld [tilespmem:s0+$0xFFFFFF30];
	v6 =	vadd.f32 v6, v15  }
0x251: {  	v7 =	vadd.f32 v10, v7;
	v9 =	vld [tilespmem:s18+$0xFFFFFF20]  }
0x252: {  	v4 =	vadd.f32 v11, v4;
	v10 =	vld [tilespmem:s0+$0xFFFFFF20];
	v11 =	vperm.xlane v6, v3  }
0x253: {  	s2 =	sadd.s32 $0x6, s31;
	v19 =	vld [tilespmem:s18+$0xFFFFFF10]  }
0x254: {  	s2 =	sand.u32 $0x6, s2;
	v7 =	vadd.f32 v4, v7;
	v22 =	vld [tilespmem:s0+$0xFFFFFF10];
	v4 =	vadd.f32 v6, v11  }
0x255: {  	s2 =	sor.u32 s2, s7;
	v6 =	vmul.bf16 v12, v8;
	v8 =	vld [tilespmem:s18+$0xFFFFFF40]  }
0x256: {  	v12 =	vperm.xlane v7, v0;
	v11 =	vld [tilespmem:s0+$0xFFFFFF40];
	[tilespmem:s2+$0x0] =	vst.msk $0x1, v4  }
0x257: {  	v10 =	vmul.bf16 v9, v10;
	v9 =	vunpack.i.l.bf16.f32 v6;
	v4 =	vld [tilespmem:s23+$0x0]  }
0x258: {  	v17 =	vunpack.i.u.bf16.f32 v6;
	v7 =	vadd.f32 v7, v12;
	v15 =	vmul.f32 v21, v9;
	v6 =	vld [tilespmem:s23+$0xFFFFFFD0]  }
0x259: {  	v12 =	vmul.bf16 v19, v22;
	v19 =	vunpack.i.u.bf16.f32 v10;
	v9 =	vld [tilespmem:s9+$0xFFFFFFE0]  }
.Ltmp3:
0x25a: {  	v21 =	vunpack.i.l.bf16.f32 v10;
	v19 =	vmul.f32 v18, v19;
	v18 =	vperm.xlane v7, v1;
	v10 =	vld [tilespmem:s23+$0xFFFFFFE0];
	(pc) =	sbr.rel @p1 .LBB2_5-.Ltmp3, $4  }
0x25b: {  	v22 =	vunpack.i.u.bf16.f32 v12;
	v12 =	vunpack.i.l.bf16.f32 v12;
	v8 =	vmul.bf16 v8, v11;
	v11 =	vld [tilespmem:s9+$0xFFFFFFF0]  }
0x25c: {  	v21 =	vmul.f32 v20, v21;
	v24 =	vmul.f32 v16, v12;
	v16 =	vadd.f32 v7, v18;
	v12 =	vld [tilespmem:s23+$0xFFFFFFF0];
	s23 =	smov.u32 s16;
	s16 =	smov.u32 s18  }
0x25d: {  	v22 =	vmul.f32 v23, v22;
	v20 =	vunpack.i.l.bf16.f32 v8;
	v7 =	vld [tilespmem:s8+$0xFFFFFF90]  }
0x25e: {  	v23 =	vunpack.i.u.bf16.f32 v8;
	v21 =	vadd.f32 v21, v24;
	v18 =	vperm.xlane v16, v2;
	v8 =	vld [tilespmem:s8+$0xFFFFFFA0]  }
0x25f: {  	v19 =	vadd.f32 v19, v22;
	v14 =	vmul.f32 v14, v17  }
0x260: {  	v5 =	vmul.f32 v5, v23  }
0x261: {  	v13 =	vmul.f32 v13, v20;
	v15 =	vadd.f32 v15, v21;
	v14 =	vadd.f32 v14, v19;
	_ =	sdelay $0x1  }
0x262: {  	v13 =	vadd.f32 v13, v15;
	v5 =	vadd.f32 v5, v14;
	_ =	sdelay $0x1  }
0x263: {  	v5 =	vadd.f32 v5, v13;
	_ =	sdelay $0x1  }
0x264: {  	v13 =	vperm.xlane v5, v0;
	_ =	sdelay $0x1  }
0x265: {  	v5 =	vadd.f32 v5, v13;
	_ =	sdelay $0x1  }
0x266: {  	v13 =	vperm.xlane v5, v1;
	_ =	sdelay $0x1  }
0x267: {  	v5 =	vadd.f32 v5, v13;
	_ =	sdelay $0x1  }
0x268: {  	v13 =	vperm.xlane v5, v2;
	_ =	sdelay $0x1  }
0x269: {  	v5 =	vadd.f32 v5, v13;
	_ =	sdelay $0x1  }
0x26a: {  	v13 =	vperm.xlane v5, v3;
	_ =	sdelay $0x1  }
0x26b: {  	s2 =	sand.u32 $0x4, s22;
	v5 =	vadd.f32 v5, v13  }
0x26c: {  	s2 =	sor.u32 s2, s29  }
0x26d: {  	[tilespmem:s2+$0x0] =	vst.msk $0x1, v5  }
0x26e: {  	v5 =	vld [tilespmem:s15+$0xFFFFFE90]  }
0x26f: {  	v55 =	vld [tilespmem:s18+$0xFFFFFF80]  }
0x270: {  	v56 =	vld [tilespmem:s0+$0xFFFFFF70]  }
0x271: {  	v57 =	vld [tilespmem:s0+$0xFFFFFF50]  }
0x272: {  	v58 =	vld [tilespmem:s18+$0xFFFFFF60]  }
0x273: {  	v59 =	vld [tilespmem:s18+$0xFFFFFF70]  }
0x274: {  	v60 =	vld [tilespmem:s0+$0xFFFFFF60]  }
0x275: {  	v61 =	vld [tilespmem:s18+$0xFFFFFF50]  }
0x276: {  	v62 =	vld [tilespmem:s0+$0xFFFFFF80]  }
0x277: {  	v16 =	vadd.f32 v16, v18;
	v63 =	vld [tilespmem:s15+$0xFFFFFEC0]  }
0x278: {  	v30 =	vld [tilespmem:s15+$0xFFFFFEB0]  }
0x279: {  	v24 =	vperm.xlane v16, v3;
	v25 =	vld [tilespmem:s15+$0xFFFFFEA0]  }
0x27a: {  	v26 =	vld [tilespmem:s15+$0xFFFFFEE0];
	v17 =	vmul.bf16 v58, v60;
	v15 =	vmul.bf16 v61, v57  }
0x27b: {  	v16 =	vadd.f32 v16, v24;
	v31 =	vld [tilespmem:s15+$0xFFFFFED0];
	v14 =	vmul.bf16 v59, v56;
	v13 =	vmul.bf16 v55, v62  }
0x27c: {  	v32 =	vld [tilespmem:s15+$0xFFFFFF00];
	v33 =	vunpack.i.u.bf16.f32 v17;
	v17 =	vunpack.i.l.bf16.f32 v17;
	v34 =	vunpack.i.l.bf16.f32 v15  }
0x27d: {  	s22 =	sadd.s32 $0x5, s13;
	v27 =	vld [tilespmem:s15+$0xFFFFFEF0];
	v15 =	vunpack.i.u.bf16.f32 v15;
	v18 =	vmul.f32 v63, v33;
	v5 =	vmul.f32 v5, v34  }
0x27e: {  	s2 =	sand.u32 $0x5, s22;
	v35 =	vunpack.i.u.bf16.f32 v14;
	v17 =	vmul.f32 v30, v17;
	v15 =	vmul.f32 v25, v15  }
0x27f: {  	s2 =	sor.u32 s2, s10;
	v14 =	vunpack.i.l.bf16.f32 v14;
	v36 =	vunpack.i.u.bf16.f32 v13;
	v21 =	vmul.f32 v26, v35  }
0x280: {  	[tilespmem:s2+$0x0] =	vst.msk $0x1, v16;
	v14 =	vmul.f32 v31, v14;
	v5 =	vadd.f32 v17, v5;
	v15 =	vadd.f32 v18, v15  }
0x281: {  	v39 =	vld [tilespmem:s3+$0xFFFFFF90];
	v13 =	vunpack.i.l.bf16.f32 v13;
	v37 =	vmul.f32 v32, v36  }
0x282: {  	v41 =	vld [tilespmem:s3+$0xFFFFFFC0];
	v13 =	vmul.f32 v27, v13;
	v5 =	vadd.f32 v14, v5;
	v38 =	vadd.f32 v21, v15  }
0x283: {  	v16 =	vld [tilespmem:s3+$0xFFFFFFA0]  }
0x284: {  	v42 =	vld [tilespmem:s23+$0xFFFFFF90];
	v5 =	vadd.f32 v13, v5;
	v40 =	vadd.f32 v37, v38  }
0x285: {  	v43 =	vld [tilespmem:s30+$0xFFFFFF10]  }
0x286: {  	v45 =	vld [tilespmem:s23+$0xFFFFFFB0];
	v5 =	vadd.f32 v40, v5  }
0x287: {  	v46 =	vld [tilespmem:s3+$0xFFFFFFB0]  }
0x288: {  	v47 =	vld [tilespmem:s23+$0xFFFFFFA0];
	v44 =	vperm.xlane v5, v0  }
0x289: {  	v48 =	vld [tilespmem:s23+$0xFFFFFFC0]  }
0x28a: {  	v50 =	vld [tilespmem:s30+$0xFFFFFF30];
	v5 =	vadd.f32 v5, v44  }
0x28b: {  	v51 =	vld [tilespmem:s30+$0xFFFFFF20]  }
0x28c: {  	v52 =	vld [tilespmem:s30+$0xFFFFFF40];
	v19 =	vmul.bf16 v45, v46;
	v49 =	vperm.xlane v5, v1  }
0x28d: {  	v54 =	vld [tilespmem:s30+$0xFFFFFF50];
	v16 =	vmul.bf16 v47, v16  }
0x28e: {  	v57 =	vld [tilespmem:s30+$0xFFFFFF60];
	v56 =	vunpack.i.u.bf16.f32 v19;
	v13 =	vmul.bf16 v42, v39;
	v5 =	vadd.f32 v5, v49  }
0x28f: {  	v59 =	vunpack.i.l.bf16.f32 v16;
	v16 =	vunpack.i.u.bf16.f32 v16;
	v19 =	vunpack.i.l.bf16.f32 v19  }
0x290: {  	v58 =	vld [tilespmem:s30+$0xFFFFFF80];
	v61 =	vmul.f32 v50, v59;
	v53 =	vunpack.i.l.bf16.f32 v13;
	v55 =	vperm.xlane v5, v2  }
0x291: {  	v60 =	vld [tilespmem:s30+$0xFFFFFF70];
	v16 =	vmul.f32 v52, v16;
	v13 =	vunpack.i.u.bf16.f32 v13;
	v17 =	vmul.f32 v43, v53  }
0x292: {  	v14 =	vmul.bf16 v48, v41;
	v13 =	vmul.f32 v51, v13;
	v5 =	vadd.f32 v5, v55  }
0x293: {  	v24 =	vmul.f32 v54, v19;
	v26 =	vmul.f32 v57, v56;
	v15 =	vadd.f32 v61, v17  }
0x294: {  	v63 =	vunpack.i.u.bf16.f32 v14;
	v13 =	vadd.f32 v16, v13;
	v62 =	vperm.xlane v5, v3  }
0x295: {  	s25 =	sadd.s32 $0x5, s12;
	v14 =	vunpack.i.l.bf16.f32 v14;
	v27 =	vmul.f32 v58, v63;
	v15 =	vadd.f32 v24, v15  }
0x296: {  	s2 =	sand.u32 $0x5, s25;
	v14 =	vmul.f32 v60, v14;
	v13 =	vadd.f32 v26, v13;
	v5 =	vadd.f32 v5, v62  }
0x297: {  	s2 =	sor.u32 s2, s29  }
0x298: {  	v14 =	vadd.f32 v14, v15;
	v13 =	vadd.f32 v27, v13;
	[tilespmem:s2+$0x0] =	vst.msk $0x1, v5  }
0x299: {  	v5 =	vld [tilespmem:s0+$0xFFFFFF90]  }
0x29a: {  	v13 =	vadd.f32 v13, v14;
	v28 =	vld [tilespmem:s0+$0xFFFFFFC0]  }
0x29b: {  	v29 =	vld [tilespmem:s0+$0xFFFFFFA0]  }
0x29c: {  	v32 =	vperm.xlane v13, v0;
	v30 =	vld [tilespmem:s16+$0xFFFFFF90]  }
0x29d: {  	v31 =	vld [tilespmem:s15+$0xFFFFFF10]  }
0x29e: {  	v13 =	vadd.f32 v13, v32;
	v33 =	vld [tilespmem:s16+$0xFFFFFFB0]  }
0x29f: {  	v34 =	vld [tilespmem:s0+$0xFFFFFFB0]  }
0x2a0: {  	v37 =	vperm.xlane v13, v1;
	v35 =	vld [tilespmem:s16+$0xFFFFFFA0]  }
0x2a1: {  	v36 =	vld [tilespmem:s16+$0xFFFFFFC0]  }
0x2a2: {  	v13 =	vadd.f32 v13, v37;
	v38 =	vld [tilespmem:s15+$0xFFFFFF30]  }
0x2a3: {  	v39 =	vld [tilespmem:s15+$0xFFFFFF40]  }
0x2a4: {  	v40 =	vld [tilespmem:s15+$0xFFFFFF20];
	v43 =	vperm.xlane v13, v2  }
0x2a5: {  	v42 =	vld [tilespmem:s15+$0xFFFFFF50];
	v5 =	vmul.bf16 v30, v5;
	v16 =	vmul.bf16 v35, v29  }
0x2a6: {  	v44 =	vld [tilespmem:s15+$0xFFFFFF60];
	v19 =	vmul.bf16 v33, v34;
	v15 =	vmul.bf16 v36, v28  }
0x2a7: {  	v45 =	vld [tilespmem:s15+$0xFFFFFF80];
	v41 =	vunpack.i.l.bf16.f32 v5;
	v46 =	vunpack.i.l.bf16.f32 v16;
	v5 =	vunpack.i.u.bf16.f32 v5  }
0x2a8: {  	v47 =	vld [tilespmem:s15+$0xFFFFFF70];
	v16 =	vunpack.i.u.bf16.f32 v16;
	v17 =	vmul.f32 v31, v41;
	v20 =	vmul.f32 v38, v46  }
0x2a9: {  	v49 =	vunpack.i.l.bf16.f32 v19;
	v5 =	vmul.f32 v40, v5;
	v14 =	vmul.f32 v39, v16  }
0x2aa: {  	v48 =	vunpack.i.u.bf16.f32 v19;
	v50 =	vunpack.i.u.bf16.f32 v15;
	v16 =	vmul.f32 v42, v49  }
0x2ab: {  	v51 =	vmul.f32 v44, v48;
	v17 =	vadd.f32 v20, v17;
	v5 =	vadd.f32 v14, v5  }
0x2ac: {  	v52 =	vld [tilespmem:s8+$0xFFFFFFB0];
	v13 =	vadd.f32 v13, v43;
	v15 =	vunpack.i.l.bf16.f32 v15;
	v53 =	vmul.f32 v45, v50  }
0x2ad: {  	v54 =	vld [tilespmem:s8+$0xFFFFFFC0];
	v15 =	vmul.f32 v47, v15;
	v16 =	vadd.f32 v16, v17;
	v5 =	vadd.f32 v51, v5  }
0x2ae: {  	v56 =	vld [tilespmem:s9+$0xFFFFFFD0]  }
0x2af: {  	v59 =	vld [tilespmem:s8+$0x0];
	v57 =	vperm.xlane v13, v3;
	v15 =	vadd.f32 v15, v16;
	v5 =	vadd.f32 v53, v5  }
0x2b0: {  	s28 =	sadd.s32 $0x6, s13;
	v58 =	vld [tilespmem:s8+$0xFFFFFFF0]  }
0x2b1: {  	v60 =	vld [tilespmem:s8+$0xFFFFFFE0];
	s2 =	sand.u32 $0x6, s28;
	v13 =	vadd.f32 v13, v57;
	v5 =	vadd.f32 v5, v15  }
0x2b2: {  	v61 =	vld [tilespmem:s8+$0xFFFFFFD0];
	s2 =	sor.u32 s2, s10  }
0x2b3: {  	v55 =	vld [tilespmem:s9+$0x0];
	[tilespmem:s2+$0x0] =	vst.msk $0x1, v13;
	v62 =	vperm.xlane v5, v0  }
0x2b4: {  	v63 =	vld [tilespmem:s23+$0x0]  }
0x2b5: {  	v36 =	vld [tilespmem:s23+$0xFFFFFFD0];
	v5 =	vadd.f32 v5, v62  }
0x2b6: {  	v37 =	vld [tilespmem:s3+$0xFFFFFFE0]  }
0x2b7: {  	v38 =	vld [tilespmem:s23+$0xFFFFFFE0];
	v39 =	vperm.xlane v5, v1  }
0x2b8: {  	v40 =	vld [tilespmem:s3+$0xFFFFFFF0]  }
0x2b9: {  	v41 =	vld [tilespmem:s23+$0xFFFFFFF0];
	v5 =	vadd.f32 v5, v39  }
0x2ba: {  	v42 =	vld [tilespmem:s30+$0xFFFFFF90]  }
0x2bb: {  	v28 =	vld [tilespmem:s30+$0xFFFFFFA0];
	v29 =	vperm.xlane v5, v2  }
0x2bc: {  	v30 =	vld [tilespmem:s30+$0xFFFFFFB0]  }
0x2bd: {  	v43 =	vld [tilespmem:s30+$0xFFFFFFC0];
	v5 =	vadd.f32 v5, v29  }
0x2be: {  	v9 =	vmul.bf16 v10, v9;
	v44 =	vld [tilespmem:s3+$0x0]  }
0x2bf: {  	v6 =	vmul.bf16 v6, v56;
	v45 =	vld [tilespmem:s3+$0xFFFFFFD0];
	v32 =	vperm.xlane v5, v3  }
0x2c0: {  	v11 =	vmul.bf16 v12, v11;
	s9 =	sadd.s32 $0x6, s12;
	v4 =	vmul.bf16 v4, v55;
	v31 =	vunpack.i.u.bf16.f32 v9;
	v47 =	vld [tilespmem:s30+$0xFFFFFFF0]  }
0x2c1: {  	v48 =	vunpack.i.u.bf16.f32 v6;
	s2 =	sand.u32 $0x6, s9;
	v6 =	vunpack.i.l.bf16.f32 v6;
	v49 =	vld [tilespmem:s30+$0x0];
	v5 =	vadd.f32 v5, v32  }
0x2c2: {  	v9 =	vunpack.i.l.bf16.f32 v9;
	v46 =	vmul.f32 v54, v31;
	v8 =	vmul.f32 v8, v48;
	v50 =	vld [tilespmem:s30+$0xFFFFFFE0];
	s2 =	sor.u32 s2, s29  }
0x2c3: {  	v6 =	vmul.f32 v7, v6;
	v54 =	vunpack.i.u.bf16.f32 v4;
	v4 =	vunpack.i.l.bf16.f32 v4;
	[tilespmem:s2+$0x0] =	vst.msk $0x1, v5;
	v5 =	vld [tilespmem:s30+$0xFFFFFFD0]  }
0x2c4: {  	v14 =	vmul.f32 v59, v54;
	v51 =	vmul.f32 v52, v9;
	v52 =	vunpack.i.u.bf16.f32 v11;
	v53 =	vld [tilespmem:s16+$0x0]  }
0x2c5: {  	v8 =	vadd.f32 v46, v8;
	v11 =	vunpack.i.l.bf16.f32 v11;
	v9 =	vmul.f32 v60, v52;
	v55 =	vld [tilespmem:s16+$0xFFFFFFD0]  }
0x2c6: {  	v4 =	vmul.f32 v58, v4;
	v11 =	vmul.f32 v61, v11;
	v6 =	vadd.f32 v51, v6;
	v56 =	vld [tilespmem:s0+$0xFFFFFFE0]  }
0x2c7: {  	v57 =	vmul.bf16 v38, v37;
	v61 =	vmul.bf16 v41, v40;
	v8 =	vadd.f32 v9, v8;
	v58 =	vld [tilespmem:s16+$0xFFFFFFE0]  }
0x2c8: {  	v59 =	vmul.bf16 v63, v44;
	v6 =	vadd.f32 v11, v6;
	v60 =	vld [tilespmem:s0+$0xFFFFFFF0]  }
0x2c9: {  	v34 =	vunpack.i.u.bf16.f32 v61;
	v11 =	vunpack.i.l.bf16.f32 v57;
	v8 =	vadd.f32 v14, v8;
	v63 =	vld [tilespmem:s16+$0xFFFFFFF0]  }
0x2ca: {  	v14 =	vunpack.i.u.bf16.f32 v59;
	v17 =	vmul.f32 v50, v34;
	v29 =	vmul.bf16 v36, v45;
	v33 =	vld [tilespmem:s15+$0xFFFFFF90]  }
0x2cb: {  	v11 =	vmul.f32 v30, v11;
	v4 =	vadd.f32 v4, v6;
	v14 =	vmul.f32 v49, v14;
	v35 =	vld [tilespmem:s0+$0xFFFFFFD0]  }
0x2cc: {  	v6 =	vunpack.i.l.bf16.f32 v61;
	v62 =	vunpack.i.u.bf16.f32 v57;
	v23 =	vunpack.i.u.bf16.f32 v29;
	v37 =	vld [tilespmem:s0+$0x0]  }
0x2cd: {  	v10 =	vmul.f32 v43, v62;
	v16 =	vunpack.i.l.bf16.f32 v29;
	v23 =	vmul.f32 v28, v23;
	v36 =	vld [tilespmem:s15+$0xFFFFFFC0]  }
0x2ce: {  	v4 =	vadd.f32 v8, v4;
	v38 =	vmul.f32 v42, v16;
	v32 =	vunpack.i.l.bf16.f32 v59;
	v39 =	vld [tilespmem:s15+$0xFFFFFFA0]  }
0x2cf: {  	v19 =	vmul.f32 v47, v32;
	v10 =	vadd.f32 v10, v23;
	v40 =	vld [tilespmem:s15+$0xFFFFFFB0];
	v5 =	vmul.f32 v5, v6  }
0x2d0: {  	v41 =	vadd.f32 v11, v38;
	v42 =	vld [tilespmem:s15+$0xFFFFFFE0];
	v9 =	vmul.bf16 v58, v56;
	v7 =	vmul.bf16 v55, v35  }
0x2d1: {  	v10 =	vadd.f32 v17, v10;
	v45 =	vld [tilespmem:s15+$0xFFFFFFD0];
	v43 =	vmul.bf16 v63, v60;
	v12 =	vmul.bf16 v53, v37  }
0x2d2: {  	v46 =	vld [tilespmem:s15+$0xFFFFFFF0];
	v44 =	vunpack.i.u.bf16.f32 v9;
	v20 =	vunpack.i.u.bf16.f32 v7;
	v7 =	vunpack.i.l.bf16.f32 v7  }
0x2d3: {  	v47 =	vld [tilespmem:s15+$0x0];
	v9 =	vunpack.i.l.bf16.f32 v9;
	v15 =	vmul.f32 v36, v44;
	v16 =	vmul.f32 v39, v20  }
0x2d4: {  	v48 =	vunpack.i.u.bf16.f32 v43;
	v7 =	vmul.f32 v33, v7;
	v9 =	vmul.f32 v40, v9  }
0x2d5: {  	v11 =	vunpack.i.l.bf16.f32 v43;
	v49 =	vunpack.i.l.bf16.f32 v12;
	v8 =	vmul.f32 v42, v48  }
0x2d6: {  	v11 =	vmul.f32 v45, v11;
	v15 =	vadd.f32 v15, v16;
	v7 =	vadd.f32 v9, v7  }
0x2d7: {  	v5 =	vadd.f32 v5, v41;
	v50 =	vunpack.i.u.bf16.f32 v12;
	v51 =	vmul.f32 v46, v49  }
0x2d8: {  	v6 =	vmul.f32 v47, v50;
	v8 =	vadd.f32 v8, v15;
	v7 =	vadd.f32 v11, v7  }
0x2d9: {  	v10 =	vadd.f32 v14, v10;
	v5 =	vadd.f32 v19, v5  }
0x2da: {  	v6 =	vadd.f32 v6, v8;
	v7 =	vadd.f32 v51, v7  }
0x2db: {  	v5 =	vadd.f32 v10, v5  }
0x2dc: {  	v52 =	vperm.xlane v4, v0;
	v6 =	vadd.f32 v6, v7  }
0x2dd: {  	v53 =	vperm.xlane v5, v0  }
0x2de: {  	v4 =	vadd.f32 v4, v52;
	v54 =	vperm.xlane v6, v0  }
0x2df: {  	v5 =	vadd.f32 v5, v53  }
0x2e0: {  	v55 =	vperm.xlane v4, v1;
	v6 =	vadd.f32 v6, v54  }
0x2e1: {  	v56 =	vperm.xlane v5, v1  }
0x2e2: {  	v4 =	vadd.f32 v4, v55;
	v57 =	vperm.xlane v6, v1  }
0x2e3: {  	v5 =	vadd.f32 v5, v56  }
0x2e4: {  	v58 =	vperm.xlane v4, v2;
	v6 =	vadd.f32 v6, v57  }
0x2e5: {  	v59 =	vperm.xlane v5, v2  }
0x2e6: {  	v4 =	vadd.f32 v4, v58;
	v60 =	vperm.xlane v6, v2  }
0x2e7: {  	v5 =	vadd.f32 v5, v59  }
0x2e8: {  	v61 =	vperm.xlane v4, v3;
	v6 =	vadd.f32 v6, v60  }
0x2e9: {  	s16 =	sadd.s32 $0xFFFFFFFF, s31;
	v62 =	vperm.xlane v5, v3  }
0x2ea: {  	s21 =	sadd.s32 $0xFFFFFFFF, s12;
	s18 =	sadd.s32 $0xFFFFFFFF, s13;
	s0 =	sand.u32 $0x7, s16;
	v4 =	vadd.f32 v4, v61;
	v63 =	vperm.xlane v6, v3  }
.Ltmp4:
0x2eb: {  	s2 =	sand.u32 $0x7, s18;
	s0 =	sor.u32 s0, s7;
	v5 =	vadd.f32 v5, v62;
	(pc) =	sbr.rel @p0 .LBB2_8-.Ltmp4, $4  }
0x2ec: {  	s25 =	sadd.s32 s19, s11;
	s23 =	sand.u32 $0x7, s21;
	s22 =	sor.u32 s2, s10;
	[tilespmem:s0+$0x0] =	vst.msk $0x1, v4;
	v4 =	vadd.f32 v6, v63  }
0x2ed: {  	s28 =	sor.u32 s23, s29;
	s29 =	sshrl.u32 s25, $0x3;
	[tilespmem:s22+$0x0] =	vst.msk $0x1, v5  }
0x2ee: {  	s30 =	sadd.s32 s4, s29;
	s31 =	simm.s32 $0x1DEF8;
	s22 =	smov.u32 s4;
	[tilespmem:s28+$0x0] =	vst.msk $0x1, v4  }
0x2ef: {  	[hbm4b:s30+s5] =	stream.linear.scatter [tilespmem:s31], [sflag:$0x4], $0xC8, $0x38;
	[tilespmem:$0x1DFD0] =	vst v63  }
0x2f0: {  	s0 =	sadd.s32 $0x258, s19;
	s2 =	simm.s32 $0x8020  }
0x2f1: {  	[tilespmem:s2], [sflag:$0x2] =	stream.indirect.gather [hbm4b:s1+s14], $0x40, s0, s14, $0xb8;
	[tilespmem:$0x1DFD0] =	vst v63  }
0x2f2: {  	s13 =	sadd.s32 $0x2968, s19;
	s3 =	simm.s32 $0xE420  }
0x2f3: {  	[tilespmem:s3], [sflag:$0x2] =	stream.indirect.gather [hbm4b:s1+s14], $0x40, s13, s14, $0xb8;
	[tilespmem:$0x1DFD0] =	vst v63  }
0x2f4: {  	s15 =	sadd.s32 $0x2A8, s19;
	s16 =	simm.s32 $0x9420  }
0x2f5: {  	[tilespmem:s16], [sflag:$0x2] =	stream.indirect.gather [hbm4b:s1+s14], $0x40, s15, s14, $0xb8;
	[tilespmem:$0x1DFD0] =	vst v63  }
0x2f6: {  	s18 =	sadd.s32 $0x29B8, s19;
	s21 =	simm.s32 $0xF820  }
0x2f7: {  	[tilespmem:s21], [sflag:$0x2] =	stream.indirect.gather [hbm4b:s1+s14], $0x40, s18, s14, $0xb8;
	[tilespmem:$0x1DFD0] =	vst v63  }
0x2f8: {  	s23 =	sadd.s32 $0x2F8, s19;
	s25 =	simm.s32 $0xA820;
	s0 =	sadd.s32 s6, s0  }
0x2f9: {  	[tilespmem:s25], [sflag:$0x2] =	stream.indirect.gather [hbm4b:s1+s20], $0x40, s23, s20, $0xb8;
	[tilespmem:$0x1DFD0] =	vst v63  }
.Ltmp5:
0x2fa: {  	s28 =	sadd.s32 $0x2A08, s19;
	s0 =	sshll.u32 s0, $0x4;
	(pc) =	sbr.rel .LBB2_2-.Ltmp5, $4  }
0x2fb: {  	s29 =	simm.s32 $0x10C20;
	s30 =	rddreg [dreg:$0x1];
	s0 =	sand.u32 $0x1FFFFF80, s0  }
0x2fc: {  	[tilespmem:s29], [sflag:$0x2] =	stream.indirect.gather [hbm4b:s1+s20], $0x40, s28, s20, $0xb8;
	[tilespmem:$0x1DFD0] =	vst v63  }
0x2fd: {  	s31 =	simm.s32 $0x17A20;
	s17 =	sadd.s32 $0x1, s17;
	s0 =	sadd.s32 s30, s0  }
0x2fe: {  	[tilespmem:s31], [sflag:$0x2] =	stream.linear.gather [hbm4b:s0+s5], $0x6400, $0x38;
	[tilespmem:$0x1DFD0] =	vst v63  }
.LBB2_9:
0x2ff: {  	_ =	sfence.sel $0x180000  }
0x300: {  	[bflag:$0x0] =	sbarrier.arrive $0xFFFF  }
0x301: {  	_ =	strace $0x90000047  }
0x302: {  	s0 =	stileid.u32;
	[bflag:$0x2] =	sbarrier.arrive $0xFFFF  }
0x303: {  	p0 =	sne.s32 s0, $0x0;
	s0 =	rddreg [dreg:$0x5]  }
0x304: {  	s0 =	sadd.s32 @!p0 $0x100000, s0  }
0x305: {  	[sflag:s0] =	ssyncadd.tile.s32 @!p0 $0x1;
	_ =	shalt  }
.Lfunc_end2:
_tile_overlayer_lowered:
.L_overlay_start_2:
0x306: {  	(tag) =	ssettag $0x2  }
0x307: {  	s0 =	rddreg [dreg:$0x0];
	s2 =	stileid.u32  }
0x308: {  	s1 =	rddreg [dreg:$0x1];
	p0 =	sne.s32 s2, $0x0  }
0x309: {  	s3 =	rddreg [dreg:$0x2];
	[bflag:$0x3] =	sbarrier.arrive $0xFFFF;
	s2 =	simm.s32 @!p0 $0x1C05  }
0x30a: {  	[timem:s3], [sflag:s2] =	dma.local @!p0 [hbm:s0], s1  }
0x30b: {  	s0 =	simm.s32 @!p0 $0x5  }
0x30c: {  	_ =	swait.ge @!p0 [sflag:s0], s1  }
0x30d: {  	s1 =	ssub.s32 @!p0 $0x0, s1;
	[sflag:s0] =	ssyncset.done @!p0 $0x0  }
0x30e: {  	[sflag:s0] =	ssyncadd.s32 @!p0 s1  }
0x30f: {  	[bflag:$0x3] =	sbarrier.arrive $0xFFFF  }
0x310: {  	_ =	shalt  }

</sc_bundles>
